<compile_context>
chip_gen: v7x
topology: tpu7x:2x2x1
jax: 0.10.2.dev20260603
libtpu: 0.0.44.dev20260713+nightly
codegen_flags: <defaults>
</compile_context>

<pallas_src>
import functools

import jax
import jax.numpy as jnp
from jax import lax
from jax.experimental import pallas as pl
from jax.experimental.pallas import tpu as pltpu
from jax.experimental.pallas import tpu_sc as plsc

_SUB = 32
_NBUF = 3


def kernel(inputs, pos_embedding):
    B, S = inputs.shape
    P, D = pos_embedding.shape

    info = plsc.get_sparse_core_info()
    NC, NS = info.num_cores, info.num_subcores
    NW = NC * NS
    RPW = S // NW
    NSUB = RPW // _SUB

    mesh = plsc.VectorSubcoreMesh(core_axis_name="c", subcore_axis_name="s")

    @functools.partial(
        pl.kernel,
        mesh=mesh,
        out_type=jax.ShapeDtypeStruct((B, S, D), pos_embedding.dtype),
        scratch_types=[
            pltpu.VMEM((_NBUF, _SUB, D), pos_embedding.dtype),
            pltpu.SemaphoreType.DMA((_NBUF,)),
            pltpu.SemaphoreType.DMA((_NBUF,)),
        ],
    )
    def sc_copy(table_hbm, out_hbm, buf, insem, outsem):
        wid = lax.axis_index("s") * NC + lax.axis_index("c")
        base = wid * RPW

        def in_copy(j):
            return pltpu.make_async_copy(
                table_hbm.at[pl.ds(base + j * _SUB, _SUB), :],
                buf.at[j % _NBUF],
                insem.at[j % _NBUF],
            )

        def out_copies(j):
            return [
                pltpu.make_async_copy(
                    buf.at[j % _NBUF],
                    out_hbm.at[b, pl.ds(base + j * _SUB, _SUB), :],
                    outsem.at[j % _NBUF],
                )
                for b in range(B)
            ]

        pending = {}
        in_copy(0).start()
        for j in range(NSUB):
            nxt = j + 1
            if nxt < NSUB:
                prev = nxt - _NBUF
                if prev >= 0:
                    for c in pending.pop(prev):
                        c.wait()
                in_copy(nxt).start()
            in_copy(j).wait()
            cs = out_copies(j)
            for c in cs:
                c.start()
            pending[j] = cs
        for j in sorted(pending):
            for c in pending[j]:
                c.wait()

    return sc_copy(pos_embedding)

# --- scband reference (transcript-rebuilt; emitter-appended) ---
"""Pipeline reference for scband-positional-encoding-6871947674340 (READ-ONLY COPY).

The authoritative reference and input builder live on the scoring server;
editing this copy changes nothing except your own understanding.
"""

import jax, jax.numpy as jnp
import numpy as np

D_MODEL = 1024
MAX_POS = 8192
BATCH = 4
SEQ_LEN = 8192


def setup_inputs(seed: int = 0) -> dict:
    key = jax.random.key(seed)
    k1, k2 = jax.random.split(key)
    inputs = jax.random.randint(k1, (BATCH, SEQ_LEN), 0, MAX_POS, dtype=jnp.int64 if jax.config.jax_enable_x64 else jnp.int32)
    pos_embedding = jax.random.normal(k2, (MAX_POS, D_MODEL), dtype=jnp.float32)
    return {"inputs": inputs, "pos_embedding": pos_embedding}


def reference(inputs, pos_embedding):
    # Faithful translation of PositionalEncoding.forward
    seq_len = inputs.shape[1]
    pos = jnp.arange(seq_len, dtype=inputs.dtype)  # [S]
    pos = jnp.broadcast_to(pos[None, :], inputs.shape)  # expand_as(inputs) -> [B, S]
    out = jnp.take(pos_embedding, pos, axis=0)  # embedding lookup -> [B, S, d_model]
    return out

if __name__ == "__main__":
    import jax
    _d = setup_inputs()
    print(jax.jit(kernel)(*tuple(_d.values())))

</pallas_src>

<mosaic_0001>
#map = affine_map<(d0, d1) -> (0, 0)>
#map1 = affine_map<(d0, d1) -> (0, 0, 0)>
module attributes {stable_mosaic.version = 14 : i64} {
  func.func @sc_copy(%arg0: i32, %arg1: i32, %arg2: memref<8192x1024xf32, #tpu.memory_space<hbm>>, %arg3: memref<4x8192x1024xf32, #tpu.memory_space<hbm>>, %arg4: memref<3x32x1024xf32, #tpu.memory_space<vmem>>, %arg5: memref<3x!tpu.dma_semaphore, #tpu.memory_space<semaphore_mem>>, %arg6: memref<3x!tpu.dma_semaphore, #tpu.memory_space<semaphore_mem>>) attributes {dimension_semantics = [#tpu.dimension_semantics<core_parallel>, #tpu.dimension_semantics<subcore_parallel>], iteration_bounds = array<i64: 2, 16>, scalar_prefetch = 0 : i64, scratch_operands = 3 : i64, tpu.core_type = #tpu.core_type<sc_vector_subcore>, window_params = [{transform_indices = #map}, {transform_indices = #map1}]} {
    %mul3A = arith.constant 2 : i32
    %mul3A_0 = arith.muli %arg1, %mul3A : i32
    %add3A = arith.addi %mul3A_0, %arg0 : i32
    %mul3A_1 = arith.constant 256 : i32
    %mul3A_2 = arith.muli %add3A, %mul3A_1 : i32
    %add3A_3 = arith.constant 0 : i32
    %add3A_4 = arith.addi %mul3A_2, %add3A_3 : i32
    %dma_start3A = arith.constant 0 : i32
    %dma_start3A_5 = arith.constant 0 : i32
    %dma_start3A_6 = arith.constant 0 : i32
    %dma_start3A_7 = arith.constant 0 : i32
    %dma_start3A_8 = tpu.memref_slice %arg4[%dma_start3A, %dma_start3A_6, %dma_start3A_7] : memref<3x32x1024xf32, #tpu.memory_space<vmem>> -> memref<1x32x1024xf32, #tpu.memory_space<vmem>>
    %dma_start3A_9 = tpu.memref_squeeze %dma_start3A_8 : memref<1x32x1024xf32, #tpu.memory_space<vmem>> -> memref<32x1024xf32, #tpu.memory_space<vmem>>
    %dma_start3A_10 = arith.constant 0 : i32
    %dma_start3A_11 = tpu.memref_slice %arg2[%add3A_4, %dma_start3A_10] : memref<8192x1024xf32, #tpu.memory_space<hbm>> -> memref<32x1024xf32, #tpu.memory_space<hbm>>
    %dma_start3A_12 = tpu.memref_slice %arg5[%dma_start3A_5] : memref<3x!tpu.dma_semaphore, #tpu.memory_space<semaphore_mem>> -> memref<1x!tpu.dma_semaphore, #tpu.memory_space<semaphore_mem>>
    %dma_start3A_13 = tpu.memref_squeeze %dma_start3A_12 : memref<1x!tpu.dma_semaphore, #tpu.memory_space<semaphore_mem>> -> memref<!tpu.dma_semaphore, #tpu.memory_space<semaphore_mem>>
    %dma_start3A_14 = arith.constant 0 : i32
    %dma_start3A_15 = arith.constant 0 : i32
    %dma_start3A_16 = tpu.memref_slice %arg4[%dma_start3A, %dma_start3A_14, %dma_start3A_15] : memref<3x32x1024xf32, #tpu.memory_space<vmem>> -> memref<1x32x1024xf32, #tpu.memory_space<vmem>>
    %dma_start3A_17 = tpu.memref_squeeze %dma_start3A_16 : memref<1x32x1024xf32, #tpu.memory_space<vmem>> -> memref<32x1024xf32, #tpu.memory_space<vmem>>
    %dma_start3A_18 = arith.constant 0 : i32
    %dma_start3A_19 = tpu.memref_slice %arg2[%add3A_4, %dma_start3A_18] : memref<8192x1024xf32, #tpu.memory_space<hbm>> -> memref<32x1024xf32, #tpu.memory_space<hbm>>
    tpu.enqueue_dma source(%dma_start3A_19 : memref<32x1024xf32, #tpu.memory_space<hbm>>) target(%dma_start3A_17 : memref<32x1024xf32, #tpu.memory_space<vmem>>) target_semaphore(%dma_start3A_13 : memref<!tpu.dma_semaphore, #tpu.memory_space<semaphore_mem>>)
    %add3A_20 = arith.constant 32 : i32
    %add3A_21 = arith.addi %mul3A_2, %add3A_20 : i32
    %dma_start3A_22 = arith.constant 1 : i32
    %dma_start3A_23 = arith.constant 1 : i32
    %dma_start3A_24 = arith.constant 0 : i32
    %dma_start3A_25 = arith.constant 0 : i32
    %dma_start3A_26 = tpu.memref_slice %arg4[%dma_start3A_22, %dma_start3A_24, %dma_start3A_25] : memref<3x32x1024xf32, #tpu.memory_space<vmem>> -> memref<1x32x1024xf32, #tpu.memory_space<vmem>>
    %dma_start3A_27 = tpu.memref_squeeze %dma_start3A_26 : memref<1x32x1024xf32, #tpu.memory_space<vmem>> -> memref<32x1024xf32, #tpu.memory_space<vmem>>
    %dma_start3A_28 = arith.constant 0 : i32
    %dma_start3A_29 = tpu.memref_slice %arg2[%add3A_21, %dma_start3A_28] : memref<8192x1024xf32, #tpu.memory_space<hbm>> -> memref<32x1024xf32, #tpu.memory_space<hbm>>
    %dma_start3A_30 = tpu.memref_slice %arg5[%dma_start3A_23] : memref<3x!tpu.dma_semaphore, #tpu.memory_space<semaphore_mem>> -> memref<1x!tpu.dma_semaphore, #tpu.memory_space<semaphore_mem>>
    %dma_start3A_31 = tpu.memref_squeeze %dma_start3A_30 : memref<1x!tpu.dma_semaphore, #tpu.memory_space<semaphore_mem>> -> memref<!tpu.dma_semaphore, #tpu.memory_space<semaphore_mem>>
    %dma_start3A_32 = arith.constant 0 : i32
    %dma_start3A_33 = arith.constant 0 : i32
    %dma_start3A_34 = tpu.memref_slice %arg4[%dma_start3A_22, %dma_start3A_32, %dma_start3A_33] : memref<3x32x1024xf32, #tpu.memory_space<vmem>> -> memref<1x32x1024xf32, #tpu.memory_space<vmem>>
    %dma_start3A_35 = tpu.memref_squeeze %dma_start3A_34 : memref<1x32x1024xf32, #tpu.memory_space<vmem>> -> memref<32x1024xf32, #tpu.memory_space<vmem>>
    %dma_start3A_36 = arith.constant 0 : i32
    %dma_start3A_37 = tpu.memref_slice %arg2[%add3A_21, %dma_start3A_36] : memref<8192x1024xf32, #tpu.memory_space<hbm>> -> memref<32x1024xf32, #tpu.memory_space<hbm>>
    tpu.enqueue_dma source(%dma_start3A_37 : memref<32x1024xf32, #tpu.memory_space<hbm>>) target(%dma_start3A_35 : memref<32x1024xf32, #tpu.memory_space<vmem>>) target_semaphore(%dma_start3A_31 : memref<!tpu.dma_semaphore, #tpu.memory_space<semaphore_mem>>)
    %add3A_38 = arith.constant 0 : i32
    %add3A_39 = arith.addi %mul3A_2, %add3A_38 : i32
    %dma_wait3A = arith.constant 0 : i32
    %dma_wait3A_40 = arith.constant 0 : i32
    %dma_wait3A_41 = arith.constant 0 : i32
    %dma_wait3A_42 = arith.constant 0 : i32
    %dma_wait3A_43 = tpu.memref_slice %arg4[%dma_wait3A, %dma_wait3A_41, %dma_wait3A_42] : memref<3x32x1024xf32, #tpu.memory_space<vmem>> -> memref<1x32x1024xf32, #tpu.memory_space<vmem>>
    %dma_wait3A_44 = tpu.memref_squeeze %dma_wait3A_43 : memref<1x32x1024xf32, #tpu.memory_space<vmem>> -> memref<32x1024xf32, #tpu.memory_space<vmem>>
    %dma_wait3A_45 = arith.constant 0 : i32
    %dma_wait3A_46 = tpu.memref_slice %arg2[%add3A_39, %dma_wait3A_45] : memref<8192x1024xf32, #tpu.memory_space<hbm>> -> memref<32x1024xf32, #tpu.memory_space<hbm>>
    %dma_wait3A_47 = tpu.memref_slice %arg5[%dma_wait3A_40] : memref<3x!tpu.dma_semaphore, #tpu.memory_space<semaphore_mem>> -> memref<1x!tpu.dma_semaphore, #tpu.memory_space<semaphore_mem>>
    %dma_wait3A_48 = tpu.memref_squeeze %dma_wait3A_47 : memref<1x!tpu.dma_semaphore, #tpu.memory_space<semaphore_mem>> -> memref<!tpu.dma_semaphore, #tpu.memory_space<semaphore_mem>>
    %dma_wait3A_49 = arith.constant 0 : i32
    %dma_wait3A_50 = arith.constant 0 : i32
    %dma_wait3A_51 = tpu.memref_slice %arg4[%dma_wait3A, %dma_wait3A_49, %dma_wait3A_50] : memref<3x32x1024xf32, #tpu.memory_space<vmem>> -> memref<1x32x1024xf32, #tpu.memory_space<vmem>>
    %dma_wait3A_52 = tpu.memref_squeeze %dma_wait3A_51 : memref<1x32x1024xf32, #tpu.memory_space<vmem>> -> memref<32x1024xf32, #tpu.memory_space<vmem>>
    %dma_wait3A_53 = arith.constant 0 : i32
    %dma_wait3A_54 = tpu.memref_slice %arg2[%add3A_39, %dma_wait3A_53] : memref<8192x1024xf32, #tpu.memory_space<hbm>> -> memref<32x1024xf32, #tpu.memory_space<hbm>>
    tpu.wait_dma2 semaphore(%dma_wait3A_48 : memref<!tpu.dma_semaphore, #tpu.memory_space<semaphore_mem>>) src(%dma_wait3A_54 : memref<32x1024xf32, #tpu.memory_space<hbm>>) dst(%dma_wait3A_52 : memref<32x1024xf32, #tpu.memory_space<vmem>>)
    %add3A_55 = arith.constant 0 : i32
    %add3A_56 = arith.addi %mul3A_2, %add3A_55 : i32
    %add3A_57 = arith.constant 0 : i32
    %add3A_58 = arith.addi %mul3A_2, %add3A_57 : i32
    %add3A_59 = arith.constant 0 : i32
    %add3A_60 = arith.addi %mul3A_2, %add3A_59 : i32
    %add3A_61 = arith.constant 0 : i32
    %add3A_62 = arith.addi %mul3A_2, %add3A_61 : i32
    %dma_start3A_63 = arith.constant 0 : i32
    %dma_start3A_64 = arith.constant 0 : i32
    %dma_start3A_65 = arith.constant 0 : i32
    %dma_start3A_66 = arith.constant 0 : i32
    %dma_start3A_67 = arith.constant 0 : i32
    %dma_start3A_68 = tpu.memref_slice %arg4[%dma_start3A_63, %dma_start3A_66, %dma_start3A_67] : memref<3x32x1024xf32, #tpu.memory_space<vmem>> -> memref<1x32x1024xf32, #tpu.memory_space<vmem>>
    %dma_start3A_69 = tpu.memref_squeeze %dma_start3A_68 : memref<1x32x1024xf32, #tpu.memory_space<vmem>> -> memref<32x1024xf32, #tpu.memory_space<vmem>>
    %dma_start3A_70 = arith.constant 0 : i32
    %dma_start3A_71 = tpu.memref_slice %arg3[%dma_start3A_64, %add3A_56, %dma_start3A_70] : memref<4x8192x1024xf32, #tpu.memory_space<hbm>> -> memref<1x32x1024xf32, #tpu.memory_space<hbm>>
    %dma_start3A_72 = tpu.memref_squeeze %dma_start3A_71 : memref<1x32x1024xf32, #tpu.memory_space<hbm>> -> memref<32x1024xf32, #tpu.memory_space<hbm>>
    %dma_start3A_73 = tpu.memref_slice %arg6[%dma_start3A_65] : memref<3x!tpu.dma_semaphore, #tpu.memory_space<semaphore_mem>> -> memref<1x!tpu.dma_semaphore, #tpu.memory_space<semaphore_mem>>
    %dma_start3A_74 = tpu.memref_squeeze %dma_start3A_73 : memref<1x!tpu.dma_semaphore, #tpu.memory_space<semaphore_mem>> -> memref<!tpu.dma_semaphore, #tpu.memory_space<semaphore_mem>>
    %dma_start3A_75 = arith.constant 0 : i32
    %dma_start3A_76 = tpu.memref_slice %arg3[%dma_start3A_64, %add3A_56, %dma_start3A_75] : memref<4x8192x1024xf32, #tpu.memory_space<hbm>> -> memref<1x32x1024xf32, #tpu.memory_space<hbm>>
    %dma_start3A_77 = tpu.memref_squeeze %dma_start3A_76 : memref<1x32x1024xf32, #tpu.memory_space<hbm>> -> memref<32x1024xf32, #tpu.memory_space<hbm>>
    %dma_start3A_78 = arith.constant 0 : i32
    %dma_start3A_79 = arith.constant 0 : i32
    %dma_start3A_80 = tpu.memref_slice %arg4[%dma_start3A_63, %dma_start3A_78, %dma_start3A_79] : memref<3x32x1024xf32, #tpu.memory_space<vmem>> -> memref<1x32x1024xf32, #tpu.memory_space<vmem>>
    %dma_start3A_81 = tpu.memref_squeeze %dma_start3A_80 : memref<1x32x1024xf32, #tpu.memory_space<vmem>> -> memref<32x1024xf32, #tpu.memory_space<vmem>>
    tpu.enqueue_dma source(%dma_start3A_81 : memref<32x1024xf32, #tpu.memory_space<vmem>>) target(%dma_start3A_77 : memref<32x1024xf32, #tpu.memory_space<hbm>>) target_semaphore(%dma_start3A_74 : memref<!tpu.dma_semaphore, #tpu.memory_space<semaphore_mem>>)
    %dma_start3A_82 = arith.constant 0 : i32
    %dma_start3A_83 = arith.constant 1 : i32
    %dma_start3A_84 = arith.constant 0 : i32
    %dma_start3A_85 = arith.constant 0 : i32
    %dma_start3A_86 = arith.constant 0 : i32
    %dma_start3A_87 = tpu.memref_slice %arg4[%dma_start3A_82, %dma_start3A_85, %dma_start3A_86] : memref<3x32x1024xf32, #tpu.memory_space<vmem>> -> memref<1x32x1024xf32, #tpu.memory_space<vmem>>
    %dma_start3A_88 = tpu.memref_squeeze %dma_start3A_87 : memref<1x32x1024xf32, #tpu.memory_space<vmem>> -> memref<32x1024xf32, #tpu.memory_space<vmem>>
    %dma_start3A_89 = arith.constant 0 : i32
    %dma_start3A_90 = tpu.memref_slice %arg3[%dma_start3A_83, %add3A_58, %dma_start3A_89] : memref<4x8192x1024xf32, #tpu.memory_space<hbm>> -> memref<1x32x1024xf32, #tpu.memory_space<hbm>>
    %dma_start3A_91 = tpu.memref_squeeze %dma_start3A_90 : memref<1x32x1024xf32, #tpu.memory_space<hbm>> -> memref<32x1024xf32, #tpu.memory_space<hbm>>
    %dma_start3A_92 = tpu.memref_slice %arg6[%dma_start3A_84] : memref<3x!tpu.dma_semaphore, #tpu.memory_space<semaphore_mem>> -> memref<1x!tpu.dma_semaphore, #tpu.memory_space<semaphore_mem>>
    %dma_start3A_93 = tpu.memref_squeeze %dma_start3A_92 : memref<1x!tpu.dma_semaphore, #tpu.memory_space<semaphore_mem>> -> memref<!tpu.dma_semaphore, #tpu.memory_space<semaphore_mem>>
    %dma_start3A_94 = arith.constant 0 : i32
    %dma_start3A_95 = tpu.memref_slice %arg3[%dma_start3A_83, %add3A_58, %dma_start3A_94] : memref<4x8192x1024xf32, #tpu.memory_space<hbm>> -> memref<1x32x1024xf32, #tpu.memory_space<hbm>>
    %dma_start3A_96 = tpu.memref_squeeze %dma_start3A_95 : memref<1x32x1024xf32, #tpu.memory_space<hbm>> -> memref<32x1024xf32, #tpu.memory_space<hbm>>
    %dma_start3A_97 = arith.constant 0 : i32
    %dma_start3A_98 = arith.constant 0 : i32
    %dma_start3A_99 = tpu.memref_slice %arg4[%dma_start3A_82, %dma_start3A_97, %dma_start3A_98] : memref<3x32x1024xf32, #tpu.memory_space<vmem>> -> memref<1x32x1024xf32, #tpu.memory_space<vmem>>
    %dma_start3A_100 = tpu.memref_squeeze %dma_start3A_99 : memref<1x32x1024xf32, #tpu.memory_space<vmem>> -> memref<32x1024xf32, #tpu.memory_space<vmem>>
    tpu.enqueue_dma source(%dma_start3A_100 : memref<32x1024xf32, #tpu.memory_space<vmem>>) target(%dma_start3A_96 : memref<32x1024xf32, #tpu.memory_space<hbm>>) target_semaphore(%dma_start3A_93 : memref<!tpu.dma_semaphore, #tpu.memory_space<semaphore_mem>>)
    %dma_start3A_101 = arith.constant 0 : i32
    %dma_start3A_102 = arith.constant 2 : i32
    %dma_start3A_103 = arith.constant 0 : i32
    %dma_start3A_104 = arith.constant 0 : i32
    %dma_start3A_105 = arith.constant 0 : i32
    %dma_start3A_106 = tpu.memref_slice %arg4[%dma_start3A_101, %dma_start3A_104, %dma_start3A_105] : memref<3x32x1024xf32, #tpu.memory_space<vmem>> -> memref<1x32x1024xf32, #tpu.memory_space<vmem>>
    %dma_start3A_107 = tpu.memref_squeeze %dma_start3A_106 : memref<1x32x1024xf32, #tpu.memory_space<vmem>> -> memref<32x1024xf32, #tpu.memory_space<vmem>>
    %dma_start3A_108 = arith.constant 0 : i32
    %dma_start3A_109 = tpu.memref_slice %arg3[%dma_start3A_102, %add3A_60, %dma_start3A_108] : memref<4x8192x1024xf32, #tpu.memory_space<hbm>> -> memref<1x32x1024xf32, #tpu.memory_space<hbm>>
    %dma_start3A_110 = tpu.memref_squeeze %dma_start3A_109 : memref<1x32x1024xf32, #tpu.memory_space<hbm>> -> memref<32x1024xf32, #tpu.memory_space<hbm>>
    %dma_start3A_111 = tpu.memref_slice %arg6[%dma_start3A_103] : memref<3x!tpu.dma_semaphore, #tpu.memory_space<semaphore_mem>> -> memref<1x!tpu.dma_semaphore, #tpu.memory_space<semaphore_mem>>
    %dma_start3A_112 = tpu.memref_squeeze %dma_start3A_111 : memref<1x!tpu.dma_semaphore, #tpu.memory_space<semaphore_mem>> -> memref<!tpu.dma_semaphore, #tpu.memory_space<semaphore_mem>>
    %dma_start3A_113 = arith.constant 0 : i32
    %dma_start3A_114 = tpu.memref_slice %arg3[%dma_start3A_102, %add3A_60, %dma_start3A_113] : memref<4x8192x1024xf32, #tpu.memory_space<hbm>> -> memref<1x32x1024xf32, #tpu.memory_space<hbm>>
    %dma_start3A_115 = tpu.memref_squeeze %dma_start3A_114 : memref<1x32x1024xf32, #tpu.memory_space<hbm>> -> memref<32x1024xf32, #tpu.memory_space<hbm>>
    %dma_start3A_116 = arith.constant 0 : i32
    %dma_start3A_117 = arith.constant 0 : i32
    %dma_start3A_118 = tpu.memref_slice %arg4[%dma_start3A_101, %dma_start3A_116, %dma_start3A_117] : memref<3x32x1024xf32, #tpu.memory_space<vmem>> -> memref<1x32x1024xf32, #tpu.memory_space<vmem>>
    %dma_start3A_119 = tpu.memref_squeeze %dma_start3A_118 : memref<1x32x1024xf32, #tpu.memory_space<vmem>> -> memref<32x1024xf32, #tpu.memory_space<vmem>>
    tpu.enqueue_dma source(%dma_start3A_119 : memref<32x1024xf32, #tpu.memory_space<vmem>>) target(%dma_start3A_115 : memref<32x1024xf32, #tpu.memory_space<hbm>>) target_semaphore(%dma_start3A_112 : memref<!tpu.dma_semaphore, #tpu.memory_space<semaphore_mem>>)
    %dma_start3A_120 = arith.constant 0 : i32
    %dma_start3A_121 = arith.constant 3 : i32
    %dma_start3A_122 = arith.constant 0 : i32
    %dma_start3A_123 = arith.constant 0 : i32
    %dma_start3A_124 = arith.constant 0 : i32
    %dma_start3A_125 = tpu.memref_slice %arg4[%dma_start3A_120, %dma_start3A_123, %dma_start3A_124] : memref<3x32x1024xf32, #tpu.memory_space<vmem>> -> memref<1x32x1024xf32, #tpu.memory_space<vmem>>
    %dma_start3A_126 = tpu.memref_squeeze %dma_start3A_125 : memref<1x32x1024xf32, #tpu.memory_space<vmem>> -> memref<32x1024xf32, #tpu.memory_space<vmem>>
    %dma_start3A_127 = arith.constant 0 : i32
    %dma_start3A_128 = tpu.memref_slice %arg3[%dma_start3A_121, %add3A_62, %dma_start3A_127] : memref<4x8192x1024xf32, #tpu.memory_space<hbm>> -> memref<1x32x1024xf32, #tpu.memory_space<hbm>>
    %dma_start3A_129 = tpu.memref_squeeze %dma_start3A_128 : memref<1x32x1024xf32, #tpu.memory_space<hbm>> -> memref<32x1024xf32, #tpu.memory_space<hbm>>
    %dma_start3A_130 = tpu.memref_slice %arg6[%dma_start3A_122] : memref<3x!tpu.dma_semaphore, #tpu.memory_space<semaphore_mem>> -> memref<1x!tpu.dma_semaphore, #tpu.memory_space<semaphore_mem>>
    %dma_start3A_131 = tpu.memref_squeeze %dma_start3A_130 : memref<1x!tpu.dma_semaphore, #tpu.memory_space<semaphore_mem>> -> memref<!tpu.dma_semaphore, #tpu.memory_space<semaphore_mem>>
    %dma_start3A_132 = arith.constant 0 : i32
    %dma_start3A_133 = tpu.memref_slice %arg3[%dma_start3A_121, %add3A_62, %dma_start3A_132] : memref<4x8192x1024xf32, #tpu.memory_space<hbm>> -> memref<1x32x1024xf32, #tpu.memory_space<hbm>>
    %dma_start3A_134 = tpu.memref_squeeze %dma_start3A_133 : memref<1x32x1024xf32, #tpu.memory_space<hbm>> -> memref<32x1024xf32, #tpu.memory_space<hbm>>
    %dma_start3A_135 = arith.constant 0 : i32
    %dma_start3A_136 = arith.constant 0 : i32
    %dma_start3A_137 = tpu.memref_slice %arg4[%dma_start3A_120, %dma_start3A_135, %dma_start3A_136] : memref<3x32x1024xf32, #tpu.memory_space<vmem>> -> memref<1x32x1024xf32, #tpu.memory_space<vmem>>
    %dma_start3A_138 = tpu.memref_squeeze %dma_start3A_137 : memref<1x32x1024xf32, #tpu.memory_space<vmem>> -> memref<32x1024xf32, #tpu.memory_space<vmem>>
    tpu.enqueue_dma source(%dma_start3A_138 : memref<32x1024xf32, #tpu.memory_space<vmem>>) target(%dma_start3A_134 : memref<32x1024xf32, #tpu.memory_space<hbm>>) target_semaphore(%dma_start3A_131 : memref<!tpu.dma_semaphore, #tpu.memory_space<semaphore_mem>>)
    %add3A_139 = arith.constant 64 : i32
    %add3A_140 = arith.addi %mul3A_2, %add3A_139 : i32
    %dma_start3A_141 = arith.constant 2 : i32
    %dma_start3A_142 = arith.constant 2 : i32
    %dma_start3A_143 = arith.constant 0 : i32
    %dma_start3A_144 = arith.constant 0 : i32
    %dma_start3A_145 = tpu.memref_slice %arg4[%dma_start3A_141, %dma_start3A_143, %dma_start3A_144] : memref<3x32x1024xf32, #tpu.memory_space<vmem>> -> memref<1x32x1024xf32, #tpu.memory_space<vmem>>
    %dma_start3A_146 = tpu.memref_squeeze %dma_start3A_145 : memref<1x32x1024xf32, #tpu.memory_space<vmem>> -> memref<32x1024xf32, #tpu.memory_space<vmem>>
    %dma_start3A_147 = arith.constant 0 : i32
    %dma_start3A_148 = tpu.memref_slice %arg2[%add3A_140, %dma_start3A_147] : memref<8192x1024xf32, #tpu.memory_space<hbm>> -> memref<32x1024xf32, #tpu.memory_space<hbm>>
    %dma_start3A_149 = tpu.memref_slice %arg5[%dma_start3A_142] : memref<3x!tpu.dma_semaphore, #tpu.memory_space<semaphore_mem>> -> memref<1x!tpu.dma_semaphore, #tpu.memory_space<semaphore_mem>>
    %dma_start3A_150 = tpu.memref_squeeze %dma_start3A_149 : memref<1x!tpu.dma_semaphore, #tpu.memory_space<semaphore_mem>> -> memref<!tpu.dma_semaphore, #tpu.memory_space<semaphore_mem>>
    %dma_start3A_151 = arith.constant 0 : i32
    %dma_start3A_152 = arith.constant 0 : i32
    %dma_start3A_153 = tpu.memref_slice %arg4[%dma_start3A_141, %dma_start3A_151, %dma_start3A_152] : memref<3x32x1024xf32, #tpu.memory_space<vmem>> -> memref<1x32x1024xf32, #tpu.memory_space<vmem>>
    %dma_start3A_154 = tpu.memref_squeeze %dma_start3A_153 : memref<1x32x1024xf32, #tpu.memory_space<vmem>> -> memref<32x1024xf32, #tpu.memory_space<vmem>>
    %dma_start3A_155 = arith.constant 0 : i32
    %dma_start3A_156 = tpu.memref_slice %arg2[%add3A_140, %dma_start3A_155] : memref<8192x1024xf32, #tpu.memory_space<hbm>> -> memref<32x1024xf32, #tpu.memory_space<hbm>>
    tpu.enqueue_dma source(%dma_start3A_156 : memref<32x1024xf32, #tpu.memory_space<hbm>>) target(%dma_start3A_154 : memref<32x1024xf32, #tpu.memory_space<vmem>>) target_semaphore(%dma_start3A_150 : memref<!tpu.dma_semaphore, #tpu.memory_space<semaphore_mem>>)
    %add3A_157 = arith.constant 32 : i32
    %add3A_158 = arith.addi %mul3A_2, %add3A_157 : i32
    %dma_wait3A_159 = arith.constant 1 : i32
    %dma_wait3A_160 = arith.constant 1 : i32
    %dma_wait3A_161 = arith.constant 0 : i32
    %dma_wait3A_162 = arith.constant 0 : i32
    %dma_wait3A_163 = tpu.memref_slice %arg4[%dma_wait3A_159, %dma_wait3A_161, %dma_wait3A_162] : memref<3x32x1024xf32, #tpu.memory_space<vmem>> -> memref<1x32x1024xf32, #tpu.memory_space<vmem>>
    %dma_wait3A_164 = tpu.memref_squeeze %dma_wait3A_163 : memref<1x32x1024xf32, #tpu.memory_space<vmem>> -> memref<32x1024xf32, #tpu.memory_space<vmem>>
    %dma_wait3A_165 = arith.constant 0 : i32
    %dma_wait3A_166 = tpu.memref_slice %arg2[%add3A_158, %dma_wait3A_165] : memref<8192x1024xf32, #tpu.memory_space<hbm>> -> memref<32x1024xf32, #tpu.memory_space<hbm>>
    %dma_wait3A_167 = tpu.memref_slice %arg5[%dma_wait3A_160] : memref<3x!tpu.dma_semaphore, #tpu.memory_space<semaphore_mem>> -> memref<1x!tpu.dma_semaphore, #tpu.memory_space<semaphore_mem>>
    %dma_wait3A_168 = tpu.memref_squeeze %dma_wait3A_167 : memref<1x!tpu.dma_semaphore, #tpu.memory_space<semaphore_mem>> -> memref<!tpu.dma_semaphore, #tpu.memory_space<semaphore_mem>>
    %dma_wait3A_169 = arith.constant 0 : i32
    %dma_wait3A_170 = arith.constant 0 : i32
    %dma_wait3A_171 = tpu.memref_slice %arg4[%dma_wait3A_159, %dma_wait3A_169, %dma_wait3A_170] : memref<3x32x1024xf32, #tpu.memory_space<vmem>> -> memref<1x32x1024xf32, #tpu.memory_space<vmem>>
    %dma_wait3A_172 = tpu.memref_squeeze %dma_wait3A_171 : memref<1x32x1024xf32, #tpu.memory_space<vmem>> -> memref<32x1024xf32, #tpu.memory_space<vmem>>
    %dma_wait3A_173 = arith.constant 0 : i32
    %dma_wait3A_174 = tpu.memref_slice %arg2[%add3A_158, %dma_wait3A_173] : memref<8192x1024xf32, #tpu.memory_space<hbm>> -> memref<32x1024xf32, #tpu.memory_space<hbm>>
    tpu.wait_dma2 semaphore(%dma_wait3A_168 : memref<!tpu.dma_semaphore, #tpu.memory_space<semaphore_mem>>) src(%dma_wait3A_174 : memref<32x1024xf32, #tpu.memory_space<hbm>>) dst(%dma_wait3A_172 : memref<32x1024xf32, #tpu.memory_space<vmem>>)
    %add3A_175 = arith.constant 32 : i32
    %add3A_176 = arith.addi %mul3A_2, %add3A_175 : i32
    %add3A_177 = arith.constant 32 : i32
    %add3A_178 = arith.addi %mul3A_2, %add3A_177 : i32
    %add3A_179 = arith.constant 32 : i32
    %add3A_180 = arith.addi %mul3A_2, %add3A_179 : i32
    %add3A_181 = arith.constant 32 : i32
    %add3A_182 = arith.addi %mul3A_2, %add3A_181 : i32
    %dma_start3A_183 = arith.constant 1 : i32
    %dma_start3A_184 = arith.constant 0 : i32
    %dma_start3A_185 = arith.constant 1 : i32
    %dma_start3A_186 = arith.constant 0 : i32
    %dma_start3A_187 = arith.constant 0 : i32
    %dma_start3A_188 = tpu.memref_slice %arg4[%dma_start3A_183, %dma_start3A_186, %dma_start3A_187] : memref<3x32x1024xf32, #tpu.memory_space<vmem>> -> memref<1x32x1024xf32, #tpu.memory_space<vmem>>
    %dma_start3A_189 = tpu.memref_squeeze %dma_start3A_188 : memref<1x32x1024xf32, #tpu.memory_space<vmem>> -> memref<32x1024xf32, #tpu.memory_space<vmem>>
    %dma_start3A_190 = arith.constant 0 : i32
    %dma_start3A_191 = tpu.memref_slice %arg3[%dma_start3A_184, %add3A_176, %dma_start3A_190] : memref<4x8192x1024xf32, #tpu.memory_space<hbm>> -> memref<1x32x1024xf32, #tpu.memory_space<hbm>>
    %dma_start3A_192 = tpu.memref_squeeze %dma_start3A_191 : memref<1x32x1024xf32, #tpu.memory_space<hbm>> -> memref<32x1024xf32, #tpu.memory_space<hbm>>
    %dma_start3A_193 = tpu.memref_slice %arg6[%dma_start3A_185] : memref<3x!tpu.dma_semaphore, #tpu.memory_space<semaphore_mem>> -> memref<1x!tpu.dma_semaphore, #tpu.memory_space<semaphore_mem>>
    %dma_start3A_194 = tpu.memref_squeeze %dma_start3A_193 : memref<1x!tpu.dma_semaphore, #tpu.memory_space<semaphore_mem>> -> memref<!tpu.dma_semaphore, #tpu.memory_space<semaphore_mem>>
    %dma_start3A_195 = arith.constant 0 : i32
    %dma_start3A_196 = tpu.memref_slice %arg3[%dma_start3A_184, %add3A_176, %dma_start3A_195] : memref<4x8192x1024xf32, #tpu.memory_space<hbm>> -> memref<1x32x1024xf32, #tpu.memory_space<hbm>>
    %dma_start3A_197 = tpu.memref_squeeze %dma_start3A_196 : memref<1x32x1024xf32, #tpu.memory_space<hbm>> -> memref<32x1024xf32, #tpu.memory_space<hbm>>
    %dma_start3A_198 = arith.constant 0 : i32
    %dma_start3A_199 = arith.constant 0 : i32
    %dma_start3A_200 = tpu.memref_slice %arg4[%dma_start3A_183, %dma_start3A_198, %dma_start3A_199] : memref<3x32x1024xf32, #tpu.memory_space<vmem>> -> memref<1x32x1024xf32, #tpu.memory_space<vmem>>
    %dma_start3A_201 = tpu.memref_squeeze %dma_start3A_200 : memref<1x32x1024xf32, #tpu.memory_space<vmem>> -> memref<32x1024xf32, #tpu.memory_space<vmem>>
    tpu.enqueue_dma source(%dma_start3A_201 : memref<32x1024xf32, #tpu.memory_space<vmem>>) target(%dma_start3A_197 : memref<32x1024xf32, #tpu.memory_space<hbm>>) target_semaphore(%dma_start3A_194 : memref<!tpu.dma_semaphore, #tpu.memory_space<semaphore_mem>>)
    %dma_start3A_202 = arith.constant 1 : i32
    %dma_start3A_203 = arith.constant 1 : i32
    %dma_start3A_204 = arith.constant 1 : i32
    %dma_start3A_205 = arith.constant 0 : i32
    %dma_start3A_206 = arith.constant 0 : i32
    %dma_start3A_207 = tpu.memref_slice %arg4[%dma_start3A_202, %dma_start3A_205, %dma_start3A_206] : memref<3x32x1024xf32, #tpu.memory_space<vmem>> -> memref<1x32x1024xf32, #tpu.memory_space<vmem>>
    %dma_start3A_208 = tpu.memref_squeeze %dma_start3A_207 : memref<1x32x1024xf32, #tpu.memory_space<vmem>> -> memref<32x1024xf32, #tpu.memory_space<vmem>>
    %dma_start3A_209 = arith.constant 0 : i32
    %dma_start3A_210 = tpu.memref_slice %arg3[%dma_start3A_203, %add3A_178, %dma_start3A_209] : memref<4x8192x1024xf32, #tpu.memory_space<hbm>> -> memref<1x32x1024xf32, #tpu.memory_space<hbm>>
    %dma_start3A_211 = tpu.memref_squeeze %dma_start3A_210 : memref<1x32x1024xf32, #tpu.memory_space<hbm>> -> memref<32x1024xf32, #tpu.memory_space<hbm>>
    %dma_start3A_212 = tpu.memref_slice %arg6[%dma_start3A_204] : memref<3x!tpu.dma_semaphore, #tpu.memory_space<semaphore_mem>> -> memref<1x!tpu.dma_semaphore, #tpu.memory_space<semaphore_mem>>
    %dma_start3A_213 = tpu.memref_squeeze %dma_start3A_212 : memref<1x!tpu.dma_semaphore, #tpu.memory_space<semaphore_mem>> -> memref<!tpu.dma_semaphore, #tpu.memory_space<semaphore_mem>>
    %dma_start3A_214 = arith.constant 0 : i32
    %dma_start3A_215 = tpu.memref_slice %arg3[%dma_start3A_203, %add3A_178, %dma_start3A_214] : memref<4x8192x1024xf32, #tpu.memory_space<hbm>> -> memref<1x32x1024xf32, #tpu.memory_space<hbm>>
    %dma_start3A_216 = tpu.memref_squeeze %dma_start3A_215 : memref<1x32x1024xf32, #tpu.memory_space<hbm>> -> memref<32x1024xf32, #tpu.memory_space<hbm>>
    %dma_start3A_217 = arith.constant 0 : i32
    %dma_start3A_218 = arith.constant 0 : i32
    %dma_start3A_219 = tpu.memref_slice %arg4[%dma_start3A_202, %dma_start3A_217, %dma_start3A_218] : memref<3x32x1024xf32, #tpu.memory_space<vmem>> -> memref<1x32x1024xf32, #tpu.memory_space<vmem>>
    %dma_start3A_220 = tpu.memref_squeeze %dma_start3A_219 : memref<1x32x1024xf32, #tpu.memory_space<vmem>> -> memref<32x1024xf32, #tpu.memory_space<vmem>>
    tpu.enqueue_dma source(%dma_start3A_220 : memref<32x1024xf32, #tpu.memory_space<vmem>>) target(%dma_start3A_216 : memref<32x1024xf32, #tpu.memory_space<hbm>>) target_semaphore(%dma_start3A_213 : memref<!tpu.dma_semaphore, #tpu.memory_space<semaphore_mem>>)
    %dma_start3A_221 = arith.constant 1 : i32
    %dma_start3A_222 = arith.constant 2 : i32
    %dma_start3A_223 = arith.constant 1 : i32
    %dma_start3A_224 = arith.constant 0 : i32
    %dma_start3A_225 = arith.constant 0 : i32
    %dma_start3A_226 = tpu.memref_slice %arg4[%dma_start3A_221, %dma_start3A_224, %dma_start3A_225] : memref<3x32x1024xf32, #tpu.memory_space<vmem>> -> memref<1x32x1024xf32, #tpu.memory_space<vmem>>
    %dma_start3A_227 = tpu.memref_squeeze %dma_start3A_226 : memref<1x32x1024xf32, #tpu.memory_space<vmem>> -> memref<32x1024xf32, #tpu.memory_space<vmem>>
    %dma_start3A_228 = arith.constant 0 : i32
    %dma_start3A_229 = tpu.memref_slice %arg3[%dma_start3A_222, %add3A_180, %dma_start3A_228] : memref<4x8192x1024xf32, #tpu.memory_space<hbm>> -> memref<1x32x1024xf32, #tpu.memory_space<hbm>>
    %dma_start3A_230 = tpu.memref_squeeze %dma_start3A_229 : memref<1x32x1024xf32, #tpu.memory_space<hbm>> -> memref<32x1024xf32, #tpu.memory_space<hbm>>
    %dma_start3A_231 = tpu.memref_slice %arg6[%dma_start3A_223] : memref<3x!tpu.dma_semaphore, #tpu.memory_space<semaphore_mem>> -> memref<1x!tpu.dma_semaphore, #tpu.memory_space<semaphore_mem>>
    %dma_start3A_232 = tpu.memref_squeeze %dma_start3A_231 : memref<1x!tpu.dma_semaphore, #tpu.memory_space<semaphore_mem>> -> memref<!tpu.dma_semaphore, #tpu.memory_space<semaphore_mem>>
    %dma_start3A_233 = arith.constant 0 : i32
    %dma_start3A_234 = tpu.memref_slice %arg3[%dma_start3A_222, %add3A_180, %dma_start3A_233] : memref<4x8192x1024xf32, #tpu.memory_space<hbm>> -> memref<1x32x1024xf32, #tpu.memory_space<hbm>>
    %dma_start3A_235 = tpu.memref_squeeze %dma_start3A_234 : memref<1x32x1024xf32, #tpu.memory_space<hbm>> -> memref<32x1024xf32, #tpu.memory_space<hbm>>
    %dma_start3A_236 = arith.constant 0 : i32
    %dma_start3A_237 = arith.constant 0 : i32
    %dma_start3A_238 = tpu.memref_slice %arg4[%dma_start3A_221, %dma_start3A_236, %dma_start3A_237] : memref<3x32x1024xf32, #tpu.memory_space<vmem>> -> memref<1x32x1024xf32, #tpu.memory_space<vmem>>
    %dma_start3A_239 = tpu.memref_squeeze %dma_start3A_238 : memref<1x32x1024xf32, #tpu.memory_space<vmem>> -> memref<32x1024xf32, #tpu.memory_space<vmem>>
    tpu.enqueue_dma source(%dma_start3A_239 : memref<32x1024xf32, #tpu.memory_space<vmem>>) target(%dma_start3A_235 : memref<32x1024xf32, #tpu.memory_space<hbm>>) target_semaphore(%dma_start3A_232 : memref<!tpu.dma_semaphore, #tpu.memory_space<semaphore_mem>>)
    %dma_start3A_240 = arith.constant 1 : i32
    %dma_start3A_241 = arith.constant 3 : i32
    %dma_start3A_242 = arith.constant 1 : i32
    %dma_start3A_243 = arith.constant 0 : i32
    %dma_start3A_244 = arith.constant 0 : i32
    %dma_start3A_245 = tpu.memref_slice %arg4[%dma_start3A_240, %dma_start3A_243, %dma_start3A_244] : memref<3x32x1024xf32, #tpu.memory_space<vmem>> -> memref<1x32x1024xf32, #tpu.memory_space<vmem>>
    %dma_start3A_246 = tpu.memref_squeeze %dma_start3A_245 : memref<1x32x1024xf32, #tpu.memory_space<vmem>> -> memref<32x1024xf32, #tpu.memory_space<vmem>>
    %dma_start3A_247 = arith.constant 0 : i32
    %dma_start3A_248 = tpu.memref_slice %arg3[%dma_start3A_241, %add3A_182, %dma_start3A_247] : memref<4x8192x1024xf32, #tpu.memory_space<hbm>> -> memref<1x32x1024xf32, #tpu.memory_space<hbm>>
    %dma_start3A_249 = tpu.memref_squeeze %dma_start3A_248 : memref<1x32x1024xf32, #tpu.memory_space<hbm>> -> memref<32x1024xf32, #tpu.memory_space<hbm>>
    %dma_start3A_250 = tpu.memref_slice %arg6[%dma_start3A_242] : memref<3x!tpu.dma_semaphore, #tpu.memory_space<semaphore_mem>> -> memref<1x!tpu.dma_semaphore, #tpu.memory_space<semaphore_mem>>
    %dma_start3A_251 = tpu.memref_squeeze %dma_start3A_250 : memref<1x!tpu.dma_semaphore, #tpu.memory_space<semaphore_mem>> -> memref<!tpu.dma_semaphore, #tpu.memory_space<semaphore_mem>>
    %dma_start3A_252 = arith.constant 0 : i32
    %dma_start3A_253 = tpu.memref_slice %arg3[%dma_start3A_241, %add3A_182, %dma_start3A_252] : memref<4x8192x1024xf32, #tpu.memory_space<hbm>> -> memref<1x32x1024xf32, #tpu.memory_space<hbm>>
    %dma_start3A_254 = tpu.memref_squeeze %dma_start3A_253 : memref<1x32x1024xf32, #tpu.memory_space<hbm>> -> memref<32x1024xf32, #tpu.memory_space<hbm>>
    %dma_start3A_255 = arith.constant 0 : i32
    %dma_start3A_256 = arith.constant 0 : i32
    %dma_start3A_257 = tpu.memref_slice %arg4[%dma_start3A_240, %dma_start3A_255, %dma_start3A_256] : memref<3x32x1024xf32, #tpu.memory_space<vmem>> -> memref<1x32x1024xf32, #tpu.memory_space<vmem>>
    %dma_start3A_258 = tpu.memref_squeeze %dma_start3A_257 : memref<1x32x1024xf32, #tpu.memory_space<vmem>> -> memref<32x1024xf32, #tpu.memory_space<vmem>>
    tpu.enqueue_dma source(%dma_start3A_258 : memref<32x1024xf32, #tpu.memory_space<vmem>>) target(%dma_start3A_254 : memref<32x1024xf32, #tpu.memory_space<hbm>>) target_semaphore(%dma_start3A_251 : memref<!tpu.dma_semaphore, #tpu.memory_space<semaphore_mem>>)
    %dma_wait3A_259 = arith.constant 0 : i32
    %dma_wait3A_260 = arith.constant 0 : i32
    %dma_wait3A_261 = arith.constant 0 : i32
    %dma_wait3A_262 = arith.constant 0 : i32
    %dma_wait3A_263 = arith.constant 0 : i32
    %dma_wait3A_264 = tpu.memref_slice %arg4[%dma_wait3A_259, %dma_wait3A_262, %dma_wait3A_263] : memref<3x32x1024xf32, #tpu.memory_space<vmem>> -> memref<1x32x1024xf32, #tpu.memory_space<vmem>>
    %dma_wait3A_265 = tpu.memref_squeeze %dma_wait3A_264 : memref<1x32x1024xf32, #tpu.memory_space<vmem>> -> memref<32x1024xf32, #tpu.memory_space<vmem>>
    %dma_wait3A_266 = arith.constant 0 : i32
    %dma_wait3A_267 = tpu.memref_slice %arg3[%dma_wait3A_260, %add3A_56, %dma_wait3A_266] : memref<4x8192x1024xf32, #tpu.memory_space<hbm>> -> memref<1x32x1024xf32, #tpu.memory_space<hbm>>
    %dma_wait3A_268 = tpu.memref_squeeze %dma_wait3A_267 : memref<1x32x1024xf32, #tpu.memory_space<hbm>> -> memref<32x1024xf32, #tpu.memory_space<hbm>>
    %dma_wait3A_269 = tpu.memref_slice %arg6[%dma_wait3A_261] : memref<3x!tpu.dma_semaphore, #tpu.memory_space<semaphore_mem>> -> memref<1x!tpu.dma_semaphore, #tpu.memory_space<semaphore_mem>>
    %dma_wait3A_270 = tpu.memref_squeeze %dma_wait3A_269 : memref<1x!tpu.dma_semaphore, #tpu.memory_space<semaphore_mem>> -> memref<!tpu.dma_semaphore, #tpu.memory_space<semaphore_mem>>
    %dma_wait3A_271 = arith.constant 0 : i32
    %dma_wait3A_272 = tpu.memref_slice %arg3[%dma_wait3A_260, %add3A_56, %dma_wait3A_271] : memref<4x8192x1024xf32, #tpu.memory_space<hbm>> -> memref<1x32x1024xf32, #tpu.memory_space<hbm>>
    %dma_wait3A_273 = tpu.memref_squeeze %dma_wait3A_272 : memref<1x32x1024xf32, #tpu.memory_space<hbm>> -> memref<32x1024xf32, #tpu.memory_space<hbm>>
    %dma_wait3A_274 = arith.constant 0 : i32
    %dma_wait3A_275 = arith.constant 0 : i32
    %dma_wait3A_276 = tpu.memref_slice %arg4[%dma_wait3A_259, %dma_wait3A_274, %dma_wait3A_275] : memref<3x32x1024xf32, #tpu.memory_space<vmem>> -> memref<1x32x1024xf32, #tpu.memory_space<vmem>>
    %dma_wait3A_277 = tpu.memref_squeeze %dma_wait3A_276 : memref<1x32x1024xf32, #tpu.memory_space<vmem>> -> memref<32x1024xf32, #tpu.memory_space<vmem>>
    tpu.wait_dma2 semaphore(%dma_wait3A_270 : memref<!tpu.dma_semaphore, #tpu.memory_space<semaphore_mem>>) src(%dma_wait3A_277 : memref<32x1024xf32, #tpu.memory_space<vmem>>) dst(%dma_wait3A_273 : memref<32x1024xf32, #tpu.memory_space<hbm>>)
    %dma_wait3A_278 = arith.constant 0 : i32
    %dma_wait3A_279 = arith.constant 1 : i32
    %dma_wait3A_280 = arith.constant 0 : i32
    %dma_wait3A_281 = arith.constant 0 : i32
    %dma_wait3A_282 = arith.constant 0 : i32
    %dma_wait3A_283 = tpu.memref_slice %arg4[%dma_wait3A_278, %dma_wait3A_281, %dma_wait3A_282] : memref<3x32x1024xf32, #tpu.memory_space<vmem>> -> memref<1x32x1024xf32, #tpu.memory_space<vmem>>
    %dma_wait3A_284 = tpu.memref_squeeze %dma_wait3A_283 : memref<1x32x1024xf32, #tpu.memory_space<vmem>> -> memref<32x1024xf32, #tpu.memory_space<vmem>>
    %dma_wait3A_285 = arith.constant 0 : i32
    %dma_wait3A_286 = tpu.memref_slice %arg3[%dma_wait3A_279, %add3A_58, %dma_wait3A_285] : memref<4x8192x1024xf32, #tpu.memory_space<hbm>> -> memref<1x32x1024xf32, #tpu.memory_space<hbm>>
    %dma_wait3A_287 = tpu.memref_squeeze %dma_wait3A_286 : memref<1x32x1024xf32, #tpu.memory_space<hbm>> -> memref<32x1024xf32, #tpu.memory_space<hbm>>
    %dma_wait3A_288 = tpu.memref_slice %arg6[%dma_wait3A_280] : memref<3x!tpu.dma_semaphore, #tpu.memory_space<semaphore_mem>> -> memref<1x!tpu.dma_semaphore, #tpu.memory_space<semaphore_mem>>
    %dma_wait3A_289 = tpu.memref_squeeze %dma_wait3A_288 : memref<1x!tpu.dma_semaphore, #tpu.memory_space<semaphore_mem>> -> memref<!tpu.dma_semaphore, #tpu.memory_space<semaphore_mem>>
    %dma_wait3A_290 = arith.constant 0 : i32
    %dma_wait3A_291 = tpu.memref_slice %arg3[%dma_wait3A_279, %add3A_58, %dma_wait3A_290] : memref<4x8192x1024xf32, #tpu.memory_space<hbm>> -> memref<1x32x1024xf32, #tpu.memory_space<hbm>>
    %dma_wait3A_292 = tpu.memref_squeeze %dma_wait3A_291 : memref<1x32x1024xf32, #tpu.memory_space<hbm>> -> memref<32x1024xf32, #tpu.memory_space<hbm>>
    %dma_wait3A_293 = arith.constant 0 : i32
    %dma_wait3A_294 = arith.constant 0 : i32
    %dma_wait3A_295 = tpu.memref_slice %arg4[%dma_wait3A_278, %dma_wait3A_293, %dma_wait3A_294] : memref<3x32x1024xf32, #tpu.memory_space<vmem>> -> memref<1x32x1024xf32, #tpu.memory_space<vmem>>
    %dma_wait3A_296 = tpu.memref_squeeze %dma_wait3A_295 : memref<1x32x1024xf32, #tpu.memory_space<vmem>> -> memref<32x1024xf32, #tpu.memory_space<vmem>>
    tpu.wait_dma2 semaphore(%dma_wait3A_289 : memref<!tpu.dma_semaphore, #tpu.memory_space<semaphore_mem>>) src(%dma_wait3A_296 : memref<32x1024xf32, #tpu.memory_space<vmem>>) dst(%dma_wait3A_292 : memref<32x1024xf32, #tpu.memory_space<hbm>>)
    %dma_wait3A_297 = arith.constant 0 : i32
    %dma_wait3A_298 = arith.constant 2 : i32
    %dma_wait3A_299 = arith.constant 0 : i32
    %dma_wait3A_300 = arith.constant 0 : i32
    %dma_wait3A_301 = arith.constant 0 : i32
    %dma_wait3A_302 = tpu.memref_slice %arg4[%dma_wait3A_297, %dma_wait3A_300, %dma_wait3A_301] : memref<3x32x1024xf32, #tpu.memory_space<vmem>> -> memref<1x32x1024xf32, #tpu.memory_space<vmem>>
    %dma_wait3A_303 = tpu.memref_squeeze %dma_wait3A_302 : memref<1x32x1024xf32, #tpu.memory_space<vmem>> -> memref<32x1024xf32, #tpu.memory_space<vmem>>
    %dma_wait3A_304 = arith.constant 0 : i32
    %dma_wait3A_305 = tpu.memref_slice %arg3[%dma_wait3A_298, %add3A_60, %dma_wait3A_304] : memref<4x8192x1024xf32, #tpu.memory_space<hbm>> -> memref<1x32x1024xf32, #tpu.memory_space<hbm>>
    %dma_wait3A_306 = tpu.memref_squeeze %dma_wait3A_305 : memref<1x32x1024xf32, #tpu.memory_space<hbm>> -> memref<32x1024xf32, #tpu.memory_space<hbm>>
    %dma_wait3A_307 = tpu.memref_slice %arg6[%dma_wait3A_299] : memref<3x!tpu.dma_semaphore, #tpu.memory_space<semaphore_mem>> -> memref<1x!tpu.dma_semaphore, #tpu.memory_space<semaphore_mem>>
    %dma_wait3A_308 = tpu.memref_squeeze %dma_wait3A_307 : memref<1x!tpu.dma_semaphore, #tpu.memory_space<semaphore_mem>> -> memref<!tpu.dma_semaphore, #tpu.memory_space<semaphore_mem>>
    %dma_wait3A_309 = arith.constant 0 : i32
    %dma_wait3A_310 = tpu.memref_slice %arg3[%dma_wait3A_298, %add3A_60, %dma_wait3A_309] : memref<4x8192x1024xf32, #tpu.memory_space<hbm>> -> memref<1x32x1024xf32, #tpu.memory_space<hbm>>
    %dma_wait3A_311 = tpu.memref_squeeze %dma_wait3A_310 : memref<1x32x1024xf32, #tpu.memory_space<hbm>> -> memref<32x1024xf32, #tpu.memory_space<hbm>>
    %dma_wait3A_312 = arith.constant 0 : i32
    %dma_wait3A_313 = arith.constant 0 : i32
    %dma_wait3A_314 = tpu.memref_slice %arg4[%dma_wait3A_297, %dma_wait3A_312, %dma_wait3A_313] : memref<3x32x1024xf32, #tpu.memory_space<vmem>> -> memref<1x32x1024xf32, #tpu.memory_space<vmem>>
    %dma_wait3A_315 = tpu.memref_squeeze %dma_wait3A_314 : memref<1x32x1024xf32, #tpu.memory_space<vmem>> -> memref<32x1024xf32, #tpu.memory_space<vmem>>
    tpu.wait_dma2 semaphore(%dma_wait3A_308 : memref<!tpu.dma_semaphore, #tpu.memory_space<semaphore_mem>>) src(%dma_wait3A_315 : memref<32x1024xf32, #tpu.memory_space<vmem>>) dst(%dma_wait3A_311 : memref<32x1024xf32, #tpu.memory_space<hbm>>)
    %dma_wait3A_316 = arith.constant 0 : i32
    %dma_wait3A_317 = arith.constant 3 : i32
    %dma_wait3A_318 = arith.constant 0 : i32
    %dma_wait3A_319 = arith.constant 0 : i32
    %dma_wait3A_320 = arith.constant 0 : i32
    %dma_wait3A_321 = tpu.memref_slice %arg4[%dma_wait3A_316, %dma_wait3A_319, %dma_wait3A_320] : memref<3x32x1024xf32, #tpu.memory_space<vmem>> -> memref<1x32x1024xf32, #tpu.memory_space<vmem>>
    %dma_wait3A_322 = tpu.memref_squeeze %dma_wait3A_321 : memref<1x32x1024xf32, #tpu.memory_space<vmem>> -> memref<32x1024xf32, #tpu.memory_space<vmem>>
    %dma_wait3A_323 = arith.constant 0 : i32
    %dma_wait3A_324 = tpu.memref_slice %arg3[%dma_wait3A_317, %add3A_62, %dma_wait3A_323] : memref<4x8192x1024xf32, #tpu.memory_space<hbm>> -> memref<1x32x1024xf32, #tpu.memory_space<hbm>>
    %dma_wait3A_325 = tpu.memref_squeeze %dma_wait3A_324 : memref<1x32x1024xf32, #tpu.memory_space<hbm>> -> memref<32x1024xf32, #tpu.memory_space<hbm>>
    %dma_wait3A_326 = tpu.memref_slice %arg6[%dma_wait3A_318] : memref<3x!tpu.dma_semaphore, #tpu.memory_space<semaphore_mem>> -> memref<1x!tpu.dma_semaphore, #tpu.memory_space<semaphore_mem>>
    %dma_wait3A_327 = tpu.memref_squeeze %dma_wait3A_326 : memref<1x!tpu.dma_semaphore, #tpu.memory_space<semaphore_mem>> -> memref<!tpu.dma_semaphore, #tpu.memory_space<semaphore_mem>>
    %dma_wait3A_328 = arith.constant 0 : i32
    %dma_wait3A_329 = tpu.memref_slice %arg3[%dma_wait3A_317, %add3A_62, %dma_wait3A_328] : memref<4x8192x1024xf32, #tpu.memory_space<hbm>> -> memref<1x32x1024xf32, #tpu.memory_space<hbm>>
    %dma_wait3A_330 = tpu.memref_squeeze %dma_wait3A_329 : memref<1x32x1024xf32, #tpu.memory_space<hbm>> -> memref<32x1024xf32, #tpu.memory_space<hbm>>
    %dma_wait3A_331 = arith.constant 0 : i32
    %dma_wait3A_332 = arith.constant 0 : i32
    %dma_wait3A_333 = tpu.memref_slice %arg4[%dma_wait3A_316, %dma_wait3A_331, %dma_wait3A_332] : memref<3x32x1024xf32, #tpu.memory_space<vmem>> -> memref<1x32x1024xf32, #tpu.memory_space<vmem>>
    %dma_wait3A_334 = tpu.memref_squeeze %dma_wait3A_333 : memref<1x32x1024xf32, #tpu.memory_space<vmem>> -> memref<32x1024xf32, #tpu.memory_space<vmem>>
    tpu.wait_dma2 semaphore(%dma_wait3A_327 : memref<!tpu.dma_semaphore, #tpu.memory_space<semaphore_mem>>) src(%dma_wait3A_334 : memref<32x1024xf32, #tpu.memory_space<vmem>>) dst(%dma_wait3A_330 : memref<32x1024xf32, #tpu.memory_space<hbm>>)
    %add3A_335 = arith.constant 96 : i32
    %add3A_336 = arith.addi %mul3A_2, %add3A_335 : i32
    %dma_start3A_337 = arith.constant 0 : i32
    %dma_start3A_338 = arith.constant 0 : i32
    %dma_start3A_339 = arith.constant 0 : i32
    %dma_start3A_340 = arith.constant 0 : i32
    %dma_start3A_341 = tpu.memref_slice %arg4[%dma_start3A_337, %dma_start3A_339, %dma_start3A_340] : memref<3x32x1024xf32, #tpu.memory_space<vmem>> -> memref<1x32x1024xf32, #tpu.memory_space<vmem>>
    %dma_start3A_342 = tpu.memref_squeeze %dma_start3A_341 : memref<1x32x1024xf32, #tpu.memory_space<vmem>> -> memref<32x1024xf32, #tpu.memory_space<vmem>>
    %dma_start3A_343 = arith.constant 0 : i32
    %dma_start3A_344 = tpu.memref_slice %arg2[%add3A_336, %dma_start3A_343] : memref<8192x1024xf32, #tpu.memory_space<hbm>> -> memref<32x1024xf32, #tpu.memory_space<hbm>>
    %dma_start3A_345 = tpu.memref_slice %arg5[%dma_start3A_338] : memref<3x!tpu.dma_semaphore, #tpu.memory_space<semaphore_mem>> -> memref<1x!tpu.dma_semaphore, #tpu.memory_space<semaphore_mem>>
    %dma_start3A_346 = tpu.memref_squeeze %dma_start3A_345 : memref<1x!tpu.dma_semaphore, #tpu.memory_space<semaphore_mem>> -> memref<!tpu.dma_semaphore, #tpu.memory_space<semaphore_mem>>
    %dma_start3A_347 = arith.constant 0 : i32
    %dma_start3A_348 = arith.constant 0 : i32
    %dma_start3A_349 = tpu.memref_slice %arg4[%dma_start3A_337, %dma_start3A_347, %dma_start3A_348] : memref<3x32x1024xf32, #tpu.memory_space<vmem>> -> memref<1x32x1024xf32, #tpu.memory_space<vmem>>
    %dma_start3A_350 = tpu.memref_squeeze %dma_start3A_349 : memref<1x32x1024xf32, #tpu.memory_space<vmem>> -> memref<32x1024xf32, #tpu.memory_space<vmem>>
    %dma_start3A_351 = arith.constant 0 : i32
    %dma_start3A_352 = tpu.memref_slice %arg2[%add3A_336, %dma_start3A_351] : memref<8192x1024xf32, #tpu.memory_space<hbm>> -> memref<32x1024xf32, #tpu.memory_space<hbm>>
    tpu.enqueue_dma source(%dma_start3A_352 : memref<32x1024xf32, #tpu.memory_space<hbm>>) target(%dma_start3A_350 : memref<32x1024xf32, #tpu.memory_space<vmem>>) target_semaphore(%dma_start3A_346 : memref<!tpu.dma_semaphore, #tpu.memory_space<semaphore_mem>>)
    %add3A_353 = arith.constant 64 : i32
    %add3A_354 = arith.addi %mul3A_2, %add3A_353 : i32
    %dma_wait3A_355 = arith.constant 2 : i32
    %dma_wait3A_356 = arith.constant 2 : i32
    %dma_wait3A_357 = arith.constant 0 : i32
    %dma_wait3A_358 = arith.constant 0 : i32
    %dma_wait3A_359 = tpu.memref_slice %arg4[%dma_wait3A_355, %dma_wait3A_357, %dma_wait3A_358] : memref<3x32x1024xf32, #tpu.memory_space<vmem>> -> memref<1x32x1024xf32, #tpu.memory_space<vmem>>
    %dma_wait3A_360 = tpu.memref_squeeze %dma_wait3A_359 : memref<1x32x1024xf32, #tpu.memory_space<vmem>> -> memref<32x1024xf32, #tpu.memory_space<vmem>>
    %dma_wait3A_361 = arith.constant 0 : i32
    %dma_wait3A_362 = tpu.memref_slice %arg2[%add3A_354, %dma_wait3A_361] : memref<8192x1024xf32, #tpu.memory_space<hbm>> -> memref<32x1024xf32, #tpu.memory_space<hbm>>
    %dma_wait3A_363 = tpu.memref_slice %arg5[%dma_wait3A_356] : memref<3x!tpu.dma_semaphore, #tpu.memory_space<semaphore_mem>> -> memref<1x!tpu.dma_semaphore, #tpu.memory_space<semaphore_mem>>
    %dma_wait3A_364 = tpu.memref_squeeze %dma_wait3A_363 : memref<1x!tpu.dma_semaphore, #tpu.memory_space<semaphore_mem>> -> memref<!tpu.dma_semaphore, #tpu.memory_space<semaphore_mem>>
    %dma_wait3A_365 = arith.constant 0 : i32
    %dma_wait3A_366 = arith.constant 0 : i32
    %dma_wait3A_367 = tpu.memref_slice %arg4[%dma_wait3A_355, %dma_wait3A_365, %dma_wait3A_366] : memref<3x32x1024xf32, #tpu.memory_space<vmem>> -> memref<1x32x1024xf32, #tpu.memory_space<vmem>>
    %dma_wait3A_368 = tpu.memref_squeeze %dma_wait3A_367 : memref<1x32x1024xf32, #tpu.memory_space<vmem>> -> memref<32x1024xf32, #tpu.memory_space<vmem>>
    %dma_wait3A_369 = arith.constant 0 : i32
    %dma_wait3A_370 = tpu.memref_slice %arg2[%add3A_354, %dma_wait3A_369] : memref<8192x1024xf32, #tpu.memory_space<hbm>> -> memref<32x1024xf32, #tpu.memory_space<hbm>>
    tpu.wait_dma2 semaphore(%dma_wait3A_364 : memref<!tpu.dma_semaphore, #tpu.memory_space<semaphore_mem>>) src(%dma_wait3A_370 : memref<32x1024xf32, #tpu.memory_space<hbm>>) dst(%dma_wait3A_368 : memref<32x1024xf32, #tpu.memory_space<vmem>>)
    %add3A_371 = arith.constant 64 : i32
    %add3A_372 = arith.addi %mul3A_2, %add3A_371 : i32
    %add3A_373 = arith.constant 64 : i32
    %add3A_374 = arith.addi %mul3A_2, %add3A_373 : i32
    %add3A_375 = arith.constant 64 : i32
    %add3A_376 = arith.addi %mul3A_2, %add3A_375 : i32
    %add3A_377 = arith.constant 64 : i32
    %add3A_378 = arith.addi %mul3A_2, %add3A_377 : i32
    %dma_start3A_379 = arith.constant 2 : i32
    %dma_start3A_380 = arith.constant 0 : i32
    %dma_start3A_381 = arith.constant 2 : i32
    %dma_start3A_382 = arith.constant 0 : i32
    %dma_start3A_383 = arith.constant 0 : i32
    %dma_start3A_384 = tpu.memref_slice %arg4[%dma_start3A_379, %dma_start3A_382, %dma_start3A_383] : memref<3x32x1024xf32, #tpu.memory_space<vmem>> -> memref<1x32x1024xf32, #tpu.memory_space<vmem>>
    %dma_start3A_385 = tpu.memref_squeeze %dma_start3A_384 : memref<1x32x1024xf32, #tpu.memory_space<vmem>> -> memref<32x1024xf32, #tpu.memory_space<vmem>>
    %dma_start3A_386 = arith.constant 0 : i32
    %dma_start3A_387 = tpu.memref_slice %arg3[%dma_start3A_380, %add3A_372, %dma_start3A_386] : memref<4x8192x1024xf32, #tpu.memory_space<hbm>> -> memref<1x32x1024xf32, #tpu.memory_space<hbm>>
    %dma_start3A_388 = tpu.memref_squeeze %dma_start3A_387 : memref<1x32x1024xf32, #tpu.memory_space<hbm>> -> memref<32x1024xf32, #tpu.memory_space<hbm>>
    %dma_start3A_389 = tpu.memref_slice %arg6[%dma_start3A_381] : memref<3x!tpu.dma_semaphore, #tpu.memory_space<semaphore_mem>> -> memref<1x!tpu.dma_semaphore, #tpu.memory_space<semaphore_mem>>
    %dma_start3A_390 = tpu.memref_squeeze %dma_start3A_389 : memref<1x!tpu.dma_semaphore, #tpu.memory_space<semaphore_mem>> -> memref<!tpu.dma_semaphore, #tpu.memory_space<semaphore_mem>>
    %dma_start3A_391 = arith.constant 0 : i32
    %dma_start3A_392 = tpu.memref_slice %arg3[%dma_start3A_380, %add3A_372, %dma_start3A_391] : memref<4x8192x1024xf32, #tpu.memory_space<hbm>> -> memref<1x32x1024xf32, #tpu.memory_space<hbm>>
    %dma_start3A_393 = tpu.memref_squeeze %dma_start3A_392 : memref<1x32x1024xf32, #tpu.memory_space<hbm>> -> memref<32x1024xf32, #tpu.memory_space<hbm>>
    %dma_start3A_394 = arith.constant 0 : i32
    %dma_start3A_395 = arith.constant 0 : i32
    %dma_start3A_396 = tpu.memref_slice %arg4[%dma_start3A_379, %dma_start3A_394, %dma_start3A_395] : memref<3x32x1024xf32, #tpu.memory_space<vmem>> -> memref<1x32x1024xf32, #tpu.memory_space<vmem>>
    %dma_start3A_397 = tpu.memref_squeeze %dma_start3A_396 : memref<1x32x1024xf32, #tpu.memory_space<vmem>> -> memref<32x1024xf32, #tpu.memory_space<vmem>>
    tpu.enqueue_dma source(%dma_start3A_397 : memref<32x1024xf32, #tpu.memory_space<vmem>>) target(%dma_start3A_393 : memref<32x1024xf32, #tpu.memory_space<hbm>>) target_semaphore(%dma_start3A_390 : memref<!tpu.dma_semaphore, #tpu.memory_space<semaphore_mem>>)
    %dma_start3A_398 = arith.constant 2 : i32
    %dma_start3A_399 = arith.constant 1 : i32
    %dma_start3A_400 = arith.constant 2 : i32
    %dma_start3A_401 = arith.constant 0 : i32
    %dma_start3A_402 = arith.constant 0 : i32
    %dma_start3A_403 = tpu.memref_slice %arg4[%dma_start3A_398, %dma_start3A_401, %dma_start3A_402] : memref<3x32x1024xf32, #tpu.memory_space<vmem>> -> memref<1x32x1024xf32, #tpu.memory_space<vmem>>
    %dma_start3A_404 = tpu.memref_squeeze %dma_start3A_403 : memref<1x32x1024xf32, #tpu.memory_space<vmem>> -> memref<32x1024xf32, #tpu.memory_space<vmem>>
    %dma_start3A_405 = arith.constant 0 : i32
    %dma_start3A_406 = tpu.memref_slice %arg3[%dma_start3A_399, %add3A_374, %dma_start3A_405] : memref<4x8192x1024xf32, #tpu.memory_space<hbm>> -> memref<1x32x1024xf32, #tpu.memory_space<hbm>>
    %dma_start3A_407 = tpu.memref_squeeze %dma_start3A_406 : memref<1x32x1024xf32, #tpu.memory_space<hbm>> -> memref<32x1024xf32, #tpu.memory_space<hbm>>
    %dma_start3A_408 = tpu.memref_slice %arg6[%dma_start3A_400] : memref<3x!tpu.dma_semaphore, #tpu.memory_space<semaphore_mem>> -> memref<1x!tpu.dma_semaphore, #tpu.memory_space<semaphore_mem>>
    %dma_start3A_409 = tpu.memref_squeeze %dma_start3A_408 : memref<1x!tpu.dma_semaphore, #tpu.memory_space<semaphore_mem>> -> memref<!tpu.dma_semaphore, #tpu.memory_space<semaphore_mem>>
    %dma_start3A_410 = arith.constant 0 : i32
    %dma_start3A_411 = tpu.memref_slice %arg3[%dma_start3A_399, %add3A_374, %dma_start3A_410] : memref<4x8192x1024xf32, #tpu.memory_space<hbm>> -> memref<1x32x1024xf32, #tpu.memory_space<hbm>>
    %dma_start3A_412 = tpu.memref_squeeze %dma_start3A_411 : memref<1x32x1024xf32, #tpu.memory_space<hbm>> -> memref<32x1024xf32, #tpu.memory_space<hbm>>
    %dma_start3A_413 = arith.constant 0 : i32
    %dma_start3A_414 = arith.constant 0 : i32
    %dma_start3A_415 = tpu.memref_slice %arg4[%dma_start3A_398, %dma_start3A_413, %dma_start3A_414] : memref<3x32x1024xf32, #tpu.memory_space<vmem>> -> memref<1x32x1024xf32, #tpu.memory_space<vmem>>
    %dma_start3A_416 = tpu.memref_squeeze %dma_start3A_415 : memref<1x32x1024xf32, #tpu.memory_space<vmem>> -> memref<32x1024xf32, #tpu.memory_space<vmem>>
    tpu.enqueue_dma source(%dma_start3A_416 : memref<32x1024xf32, #tpu.memory_space<vmem>>) target(%dma_start3A_412 : memref<32x1024xf32, #tpu.memory_space<hbm>>) target_semaphore(%dma_start3A_409 : memref<!tpu.dma_semaphore, #tpu.memory_space<semaphore_mem>>)
    %dma_start3A_417 = arith.constant 2 : i32
    %dma_start3A_418 = arith.constant 2 : i32
    %dma_start3A_419 = arith.constant 2 : i32
    %dma_start3A_420 = arith.constant 0 : i32
    %dma_start3A_421 = arith.constant 0 : i32
    %dma_start3A_422 = tpu.memref_slice %arg4[%dma_start3A_417, %dma_start3A_420, %dma_start3A_421] : memref<3x32x1024xf32, #tpu.memory_space<vmem>> -> memref<1x32x1024xf32, #tpu.memory_space<vmem>>
    %dma_start3A_423 = tpu.memref_squeeze %dma_start3A_422 : memref<1x32x1024xf32, #tpu.memory_space<vmem>> -> memref<32x1024xf32, #tpu.memory_space<vmem>>
    %dma_start3A_424 = arith.constant 0 : i32
    %dma_start3A_425 = tpu.memref_slice %arg3[%dma_start3A_418, %add3A_376, %dma_start3A_424] : memref<4x8192x1024xf32, #tpu.memory_space<hbm>> -> memref<1x32x1024xf32, #tpu.memory_space<hbm>>
    %dma_start3A_426 = tpu.memref_squeeze %dma_start3A_425 : memref<1x32x1024xf32, #tpu.memory_space<hbm>> -> memref<32x1024xf32, #tpu.memory_space<hbm>>
    %dma_start3A_427 = tpu.memref_slice %arg6[%dma_start3A_419] : memref<3x!tpu.dma_semaphore, #tpu.memory_space<semaphore_mem>> -> memref<1x!tpu.dma_semaphore, #tpu.memory_space<semaphore_mem>>
    %dma_start3A_428 = tpu.memref_squeeze %dma_start3A_427 : memref<1x!tpu.dma_semaphore, #tpu.memory_space<semaphore_mem>> -> memref<!tpu.dma_semaphore, #tpu.memory_space<semaphore_mem>>
    %dma_start3A_429 = arith.constant 0 : i32
    %dma_start3A_430 = tpu.memref_slice %arg3[%dma_start3A_418, %add3A_376, %dma_start3A_429] : memref<4x8192x1024xf32, #tpu.memory_space<hbm>> -> memref<1x32x1024xf32, #tpu.memory_space<hbm>>
    %dma_start3A_431 = tpu.memref_squeeze %dma_start3A_430 : memref<1x32x1024xf32, #tpu.memory_space<hbm>> -> memref<32x1024xf32, #tpu.memory_space<hbm>>
    %dma_start3A_432 = arith.constant 0 : i32
    %dma_start3A_433 = arith.constant 0 : i32
    %dma_start3A_434 = tpu.memref_slice %arg4[%dma_start3A_417, %dma_start3A_432, %dma_start3A_433] : memref<3x32x1024xf32, #tpu.memory_space<vmem>> -> memref<1x32x1024xf32, #tpu.memory_space<vmem>>
    %dma_start3A_435 = tpu.memref_squeeze %dma_start3A_434 : memref<1x32x1024xf32, #tpu.memory_space<vmem>> -> memref<32x1024xf32, #tpu.memory_space<vmem>>
    tpu.enqueue_dma source(%dma_start3A_435 : memref<32x1024xf32, #tpu.memory_space<vmem>>) target(%dma_start3A_431 : memref<32x1024xf32, #tpu.memory_space<hbm>>) target_semaphore(%dma_start3A_428 : memref<!tpu.dma_semaphore, #tpu.memory_space<semaphore_mem>>)
    %dma_start3A_436 = arith.constant 2 : i32
    %dma_start3A_437 = arith.constant 3 : i32
    %dma_start3A_438 = arith.constant 2 : i32
    %dma_start3A_439 = arith.constant 0 : i32
    %dma_start3A_440 = arith.constant 0 : i32
    %dma_start3A_441 = tpu.memref_slice %arg4[%dma_start3A_436, %dma_start3A_439, %dma_start3A_440] : memref<3x32x1024xf32, #tpu.memory_space<vmem>> -> memref<1x32x1024xf32, #tpu.memory_space<vmem>>
    %dma_start3A_442 = tpu.memref_squeeze %dma_start3A_441 : memref<1x32x1024xf32, #tpu.memory_space<vmem>> -> memref<32x1024xf32, #tpu.memory_space<vmem>>
    %dma_start3A_443 = arith.constant 0 : i32
    %dma_start3A_444 = tpu.memref_slice %arg3[%dma_start3A_437, %add3A_378, %dma_start3A_443] : memref<4x8192x1024xf32, #tpu.memory_space<hbm>> -> memref<1x32x1024xf32, #tpu.memory_space<hbm>>
    %dma_start3A_445 = tpu.memref_squeeze %dma_start3A_444 : memref<1x32x1024xf32, #tpu.memory_space<hbm>> -> memref<32x1024xf32, #tpu.memory_space<hbm>>
    %dma_start3A_446 = tpu.memref_slice %arg6[%dma_start3A_438] : memref<3x!tpu.dma_semaphore, #tpu.memory_space<semaphore_mem>> -> memref<1x!tpu.dma_semaphore, #tpu.memory_space<semaphore_mem>>
    %dma_start3A_447 = tpu.memref_squeeze %dma_start3A_446 : memref<1x!tpu.dma_semaphore, #tpu.memory_space<semaphore_mem>> -> memref<!tpu.dma_semaphore, #tpu.memory_space<semaphore_mem>>
    %dma_start3A_448 = arith.constant 0 : i32
    %dma_start3A_449 = tpu.memref_slice %arg3[%dma_start3A_437, %add3A_378, %dma_start3A_448] : memref<4x8192x1024xf32, #tpu.memory_space<hbm>> -> memref<1x32x1024xf32, #tpu.memory_space<hbm>>
    %dma_start3A_450 = tpu.memref_squeeze %dma_start3A_449 : memref<1x32x1024xf32, #tpu.memory_space<hbm>> -> memref<32x1024xf32, #tpu.memory_space<hbm>>
    %dma_start3A_451 = arith.constant 0 : i32
    %dma_start3A_452 = arith.constant 0 : i32
    %dma_start3A_453 = tpu.memref_slice %arg4[%dma_start3A_436, %dma_start3A_451, %dma_start3A_452] : memref<3x32x1024xf32, #tpu.memory_space<vmem>> -> memref<1x32x1024xf32, #tpu.memory_space<vmem>>
    %dma_start3A_454 = tpu.memref_squeeze %dma_start3A_453 : memref<1x32x1024xf32, #tpu.memory_space<vmem>> -> memref<32x1024xf32, #tpu.memory_space<vmem>>
    tpu.enqueue_dma source(%dma_start3A_454 : memref<32x1024xf32, #tpu.memory_space<vmem>>) target(%dma_start3A_450 : memref<32x1024xf32, #tpu.memory_space<hbm>>) target_semaphore(%dma_start3A_447 : memref<!tpu.dma_semaphore, #tpu.memory_space<semaphore_mem>>)
    %dma_wait3A_455 = arith.constant 1 : i32
    %dma_wait3A_456 = arith.constant 0 : i32
    %dma_wait3A_457 = arith.constant 1 : i32
    %dma_wait3A_458 = arith.constant 0 : i32
    %dma_wait3A_459 = arith.constant 0 : i32
    %dma_wait3A_460 = tpu.memref_slice %arg4[%dma_wait3A_455, %dma_wait3A_458, %dma_wait3A_459] : memref<3x32x1024xf32, #tpu.memory_space<vmem>> -> memref<1x32x1024xf32, #tpu.memory_space<vmem>>
    %dma_wait3A_461 = tpu.memref_squeeze %dma_wait3A_460 : memref<1x32x1024xf32, #tpu.memory_space<vmem>> -> memref<32x1024xf32, #tpu.memory_space<vmem>>
    %dma_wait3A_462 = arith.constant 0 : i32
    %dma_wait3A_463 = tpu.memref_slice %arg3[%dma_wait3A_456, %add3A_176, %dma_wait3A_462] : memref<4x8192x1024xf32, #tpu.memory_space<hbm>> -> memref<1x32x1024xf32, #tpu.memory_space<hbm>>
    %dma_wait3A_464 = tpu.memref_squeeze %dma_wait3A_463 : memref<1x32x1024xf32, #tpu.memory_space<hbm>> -> memref<32x1024xf32, #tpu.memory_space<hbm>>
    %dma_wait3A_465 = tpu.memref_slice %arg6[%dma_wait3A_457] : memref<3x!tpu.dma_semaphore, #tpu.memory_space<semaphore_mem>> -> memref<1x!tpu.dma_semaphore, #tpu.memory_space<semaphore_mem>>
    %dma_wait3A_466 = tpu.memref_squeeze %dma_wait3A_465 : memref<1x!tpu.dma_semaphore, #tpu.memory_space<semaphore_mem>> -> memref<!tpu.dma_semaphore, #tpu.memory_space<semaphore_mem>>
    %dma_wait3A_467 = arith.constant 0 : i32
    %dma_wait3A_468 = tpu.memref_slice %arg3[%dma_wait3A_456, %add3A_176, %dma_wait3A_467] : memref<4x8192x1024xf32, #tpu.memory_space<hbm>> -> memref<1x32x1024xf32, #tpu.memory_space<hbm>>
    %dma_wait3A_469 = tpu.memref_squeeze %dma_wait3A_468 : memref<1x32x1024xf32, #tpu.memory_space<hbm>> -> memref<32x1024xf32, #tpu.memory_space<hbm>>
    %dma_wait3A_470 = arith.constant 0 : i32
    %dma_wait3A_471 = arith.constant 0 : i32
    %dma_wait3A_472 = tpu.memref_slice %arg4[%dma_wait3A_455, %dma_wait3A_470, %dma_wait3A_471] : memref<3x32x1024xf32, #tpu.memory_space<vmem>> -> memref<1x32x1024xf32, #tpu.memory_space<vmem>>
    %dma_wait3A_473 = tpu.memref_squeeze %dma_wait3A_472 : memref<1x32x1024xf32, #tpu.memory_space<vmem>> -> memref<32x1024xf32, #tpu.memory_space<vmem>>
    tpu.wait_dma2 semaphore(%dma_wait3A_466 : memref<!tpu.dma_semaphore, #tpu.memory_space<semaphore_mem>>) src(%dma_wait3A_473 : memref<32x1024xf32, #tpu.memory_space<vmem>>) dst(%dma_wait3A_469 : memref<32x1024xf32, #tpu.memory_space<hbm>>)
    %dma_wait3A_474 = arith.constant 1 : i32
    %dma_wait3A_475 = arith.constant 1 : i32
    %dma_wait3A_476 = arith.constant 1 : i32
    %dma_wait3A_477 = arith.constant 0 : i32
    %dma_wait3A_478 = arith.constant 0 : i32
    %dma_wait3A_479 = tpu.memref_slice %arg4[%dma_wait3A_474, %dma_wait3A_477, %dma_wait3A_478] : memref<3x32x1024xf32, #tpu.memory_space<vmem>> -> memref<1x32x1024xf32, #tpu.memory_space<vmem>>
    %dma_wait3A_480 = tpu.memref_squeeze %dma_wait3A_479 : memref<1x32x1024xf32, #tpu.memory_space<vmem>> -> memref<32x1024xf32, #tpu.memory_space<vmem>>
    %dma_wait3A_481 = arith.constant 0 : i32
    %dma_wait3A_482 = tpu.memref_slice %arg3[%dma_wait3A_475, %add3A_178, %dma_wait3A_481] : memref<4x8192x1024xf32, #tpu.memory_space<hbm>> -> memref<1x32x1024xf32, #tpu.memory_space<hbm>>
    %dma_wait3A_483 = tpu.memref_squeeze %dma_wait3A_482 : memref<1x32x1024xf32, #tpu.memory_space<hbm>> -> memref<32x1024xf32, #tpu.memory_space<hbm>>
    %dma_wait3A_484 = tpu.memref_slice %arg6[%dma_wait3A_476] : memref<3x!tpu.dma_semaphore, #tpu.memory_space<semaphore_mem>> -> memref<1x!tpu.dma_semaphore, #tpu.memory_space<semaphore_mem>>
    %dma_wait3A_485 = tpu.memref_squeeze %dma_wait3A_484 : memref<1x!tpu.dma_semaphore, #tpu.memory_space<semaphore_mem>> -> memref<!tpu.dma_semaphore, #tpu.memory_space<semaphore_mem>>
    %dma_wait3A_486 = arith.constant 0 : i32
    %dma_wait3A_487 = tpu.memref_slice %arg3[%dma_wait3A_475, %add3A_178, %dma_wait3A_486] : memref<4x8192x1024xf32, #tpu.memory_space<hbm>> -> memref<1x32x1024xf32, #tpu.memory_space<hbm>>
    %dma_wait3A_488 = tpu.memref_squeeze %dma_wait3A_487 : memref<1x32x1024xf32, #tpu.memory_space<hbm>> -> memref<32x1024xf32, #tpu.memory_space<hbm>>
    %dma_wait3A_489 = arith.constant 0 : i32
    %dma_wait3A_490 = arith.constant 0 : i32
    %dma_wait3A_491 = tpu.memref_slice %arg4[%dma_wait3A_474, %dma_wait3A_489, %dma_wait3A_490] : memref<3x32x1024xf32, #tpu.memory_space<vmem>> -> memref<1x32x1024xf32, #tpu.memory_space<vmem>>
    %dma_wait3A_492 = tpu.memref_squeeze %dma_wait3A_491 : memref<1x32x1024xf32, #tpu.memory_space<vmem>> -> memref<32x1024xf32, #tpu.memory_space<vmem>>
    tpu.wait_dma2 semaphore(%dma_wait3A_485 : memref<!tpu.dma_semaphore, #tpu.memory_space<semaphore_mem>>) src(%dma_wait3A_492 : memref<32x1024xf32, #tpu.memory_space<vmem>>) dst(%dma_wait3A_488 : memref<32x1024xf32, #tpu.memory_space<hbm>>)
    %dma_wait3A_493 = arith.constant 1 : i32
    %dma_wait3A_494 = arith.constant 2 : i32
    %dma_wait3A_495 = arith.constant 1 : i32
    %dma_wait3A_496 = arith.constant 0 : i32
    %dma_wait3A_497 = arith.constant 0 : i32
    %dma_wait3A_498 = tpu.memref_slice %arg4[%dma_wait3A_493, %dma_wait3A_496, %dma_wait3A_497] : memref<3x32x1024xf32, #tpu.memory_space<vmem>> -> memref<1x32x1024xf32, #tpu.memory_space<vmem>>
    %dma_wait3A_499 = tpu.memref_squeeze %dma_wait3A_498 : memref<1x32x1024xf32, #tpu.memory_space<vmem>> -> memref<32x1024xf32, #tpu.memory_space<vmem>>
    %dma_wait3A_500 = arith.constant 0 : i32
    %dma_wait3A_501 = tpu.memref_slice %arg3[%dma_wait3A_494, %add3A_180, %dma_wait3A_500] : memref<4x8192x1024xf32, #tpu.memory_space<hbm>> -> memref<1x32x1024xf32, #tpu.memory_space<hbm>>
    %dma_wait3A_502 = tpu.memref_squeeze %dma_wait3A_501 : memref<1x32x1024xf32, #tpu.memory_space<hbm>> -> memref<32x1024xf32, #tpu.memory_space<hbm>>
    %dma_wait3A_503 = tpu.memref_slice %arg6[%dma_wait3A_495] : memref<3x!tpu.dma_semaphore, #tpu.memory_space<semaphore_mem>> -> memref<1x!tpu.dma_semaphore, #tpu.memory_space<semaphore_mem>>
    %dma_wait3A_504 = tpu.memref_squeeze %dma_wait3A_503 : memref<1x!tpu.dma_semaphore, #tpu.memory_space<semaphore_mem>> -> memref<!tpu.dma_semaphore, #tpu.memory_space<semaphore_mem>>
    %dma_wait3A_505 = arith.constant 0 : i32
    %dma_wait3A_506 = tpu.memref_slice %arg3[%dma_wait3A_494, %add3A_180, %dma_wait3A_505] : memref<4x8192x1024xf32, #tpu.memory_space<hbm>> -> memref<1x32x1024xf32, #tpu.memory_space<hbm>>
    %dma_wait3A_507 = tpu.memref_squeeze %dma_wait3A_506 : memref<1x32x1024xf32, #tpu.memory_space<hbm>> -> memref<32x1024xf32, #tpu.memory_space<hbm>>
    %dma_wait3A_508 = arith.constant 0 : i32
    %dma_wait3A_509 = arith.constant 0 : i32
    %dma_wait3A_510 = tpu.memref_slice %arg4[%dma_wait3A_493, %dma_wait3A_508, %dma_wait3A_509] : memref<3x32x1024xf32, #tpu.memory_space<vmem>> -> memref<1x32x1024xf32, #tpu.memory_space<vmem>>
    %dma_wait3A_511 = tpu.memref_squeeze %dma_wait3A_510 : memref<1x32x1024xf32, #tpu.memory_space<vmem>> -> memref<32x1024xf32, #tpu.memory_space<vmem>>
    tpu.wait_dma2 semaphore(%dma_wait3A_504 : memref<!tpu.dma_semaphore, #tpu.memory_space<semaphore_mem>>) src(%dma_wait3A_511 : memref<32x1024xf32, #tpu.memory_space<vmem>>) dst(%dma_wait3A_507 : memref<32x1024xf32, #tpu.memory_space<hbm>>)
    %dma_wait3A_512 = arith.constant 1 : i32
    %dma_wait3A_513 = arith.constant 3 : i32
    %dma_wait3A_514 = arith.constant 1 : i32
    %dma_wait3A_515 = arith.constant 0 : i32
    %dma_wait3A_516 = arith.constant 0 : i32
    %dma_wait3A_517 = tpu.memref_slice %arg4[%dma_wait3A_512, %dma_wait3A_515, %dma_wait3A_516] : memref<3x32x1024xf32, #tpu.memory_space<vmem>> -> memref<1x32x1024xf32, #tpu.memory_space<vmem>>
    %dma_wait3A_518 = tpu.memref_squeeze %dma_wait3A_517 : memref<1x32x1024xf32, #tpu.memory_space<vmem>> -> memref<32x1024xf32, #tpu.memory_space<vmem>>
    %dma_wait3A_519 = arith.constant 0 : i32
    %dma_wait3A_520 = tpu.memref_slice %arg3[%dma_wait3A_513, %add3A_182, %dma_wait3A_519] : memref<4x8192x1024xf32, #tpu.memory_space<hbm>> -> memref<1x32x1024xf32, #tpu.memory_space<hbm>>
    %dma_wait3A_521 = tpu.memref_squeeze %dma_wait3A_520 : memref<1x32x1024xf32, #tpu.memory_space<hbm>> -> memref<32x1024xf32, #tpu.memory_space<hbm>>
    %dma_wait3A_522 = tpu.memref_slice %arg6[%dma_wait3A_514] : memref<3x!tpu.dma_semaphore, #tpu.memory_space<semaphore_mem>> -> memref<1x!tpu.dma_semaphore, #tpu.memory_space<semaphore_mem>>
    %dma_wait3A_523 = tpu.memref_squeeze %dma_wait3A_522 : memref<1x!tpu.dma_semaphore, #tpu.memory_space<semaphore_mem>> -> memref<!tpu.dma_semaphore, #tpu.memory_space<semaphore_mem>>
    %dma_wait3A_524 = arith.constant 0 : i32
    %dma_wait3A_525 = tpu.memref_slice %arg3[%dma_wait3A_513, %add3A_182, %dma_wait3A_524] : memref<4x8192x1024xf32, #tpu.memory_space<hbm>> -> memref<1x32x1024xf32, #tpu.memory_space<hbm>>
    %dma_wait3A_526 = tpu.memref_squeeze %dma_wait3A_525 : memref<1x32x1024xf32, #tpu.memory_space<hbm>> -> memref<32x1024xf32, #tpu.memory_space<hbm>>
    %dma_wait3A_527 = arith.constant 0 : i32
    %dma_wait3A_528 = arith.constant 0 : i32
    %dma_wait3A_529 = tpu.memref_slice %arg4[%dma_wait3A_512, %dma_wait3A_527, %dma_wait3A_528] : memref<3x32x1024xf32, #tpu.memory_space<vmem>> -> memref<1x32x1024xf32, #tpu.memory_space<vmem>>
    %dma_wait3A_530 = tpu.memref_squeeze %dma_wait3A_529 : memref<1x32x1024xf32, #tpu.memory_space<vmem>> -> memref<32x1024xf32, #tpu.memory_space<vmem>>
    tpu.wait_dma2 semaphore(%dma_wait3A_523 : memref<!tpu.dma_semaphore, #tpu.memory_space<semaphore_mem>>) src(%dma_wait3A_530 : memref<32x1024xf32, #tpu.memory_space<vmem>>) dst(%dma_wait3A_526 : memref<32x1024xf32, #tpu.memory_space<hbm>>)
    %add3A_531 = arith.constant 128 : i32
    %add3A_532 = arith.addi %mul3A_2, %add3A_531 : i32
    %dma_start3A_533 = arith.constant 1 : i32
    %dma_start3A_534 = arith.constant 1 : i32
    %dma_start3A_535 = arith.constant 0 : i32
    %dma_start3A_536 = arith.constant 0 : i32
    %dma_start3A_537 = tpu.memref_slice %arg4[%dma_start3A_533, %dma_start3A_535, %dma_start3A_536] : memref<3x32x1024xf32, #tpu.memory_space<vmem>> -> memref<1x32x1024xf32, #tpu.memory_space<vmem>>
    %dma_start3A_538 = tpu.memref_squeeze %dma_start3A_537 : memref<1x32x1024xf32, #tpu.memory_space<vmem>> -> memref<32x1024xf32, #tpu.memory_space<vmem>>
    %dma_start3A_539 = arith.constant 0 : i32
    %dma_start3A_540 = tpu.memref_slice %arg2[%add3A_532, %dma_start3A_539] : memref<8192x1024xf32, #tpu.memory_space<hbm>> -> memref<32x1024xf32, #tpu.memory_space<hbm>>
    %dma_start3A_541 = tpu.memref_slice %arg5[%dma_start3A_534] : memref<3x!tpu.dma_semaphore, #tpu.memory_space<semaphore_mem>> -> memref<1x!tpu.dma_semaphore, #tpu.memory_space<semaphore_mem>>
    %dma_start3A_542 = tpu.memref_squeeze %dma_start3A_541 : memref<1x!tpu.dma_semaphore, #tpu.memory_space<semaphore_mem>> -> memref<!tpu.dma_semaphore, #tpu.memory_space<semaphore_mem>>
    %dma_start3A_543 = arith.constant 0 : i32
    %dma_start3A_544 = arith.constant 0 : i32
    %dma_start3A_545 = tpu.memref_slice %arg4[%dma_start3A_533, %dma_start3A_543, %dma_start3A_544] : memref<3x32x1024xf32, #tpu.memory_space<vmem>> -> memref<1x32x1024xf32, #tpu.memory_space<vmem>>
    %dma_start3A_546 = tpu.memref_squeeze %dma_start3A_545 : memref<1x32x1024xf32, #tpu.memory_space<vmem>> -> memref<32x1024xf32, #tpu.memory_space<vmem>>
    %dma_start3A_547 = arith.constant 0 : i32
    %dma_start3A_548 = tpu.memref_slice %arg2[%add3A_532, %dma_start3A_547] : memref<8192x1024xf32, #tpu.memory_space<hbm>> -> memref<32x1024xf32, #tpu.memory_space<hbm>>
    tpu.enqueue_dma source(%dma_start3A_548 : memref<32x1024xf32, #tpu.memory_space<hbm>>) target(%dma_start3A_546 : memref<32x1024xf32, #tpu.memory_space<vmem>>) target_semaphore(%dma_start3A_542 : memref<!tpu.dma_semaphore, #tpu.memory_space<semaphore_mem>>)
    %add3A_549 = arith.constant 96 : i32
    %add3A_550 = arith.addi %mul3A_2, %add3A_549 : i32
    %dma_wait3A_551 = arith.constant 0 : i32
    %dma_wait3A_552 = arith.constant 0 : i32
    %dma_wait3A_553 = arith.constant 0 : i32
    %dma_wait3A_554 = arith.constant 0 : i32
    %dma_wait3A_555 = tpu.memref_slice %arg4[%dma_wait3A_551, %dma_wait3A_553, %dma_wait3A_554] : memref<3x32x1024xf32, #tpu.memory_space<vmem>> -> memref<1x32x1024xf32, #tpu.memory_space<vmem>>
    %dma_wait3A_556 = tpu.memref_squeeze %dma_wait3A_555 : memref<1x32x1024xf32, #tpu.memory_space<vmem>> -> memref<32x1024xf32, #tpu.memory_space<vmem>>
    %dma_wait3A_557 = arith.constant 0 : i32
    %dma_wait3A_558 = tpu.memref_slice %arg2[%add3A_550, %dma_wait3A_557] : memref<8192x1024xf32, #tpu.memory_space<hbm>> -> memref<32x1024xf32, #tpu.memory_space<hbm>>
    %dma_wait3A_559 = tpu.memref_slice %arg5[%dma_wait3A_552] : memref<3x!tpu.dma_semaphore, #tpu.memory_space<semaphore_mem>> -> memref<1x!tpu.dma_semaphore, #tpu.memory_space<semaphore_mem>>
    %dma_wait3A_560 = tpu.memref_squeeze %dma_wait3A_559 : memref<1x!tpu.dma_semaphore, #tpu.memory_space<semaphore_mem>> -> memref<!tpu.dma_semaphore, #tpu.memory_space<semaphore_mem>>
    %dma_wait3A_561 = arith.constant 0 : i32
    %dma_wait3A_562 = arith.constant 0 : i32
    %dma_wait3A_563 = tpu.memref_slice %arg4[%dma_wait3A_551, %dma_wait3A_561, %dma_wait3A_562] : memref<3x32x1024xf32, #tpu.memory_space<vmem>> -> memref<1x32x1024xf32, #tpu.memory_space<vmem>>
    %dma_wait3A_564 = tpu.memref_squeeze %dma_wait3A_563 : memref<1x32x1024xf32, #tpu.memory_space<vmem>> -> memref<32x1024xf32, #tpu.memory_space<vmem>>
    %dma_wait3A_565 = arith.constant 0 : i32
    %dma_wait3A_566 = tpu.memref_slice %arg2[%add3A_550, %dma_wait3A_565] : memref<8192x1024xf32, #tpu.memory_space<hbm>> -> memref<32x1024xf32, #tpu.memory_space<hbm>>
    tpu.wait_dma2 semaphore(%dma_wait3A_560 : memref<!tpu.dma_semaphore, #tpu.memory_space<semaphore_mem>>) src(%dma_wait3A_566 : memref<32x1024xf32, #tpu.memory_space<hbm>>) dst(%dma_wait3A_564 : memref<32x1024xf32, #tpu.memory_space<vmem>>)
    %add3A_567 = arith.constant 96 : i32
    %add3A_568 = arith.addi %mul3A_2, %add3A_567 : i32
    %add3A_569 = arith.constant 96 : i32
    %add3A_570 = arith.addi %mul3A_2, %add3A_569 : i32
    %add3A_571 = arith.constant 96 : i32
    %add3A_572 = arith.addi %mul3A_2, %add3A_571 : i32
    %add3A_573 = arith.constant 96 : i32
    %add3A_574 = arith.addi %mul3A_2, %add3A_573 : i32
    %dma_start3A_575 = arith.constant 0 : i32
    %dma_start3A_576 = arith.constant 0 : i32
    %dma_start3A_577 = arith.constant 0 : i32
    %dma_start3A_578 = arith.constant 0 : i32
    %dma_start3A_579 = arith.constant 0 : i32
    %dma_start3A_580 = tpu.memref_slice %arg4[%dma_start3A_575, %dma_start3A_578, %dma_start3A_579] : memref<3x32x1024xf32, #tpu.memory_space<vmem>> -> memref<1x32x1024xf32, #tpu.memory_space<vmem>>
    %dma_start3A_581 = tpu.memref_squeeze %dma_start3A_580 : memref<1x32x1024xf32, #tpu.memory_space<vmem>> -> memref<32x1024xf32, #tpu.memory_space<vmem>>
    %dma_start3A_582 = arith.constant 0 : i32
    %dma_start3A_583 = tpu.memref_slice %arg3[%dma_start3A_576, %add3A_568, %dma_start3A_582] : memref<4x8192x1024xf32, #tpu.memory_space<hbm>> -> memref<1x32x1024xf32, #tpu.memory_space<hbm>>
    %dma_start3A_584 = tpu.memref_squeeze %dma_start3A_583 : memref<1x32x1024xf32, #tpu.memory_space<hbm>> -> memref<32x1024xf32, #tpu.memory_space<hbm>>
    %dma_start3A_585 = tpu.memref_slice %arg6[%dma_start3A_577] : memref<3x!tpu.dma_semaphore, #tpu.memory_space<semaphore_mem>> -> memref<1x!tpu.dma_semaphore, #tpu.memory_space<semaphore_mem>>
    %dma_start3A_586 = tpu.memref_squeeze %dma_start3A_585 : memref<1x!tpu.dma_semaphore, #tpu.memory_space<semaphore_mem>> -> memref<!tpu.dma_semaphore, #tpu.memory_space<semaphore_mem>>
    %dma_start3A_587 = arith.constant 0 : i32
    %dma_start3A_588 = tpu.memref_slice %arg3[%dma_start3A_576, %add3A_568, %dma_start3A_587] : memref<4x8192x1024xf32, #tpu.memory_space<hbm>> -> memref<1x32x1024xf32, #tpu.memory_space<hbm>>
    %dma_start3A_589 = tpu.memref_squeeze %dma_start3A_588 : memref<1x32x1024xf32, #tpu.memory_space<hbm>> -> memref<32x1024xf32, #tpu.memory_space<hbm>>
    %dma_start3A_590 = arith.constant 0 : i32
    %dma_start3A_591 = arith.constant 0 : i32
    %dma_start3A_592 = tpu.memref_slice %arg4[%dma_start3A_575, %dma_start3A_590, %dma_start3A_591] : memref<3x32x1024xf32, #tpu.memory_space<vmem>> -> memref<1x32x1024xf32, #tpu.memory_space<vmem>>
    %dma_start3A_593 = tpu.memref_squeeze %dma_start3A_592 : memref<1x32x1024xf32, #tpu.memory_space<vmem>> -> memref<32x1024xf32, #tpu.memory_space<vmem>>
    tpu.enqueue_dma source(%dma_start3A_593 : memref<32x1024xf32, #tpu.memory_space<vmem>>) target(%dma_start3A_589 : memref<32x1024xf32, #tpu.memory_space<hbm>>) target_semaphore(%dma_start3A_586 : memref<!tpu.dma_semaphore, #tpu.memory_space<semaphore_mem>>)
    %dma_start3A_594 = arith.constant 0 : i32
    %dma_start3A_595 = arith.constant 1 : i32
    %dma_start3A_596 = arith.constant 0 : i32
    %dma_start3A_597 = arith.constant 0 : i32
    %dma_start3A_598 = arith.constant 0 : i32
    %dma_start3A_599 = tpu.memref_slice %arg4[%dma_start3A_594, %dma_start3A_597, %dma_start3A_598] : memref<3x32x1024xf32, #tpu.memory_space<vmem>> -> memref<1x32x1024xf32, #tpu.memory_space<vmem>>
    %dma_start3A_600 = tpu.memref_squeeze %dma_start3A_599 : memref<1x32x1024xf32, #tpu.memory_space<vmem>> -> memref<32x1024xf32, #tpu.memory_space<vmem>>
    %dma_start3A_601 = arith.constant 0 : i32
    %dma_start3A_602 = tpu.memref_slice %arg3[%dma_start3A_595, %add3A_570, %dma_start3A_601] : memref<4x8192x1024xf32, #tpu.memory_space<hbm>> -> memref<1x32x1024xf32, #tpu.memory_space<hbm>>
    %dma_start3A_603 = tpu.memref_squeeze %dma_start3A_602 : memref<1x32x1024xf32, #tpu.memory_space<hbm>> -> memref<32x1024xf32, #tpu.memory_space<hbm>>
    %dma_start3A_604 = tpu.memref_slice %arg6[%dma_start3A_596] : memref<3x!tpu.dma_semaphore, #tpu.memory_space<semaphore_mem>> -> memref<1x!tpu.dma_semaphore, #tpu.memory_space<semaphore_mem>>
    %dma_start3A_605 = tpu.memref_squeeze %dma_start3A_604 : memref<1x!tpu.dma_semaphore, #tpu.memory_space<semaphore_mem>> -> memref<!tpu.dma_semaphore, #tpu.memory_space<semaphore_mem>>
    %dma_start3A_606 = arith.constant 0 : i32
    %dma_start3A_607 = tpu.memref_slice %arg3[%dma_start3A_595, %add3A_570, %dma_start3A_606] : memref<4x8192x1024xf32, #tpu.memory_space<hbm>> -> memref<1x32x1024xf32, #tpu.memory_space<hbm>>
    %dma_start3A_608 = tpu.memref_squeeze %dma_start3A_607 : memref<1x32x1024xf32, #tpu.memory_space<hbm>> -> memref<32x1024xf32, #tpu.memory_space<hbm>>
    %dma_start3A_609 = arith.constant 0 : i32
    %dma_start3A_610 = arith.constant 0 : i32
    %dma_start3A_611 = tpu.memref_slice %arg4[%dma_start3A_594, %dma_start3A_609, %dma_start3A_610] : memref<3x32x1024xf32, #tpu.memory_space<vmem>> -> memref<1x32x1024xf32, #tpu.memory_space<vmem>>
    %dma_start3A_612 = tpu.memref_squeeze %dma_start3A_611 : memref<1x32x1024xf32, #tpu.memory_space<vmem>> -> memref<32x1024xf32, #tpu.memory_space<vmem>>
    tpu.enqueue_dma source(%dma_start3A_612 : memref<32x1024xf32, #tpu.memory_space<vmem>>) target(%dma_start3A_608 : memref<32x1024xf32, #tpu.memory_space<hbm>>) target_semaphore(%dma_start3A_605 : memref<!tpu.dma_semaphore, #tpu.memory_space<semaphore_mem>>)
    %dma_start3A_613 = arith.constant 0 : i32
    %dma_start3A_614 = arith.constant 2 : i32
    %dma_start3A_615 = arith.constant 0 : i32
    %dma_start3A_616 = arith.constant 0 : i32
    %dma_start3A_617 = arith.constant 0 : i32
    %dma_start3A_618 = tpu.memref_slice %arg4[%dma_start3A_613, %dma_start3A_616, %dma_start3A_617] : memref<3x32x1024xf32, #tpu.memory_space<vmem>> -> memref<1x32x1024xf32, #tpu.memory_space<vmem>>
    %dma_start3A_619 = tpu.memref_squeeze %dma_start3A_618 : memref<1x32x1024xf32, #tpu.memory_space<vmem>> -> memref<32x1024xf32, #tpu.memory_space<vmem>>
    %dma_start3A_620 = arith.constant 0 : i32
    %dma_start3A_621 = tpu.memref_slice %arg3[%dma_start3A_614, %add3A_572, %dma_start3A_620] : memref<4x8192x1024xf32, #tpu.memory_space<hbm>> -> memref<1x32x1024xf32, #tpu.memory_space<hbm>>
    %dma_start3A_622 = tpu.memref_squeeze %dma_start3A_621 : memref<1x32x1024xf32, #tpu.memory_space<hbm>> -> memref<32x1024xf32, #tpu.memory_space<hbm>>
    %dma_start3A_623 = tpu.memref_slice %arg6[%dma_start3A_615] : memref<3x!tpu.dma_semaphore, #tpu.memory_space<semaphore_mem>> -> memref<1x!tpu.dma_semaphore, #tpu.memory_space<semaphore_mem>>
    %dma_start3A_624 = tpu.memref_squeeze %dma_start3A_623 : memref<1x!tpu.dma_semaphore, #tpu.memory_space<semaphore_mem>> -> memref<!tpu.dma_semaphore, #tpu.memory_space<semaphore_mem>>
    %dma_start3A_625 = arith.constant 0 : i32
    %dma_start3A_626 = tpu.memref_slice %arg3[%dma_start3A_614, %add3A_572, %dma_start3A_625] : memref<4x8192x1024xf32, #tpu.memory_space<hbm>> -> memref<1x32x1024xf32, #tpu.memory_space<hbm>>
    %dma_start3A_627 = tpu.memref_squeeze %dma_start3A_626 : memref<1x32x1024xf32, #tpu.memory_space<hbm>> -> memref<32x1024xf32, #tpu.memory_space<hbm>>
    %dma_start3A_628 = arith.constant 0 : i32
    %dma_start3A_629 = arith.constant 0 : i32
    %dma_start3A_630 = tpu.memref_slice %arg4[%dma_start3A_613, %dma_start3A_628, %dma_start3A_629] : memref<3x32x1024xf32, #tpu.memory_space<vmem>> -> memref<1x32x1024xf32, #tpu.memory_space<vmem>>
    %dma_start3A_631 = tpu.memref_squeeze %dma_start3A_630 : memref<1x32x1024xf32, #tpu.memory_space<vmem>> -> memref<32x1024xf32, #tpu.memory_space<vmem>>
    tpu.enqueue_dma source(%dma_start3A_631 : memref<32x1024xf32, #tpu.memory_space<vmem>>) target(%dma_start3A_627 : memref<32x1024xf32, #tpu.memory_space<hbm>>) target_semaphore(%dma_start3A_624 : memref<!tpu.dma_semaphore, #tpu.memory_space<semaphore_mem>>)
    %dma_start3A_632 = arith.constant 0 : i32
    %dma_start3A_633 = arith.constant 3 : i32
    %dma_start3A_634 = arith.constant 0 : i32
    %dma_start3A_635 = arith.constant 0 : i32
    %dma_start3A_636 = arith.constant 0 : i32
    %dma_start3A_637 = tpu.memref_slice %arg4[%dma_start3A_632, %dma_start3A_635, %dma_start3A_636] : memref<3x32x1024xf32, #tpu.memory_space<vmem>> -> memref<1x32x1024xf32, #tpu.memory_space<vmem>>
    %dma_start3A_638 = tpu.memref_squeeze %dma_start3A_637 : memref<1x32x1024xf32, #tpu.memory_space<vmem>> -> memref<32x1024xf32, #tpu.memory_space<vmem>>
    %dma_start3A_639 = arith.constant 0 : i32
    %dma_start3A_640 = tpu.memref_slice %arg3[%dma_start3A_633, %add3A_574, %dma_start3A_639] : memref<4x8192x1024xf32, #tpu.memory_space<hbm>> -> memref<1x32x1024xf32, #tpu.memory_space<hbm>>
    %dma_start3A_641 = tpu.memref_squeeze %dma_start3A_640 : memref<1x32x1024xf32, #tpu.memory_space<hbm>> -> memref<32x1024xf32, #tpu.memory_space<hbm>>
    %dma_start3A_642 = tpu.memref_slice %arg6[%dma_start3A_634] : memref<3x!tpu.dma_semaphore, #tpu.memory_space<semaphore_mem>> -> memref<1x!tpu.dma_semaphore, #tpu.memory_space<semaphore_mem>>
    %dma_start3A_643 = tpu.memref_squeeze %dma_start3A_642 : memref<1x!tpu.dma_semaphore, #tpu.memory_space<semaphore_mem>> -> memref<!tpu.dma_semaphore, #tpu.memory_space<semaphore_mem>>
    %dma_start3A_644 = arith.constant 0 : i32
    %dma_start3A_645 = tpu.memref_slice %arg3[%dma_start3A_633, %add3A_574, %dma_start3A_644] : memref<4x8192x1024xf32, #tpu.memory_space<hbm>> -> memref<1x32x1024xf32, #tpu.memory_space<hbm>>
    %dma_start3A_646 = tpu.memref_squeeze %dma_start3A_645 : memref<1x32x1024xf32, #tpu.memory_space<hbm>> -> memref<32x1024xf32, #tpu.memory_space<hbm>>
    %dma_start3A_647 = arith.constant 0 : i32
    %dma_start3A_648 = arith.constant 0 : i32
    %dma_start3A_649 = tpu.memref_slice %arg4[%dma_start3A_632, %dma_start3A_647, %dma_start3A_648] : memref<3x32x1024xf32, #tpu.memory_space<vmem>> -> memref<1x32x1024xf32, #tpu.memory_space<vmem>>
    %dma_start3A_650 = tpu.memref_squeeze %dma_start3A_649 : memref<1x32x1024xf32, #tpu.memory_space<vmem>> -> memref<32x1024xf32, #tpu.memory_space<vmem>>
    tpu.enqueue_dma source(%dma_start3A_650 : memref<32x1024xf32, #tpu.memory_space<vmem>>) target(%dma_start3A_646 : memref<32x1024xf32, #tpu.memory_space<hbm>>) target_semaphore(%dma_start3A_643 : memref<!tpu.dma_semaphore, #tpu.memory_space<semaphore_mem>>)
    %dma_wait3A_651 = arith.constant 2 : i32
    %dma_wait3A_652 = arith.constant 0 : i32
    %dma_wait3A_653 = arith.constant 2 : i32
    %dma_wait3A_654 = arith.constant 0 : i32
    %dma_wait3A_655 = arith.constant 0 : i32
    %dma_wait3A_656 = tpu.memref_slice %arg4[%dma_wait3A_651, %dma_wait3A_654, %dma_wait3A_655] : memref<3x32x1024xf32, #tpu.memory_space<vmem>> -> memref<1x32x1024xf32, #tpu.memory_space<vmem>>
    %dma_wait3A_657 = tpu.memref_squeeze %dma_wait3A_656 : memref<1x32x1024xf32, #tpu.memory_space<vmem>> -> memref<32x1024xf32, #tpu.memory_space<vmem>>
    %dma_wait3A_658 = arith.constant 0 : i32
    %dma_wait3A_659 = tpu.memref_slice %arg3[%dma_wait3A_652, %add3A_372, %dma_wait3A_658] : memref<4x8192x1024xf32, #tpu.memory_space<hbm>> -> memref<1x32x1024xf32, #tpu.memory_space<hbm>>
    %dma_wait3A_660 = tpu.memref_squeeze %dma_wait3A_659 : memref<1x32x1024xf32, #tpu.memory_space<hbm>> -> memref<32x1024xf32, #tpu.memory_space<hbm>>
    %dma_wait3A_661 = tpu.memref_slice %arg6[%dma_wait3A_653] : memref<3x!tpu.dma_semaphore, #tpu.memory_space<semaphore_mem>> -> memref<1x!tpu.dma_semaphore, #tpu.memory_space<semaphore_mem>>
    %dma_wait3A_662 = tpu.memref_squeeze %dma_wait3A_661 : memref<1x!tpu.dma_semaphore, #tpu.memory_space<semaphore_mem>> -> memref<!tpu.dma_semaphore, #tpu.memory_space<semaphore_mem>>
    %dma_wait3A_663 = arith.constant 0 : i32
    %dma_wait3A_664 = tpu.memref_slice %arg3[%dma_wait3A_652, %add3A_372, %dma_wait3A_663] : memref<4x8192x1024xf32, #tpu.memory_space<hbm>> -> memref<1x32x1024xf32, #tpu.memory_space<hbm>>
    %dma_wait3A_665 = tpu.memref_squeeze %dma_wait3A_664 : memref<1x32x1024xf32, #tpu.memory_space<hbm>> -> memref<32x1024xf32, #tpu.memory_space<hbm>>
    %dma_wait3A_666 = arith.constant 0 : i32
    %dma_wait3A_667 = arith.constant 0 : i32
    %dma_wait3A_668 = tpu.memref_slice %arg4[%dma_wait3A_651, %dma_wait3A_666, %dma_wait3A_667] : memref<3x32x1024xf32, #tpu.memory_space<vmem>> -> memref<1x32x1024xf32, #tpu.memory_space<vmem>>
    %dma_wait3A_669 = tpu.memref_squeeze %dma_wait3A_668 : memref<1x32x1024xf32, #tpu.memory_space<vmem>> -> memref<32x1024xf32, #tpu.memory_space<vmem>>
    tpu.wait_dma2 semaphore(%dma_wait3A_662 : memref<!tpu.dma_semaphore, #tpu.memory_space<semaphore_mem>>) src(%dma_wait3A_669 : memref<32x1024xf32, #tpu.memory_space<vmem>>) dst(%dma_wait3A_665 : memref<32x1024xf32, #tpu.memory_space<hbm>>)
    %dma_wait3A_670 = arith.constant 2 : i32
    %dma_wait3A_671 = arith.constant 1 : i32
    %dma_wait3A_672 = arith.constant 2 : i32
    %dma_wait3A_673 = arith.constant 0 : i32
    %dma_wait3A_674 = arith.constant 0 : i32
    %dma_wait3A_675 = tpu.memref_slice %arg4[%dma_wait3A_670, %dma_wait3A_673, %dma_wait3A_674] : memref<3x32x1024xf32, #tpu.memory_space<vmem>> -> memref<1x32x1024xf32, #tpu.memory_space<vmem>>
    %dma_wait3A_676 = tpu.memref_squeeze %dma_wait3A_675 : memref<1x32x1024xf32, #tpu.memory_space<vmem>> -> memref<32x1024xf32, #tpu.memory_space<vmem>>
    %dma_wait3A_677 = arith.constant 0 : i32
    %dma_wait3A_678 = tpu.memref_slice %arg3[%dma_wait3A_671, %add3A_374, %dma_wait3A_677] : memref<4x8192x1024xf32, #tpu.memory_space<hbm>> -> memref<1x32x1024xf32, #tpu.memory_space<hbm>>
    %dma_wait3A_679 = tpu.memref_squeeze %dma_wait3A_678 : memref<1x32x1024xf32, #tpu.memory_space<hbm>> -> memref<32x1024xf32, #tpu.memory_space<hbm>>
    %dma_wait3A_680 = tpu.memref_slice %arg6[%dma_wait3A_672] : memref<3x!tpu.dma_semaphore, #tpu.memory_space<semaphore_mem>> -> memref<1x!tpu.dma_semaphore, #tpu.memory_space<semaphore_mem>>
    %dma_wait3A_681 = tpu.memref_squeeze %dma_wait3A_680 : memref<1x!tpu.dma_semaphore, #tpu.memory_space<semaphore_mem>> -> memref<!tpu.dma_semaphore, #tpu.memory_space<semaphore_mem>>
    %dma_wait3A_682 = arith.constant 0 : i32
    %dma_wait3A_683 = tpu.memref_slice %arg3[%dma_wait3A_671, %add3A_374, %dma_wait3A_682] : memref<4x8192x1024xf32, #tpu.memory_space<hbm>> -> memref<1x32x1024xf32, #tpu.memory_space<hbm>>
    %dma_wait3A_684 = tpu.memref_squeeze %dma_wait3A_683 : memref<1x32x1024xf32, #tpu.memory_space<hbm>> -> memref<32x1024xf32, #tpu.memory_space<hbm>>
    %dma_wait3A_685 = arith.constant 0 : i32
    %dma_wait3A_686 = arith.constant 0 : i32
    %dma_wait3A_687 = tpu.memref_slice %arg4[%dma_wait3A_670, %dma_wait3A_685, %dma_wait3A_686] : memref<3x32x1024xf32, #tpu.memory_space<vmem>> -> memref<1x32x1024xf32, #tpu.memory_space<vmem>>
    %dma_wait3A_688 = tpu.memref_squeeze %dma_wait3A_687 : memref<1x32x1024xf32, #tpu.memory_space<vmem>> -> memref<32x1024xf32, #tpu.memory_space<vmem>>
    tpu.wait_dma2 semaphore(%dma_wait3A_681 : memref<!tpu.dma_semaphore, #tpu.memory_space<semaphore_mem>>) src(%dma_wait3A_688 : memref<32x1024xf32, #tpu.memory_space<vmem>>) dst(%dma_wait3A_684 : memref<32x1024xf32, #tpu.memory_space<hbm>>)
    %dma_wait3A_689 = arith.constant 2 : i32
    %dma_wait3A_690 = arith.constant 2 : i32
    %dma_wait3A_691 = arith.constant 2 : i32
    %dma_wait3A_692 = arith.constant 0 : i32
    %dma_wait3A_693 = arith.constant 0 : i32
    %dma_wait3A_694 = tpu.memref_slice %arg4[%dma_wait3A_689, %dma_wait3A_692, %dma_wait3A_693] : memref<3x32x1024xf32, #tpu.memory_space<vmem>> -> memref<1x32x1024xf32, #tpu.memory_space<vmem>>
    %dma_wait3A_695 = tpu.memref_squeeze %dma_wait3A_694 : memref<1x32x1024xf32, #tpu.memory_space<vmem>> -> memref<32x1024xf32, #tpu.memory_space<vmem>>
    %dma_wait3A_696 = arith.constant 0 : i32
    %dma_wait3A_697 = tpu.memref_slice %arg3[%dma_wait3A_690, %add3A_376, %dma_wait3A_696] : memref<4x8192x1024xf32, #tpu.memory_space<hbm>> -> memref<1x32x1024xf32, #tpu.memory_space<hbm>>
    %dma_wait3A_698 = tpu.memref_squeeze %dma_wait3A_697 : memref<1x32x1024xf32, #tpu.memory_space<hbm>> -> memref<32x1024xf32, #tpu.memory_space<hbm>>
    %dma_wait3A_699 = tpu.memref_slice %arg6[%dma_wait3A_691] : memref<3x!tpu.dma_semaphore, #tpu.memory_space<semaphore_mem>> -> memref<1x!tpu.dma_semaphore, #tpu.memory_space<semaphore_mem>>
    %dma_wait3A_700 = tpu.memref_squeeze %dma_wait3A_699 : memref<1x!tpu.dma_semaphore, #tpu.memory_space<semaphore_mem>> -> memref<!tpu.dma_semaphore, #tpu.memory_space<semaphore_mem>>
    %dma_wait3A_701 = arith.constant 0 : i32
    %dma_wait3A_702 = tpu.memref_slice %arg3[%dma_wait3A_690, %add3A_376, %dma_wait3A_701] : memref<4x8192x1024xf32, #tpu.memory_space<hbm>> -> memref<1x32x1024xf32, #tpu.memory_space<hbm>>
    %dma_wait3A_703 = tpu.memref_squeeze %dma_wait3A_702 : memref<1x32x1024xf32, #tpu.memory_space<hbm>> -> memref<32x1024xf32, #tpu.memory_space<hbm>>
    %dma_wait3A_704 = arith.constant 0 : i32
    %dma_wait3A_705 = arith.constant 0 : i32
    %dma_wait3A_706 = tpu.memref_slice %arg4[%dma_wait3A_689, %dma_wait3A_704, %dma_wait3A_705] : memref<3x32x1024xf32, #tpu.memory_space<vmem>> -> memref<1x32x1024xf32, #tpu.memory_space<vmem>>
    %dma_wait3A_707 = tpu.memref_squeeze %dma_wait3A_706 : memref<1x32x1024xf32, #tpu.memory_space<vmem>> -> memref<32x1024xf32, #tpu.memory_space<vmem>>
    tpu.wait_dma2 semaphore(%dma_wait3A_700 : memref<!tpu.dma_semaphore, #tpu.memory_space<semaphore_mem>>) src(%dma_wait3A_707 : memref<32x1024xf32, #tpu.memory_space<vmem>>) dst(%dma_wait3A_703 : memref<32x1024xf32, #tpu.memory_space<hbm>>)
    %dma_wait3A_708 = arith.constant 2 : i32
    %dma_wait3A_709 = arith.constant 3 : i32
    %dma_wait3A_710 = arith.constant 2 : i32
    %dma_wait3A_711 = arith.constant 0 : i32
    %dma_wait3A_712 = arith.constant 0 : i32
    %dma_wait3A_713 = tpu.memref_slice %arg4[%dma_wait3A_708, %dma_wait3A_711, %dma_wait3A_712] : memref<3x32x1024xf32, #tpu.memory_space<vmem>> -> memref<1x32x1024xf32, #tpu.memory_space<vmem>>
    %dma_wait3A_714 = tpu.memref_squeeze %dma_wait3A_713 : memref<1x32x1024xf32, #tpu.memory_space<vmem>> -> memref<32x1024xf32, #tpu.memory_space<vmem>>
    %dma_wait3A_715 = arith.constant 0 : i32
    %dma_wait3A_716 = tpu.memref_slice %arg3[%dma_wait3A_709, %add3A_378, %dma_wait3A_715] : memref<4x8192x1024xf32, #tpu.memory_space<hbm>> -> memref<1x32x1024xf32, #tpu.memory_space<hbm>>
    %dma_wait3A_717 = tpu.memref_squeeze %dma_wait3A_716 : memref<1x32x1024xf32, #tpu.memory_space<hbm>> -> memref<32x1024xf32, #tpu.memory_space<hbm>>
    %dma_wait3A_718 = tpu.memref_slice %arg6[%dma_wait3A_710] : memref<3x!tpu.dma_semaphore, #tpu.memory_space<semaphore_mem>> -> memref<1x!tpu.dma_semaphore, #tpu.memory_space<semaphore_mem>>
    %dma_wait3A_719 = tpu.memref_squeeze %dma_wait3A_718 : memref<1x!tpu.dma_semaphore, #tpu.memory_space<semaphore_mem>> -> memref<!tpu.dma_semaphore, #tpu.memory_space<semaphore_mem>>
    %dma_wait3A_720 = arith.constant 0 : i32
    %dma_wait3A_721 = tpu.memref_slice %arg3[%dma_wait3A_709, %add3A_378, %dma_wait3A_720] : memref<4x8192x1024xf32, #tpu.memory_space<hbm>> -> memref<1x32x1024xf32, #tpu.memory_space<hbm>>
    %dma_wait3A_722 = tpu.memref_squeeze %dma_wait3A_721 : memref<1x32x1024xf32, #tpu.memory_space<hbm>> -> memref<32x1024xf32, #tpu.memory_space<hbm>>
    %dma_wait3A_723 = arith.constant 0 : i32
    %dma_wait3A_724 = arith.constant 0 : i32
    %dma_wait3A_725 = tpu.memref_slice %arg4[%dma_wait3A_708, %dma_wait3A_723, %dma_wait3A_724] : memref<3x32x1024xf32, #tpu.memory_space<vmem>> -> memref<1x32x1024xf32, #tpu.memory_space<vmem>>
    %dma_wait3A_726 = tpu.memref_squeeze %dma_wait3A_725 : memref<1x32x1024xf32, #tpu.memory_space<vmem>> -> memref<32x1024xf32, #tpu.memory_space<vmem>>
    tpu.wait_dma2 semaphore(%dma_wait3A_719 : memref<!tpu.dma_semaphore, #tpu.memory_space<semaphore_mem>>) src(%dma_wait3A_726 : memref<32x1024xf32, #tpu.memory_space<vmem>>) dst(%dma_wait3A_722 : memref<32x1024xf32, #tpu.memory_space<hbm>>)
    %add3A_727 = arith.constant 160 : i32
    %add3A_728 = arith.addi %mul3A_2, %add3A_727 : i32
    %dma_start3A_729 = arith.constant 2 : i32
    %dma_start3A_730 = arith.constant 2 : i32
    %dma_start3A_731 = arith.constant 0 : i32
    %dma_start3A_732 = arith.constant 0 : i32
    %dma_start3A_733 = tpu.memref_slice %arg4[%dma_start3A_729, %dma_start3A_731, %dma_start3A_732] : memref<3x32x1024xf32, #tpu.memory_space<vmem>> -> memref<1x32x1024xf32, #tpu.memory_space<vmem>>
    %dma_start3A_734 = tpu.memref_squeeze %dma_start3A_733 : memref<1x32x1024xf32, #tpu.memory_space<vmem>> -> memref<32x1024xf32, #tpu.memory_space<vmem>>
    %dma_start3A_735 = arith.constant 0 : i32
    %dma_start3A_736 = tpu.memref_slice %arg2[%add3A_728, %dma_start3A_735] : memref<8192x1024xf32, #tpu.memory_space<hbm>> -> memref<32x1024xf32, #tpu.memory_space<hbm>>
    %dma_start3A_737 = tpu.memref_slice %arg5[%dma_start3A_730] : memref<3x!tpu.dma_semaphore, #tpu.memory_space<semaphore_mem>> -> memref<1x!tpu.dma_semaphore, #tpu.memory_space<semaphore_mem>>
    %dma_start3A_738 = tpu.memref_squeeze %dma_start3A_737 : memref<1x!tpu.dma_semaphore, #tpu.memory_space<semaphore_mem>> -> memref<!tpu.dma_semaphore, #tpu.memory_space<semaphore_mem>>
    %dma_start3A_739 = arith.constant 0 : i32
    %dma_start3A_740 = arith.constant 0 : i32
    %dma_start3A_741 = tpu.memref_slice %arg4[%dma_start3A_729, %dma_start3A_739, %dma_start3A_740] : memref<3x32x1024xf32, #tpu.memory_space<vmem>> -> memref<1x32x1024xf32, #tpu.memory_space<vmem>>
    %dma_start3A_742 = tpu.memref_squeeze %dma_start3A_741 : memref<1x32x1024xf32, #tpu.memory_space<vmem>> -> memref<32x1024xf32, #tpu.memory_space<vmem>>
    %dma_start3A_743 = arith.constant 0 : i32
    %dma_start3A_744 = tpu.memref_slice %arg2[%add3A_728, %dma_start3A_743] : memref<8192x1024xf32, #tpu.memory_space<hbm>> -> memref<32x1024xf32, #tpu.memory_space<hbm>>
    tpu.enqueue_dma source(%dma_start3A_744 : memref<32x1024xf32, #tpu.memory_space<hbm>>) target(%dma_start3A_742 : memref<32x1024xf32, #tpu.memory_space<vmem>>) target_semaphore(%dma_start3A_738 : memref<!tpu.dma_semaphore, #tpu.memory_space<semaphore_mem>>)
    %add3A_745 = arith.constant 128 : i32
    %add3A_746 = arith.addi %mul3A_2, %add3A_745 : i32
    %dma_wait3A_747 = arith.constant 1 : i32
    %dma_wait3A_748 = arith.constant 1 : i32
    %dma_wait3A_749 = arith.constant 0 : i32
    %dma_wait3A_750 = arith.constant 0 : i32
    %dma_wait3A_751 = tpu.memref_slice %arg4[%dma_wait3A_747, %dma_wait3A_749, %dma_wait3A_750] : memref<3x32x1024xf32, #tpu.memory_space<vmem>> -> memref<1x32x1024xf32, #tpu.memory_space<vmem>>
    %dma_wait3A_752 = tpu.memref_squeeze %dma_wait3A_751 : memref<1x32x1024xf32, #tpu.memory_space<vmem>> -> memref<32x1024xf32, #tpu.memory_space<vmem>>
    %dma_wait3A_753 = arith.constant 0 : i32
    %dma_wait3A_754 = tpu.memref_slice %arg2[%add3A_746, %dma_wait3A_753] : memref<8192x1024xf32, #tpu.memory_space<hbm>> -> memref<32x1024xf32, #tpu.memory_space<hbm>>
    %dma_wait3A_755 = tpu.memref_slice %arg5[%dma_wait3A_748] : memref<3x!tpu.dma_semaphore, #tpu.memory_space<semaphore_mem>> -> memref<1x!tpu.dma_semaphore, #tpu.memory_space<semaphore_mem>>
    %dma_wait3A_756 = tpu.memref_squeeze %dma_wait3A_755 : memref<1x!tpu.dma_semaphore, #tpu.memory_space<semaphore_mem>> -> memref<!tpu.dma_semaphore, #tpu.memory_space<semaphore_mem>>
    %dma_wait3A_757 = arith.constant 0 : i32
    %dma_wait3A_758 = arith.constant 0 : i32
    %dma_wait3A_759 = tpu.memref_slice %arg4[%dma_wait3A_747, %dma_wait3A_757, %dma_wait3A_758] : memref<3x32x1024xf32, #tpu.memory_space<vmem>> -> memref<1x32x1024xf32, #tpu.memory_space<vmem>>
    %dma_wait3A_760 = tpu.memref_squeeze %dma_wait3A_759 : memref<1x32x1024xf32, #tpu.memory_space<vmem>> -> memref<32x1024xf32, #tpu.memory_space<vmem>>
    %dma_wait3A_761 = arith.constant 0 : i32
    %dma_wait3A_762 = tpu.memref_slice %arg2[%add3A_746, %dma_wait3A_761] : memref<8192x1024xf32, #tpu.memory_space<hbm>> -> memref<32x1024xf32, #tpu.memory_space<hbm>>
    tpu.wait_dma2 semaphore(%dma_wait3A_756 : memref<!tpu.dma_semaphore, #tpu.memory_space<semaphore_mem>>) src(%dma_wait3A_762 : memref<32x1024xf32, #tpu.memory_space<hbm>>) dst(%dma_wait3A_760 : memref<32x1024xf32, #tpu.memory_space<vmem>>)
    %add3A_763 = arith.constant 128 : i32
    %add3A_764 = arith.addi %mul3A_2, %add3A_763 : i32
    %add3A_765 = arith.constant 128 : i32
    %add3A_766 = arith.addi %mul3A_2, %add3A_765 : i32
    %add3A_767 = arith.constant 128 : i32
    %add3A_768 = arith.addi %mul3A_2, %add3A_767 : i32
    %add3A_769 = arith.constant 128 : i32
    %add3A_770 = arith.addi %mul3A_2, %add3A_769 : i32
    %dma_start3A_771 = arith.constant 1 : i32
    %dma_start3A_772 = arith.constant 0 : i32
    %dma_start3A_773 = arith.constant 1 : i32
    %dma_start3A_774 = arith.constant 0 : i32
    %dma_start3A_775 = arith.constant 0 : i32
    %dma_start3A_776 = tpu.memref_slice %arg4[%dma_start3A_771, %dma_start3A_774, %dma_start3A_775] : memref<3x32x1024xf32, #tpu.memory_space<vmem>> -> memref<1x32x1024xf32, #tpu.memory_space<vmem>>
    %dma_start3A_777 = tpu.memref_squeeze %dma_start3A_776 : memref<1x32x1024xf32, #tpu.memory_space<vmem>> -> memref<32x1024xf32, #tpu.memory_space<vmem>>
    %dma_start3A_778 = arith.constant 0 : i32
    %dma_start3A_779 = tpu.memref_slice %arg3[%dma_start3A_772, %add3A_764, %dma_start3A_778] : memref<4x8192x1024xf32, #tpu.memory_space<hbm>> -> memref<1x32x1024xf32, #tpu.memory_space<hbm>>
    %dma_start3A_780 = tpu.memref_squeeze %dma_start3A_779 : memref<1x32x1024xf32, #tpu.memory_space<hbm>> -> memref<32x1024xf32, #tpu.memory_space<hbm>>
    %dma_start3A_781 = tpu.memref_slice %arg6[%dma_start3A_773] : memref<3x!tpu.dma_semaphore, #tpu.memory_space<semaphore_mem>> -> memref<1x!tpu.dma_semaphore, #tpu.memory_space<semaphore_mem>>
    %dma_start3A_782 = tpu.memref_squeeze %dma_start3A_781 : memref<1x!tpu.dma_semaphore, #tpu.memory_space<semaphore_mem>> -> memref<!tpu.dma_semaphore, #tpu.memory_space<semaphore_mem>>
    %dma_start3A_783 = arith.constant 0 : i32
    %dma_start3A_784 = tpu.memref_slice %arg3[%dma_start3A_772, %add3A_764, %dma_start3A_783] : memref<4x8192x1024xf32, #tpu.memory_space<hbm>> -> memref<1x32x1024xf32, #tpu.memory_space<hbm>>
    %dma_start3A_785 = tpu.memref_squeeze %dma_start3A_784 : memref<1x32x1024xf32, #tpu.memory_space<hbm>> -> memref<32x1024xf32, #tpu.memory_space<hbm>>
    %dma_start3A_786 = arith.constant 0 : i32
    %dma_start3A_787 = arith.constant 0 : i32
    %dma_start3A_788 = tpu.memref_slice %arg4[%dma_start3A_771, %dma_start3A_786, %dma_start3A_787] : memref<3x32x1024xf32, #tpu.memory_space<vmem>> -> memref<1x32x1024xf32, #tpu.memory_space<vmem>>
    %dma_start3A_789 = tpu.memref_squeeze %dma_start3A_788 : memref<1x32x1024xf32, #tpu.memory_space<vmem>> -> memref<32x1024xf32, #tpu.memory_space<vmem>>
    tpu.enqueue_dma source(%dma_start3A_789 : memref<32x1024xf32, #tpu.memory_space<vmem>>) target(%dma_start3A_785 : memref<32x1024xf32, #tpu.memory_space<hbm>>) target_semaphore(%dma_start3A_782 : memref<!tpu.dma_semaphore, #tpu.memory_space<semaphore_mem>>)
    %dma_start3A_790 = arith.constant 1 : i32
    %dma_start3A_791 = arith.constant 1 : i32
    %dma_start3A_792 = arith.constant 1 : i32
    %dma_start3A_793 = arith.constant 0 : i32
    %dma_start3A_794 = arith.constant 0 : i32
    %dma_start3A_795 = tpu.memref_slice %arg4[%dma_start3A_790, %dma_start3A_793, %dma_start3A_794] : memref<3x32x1024xf32, #tpu.memory_space<vmem>> -> memref<1x32x1024xf32, #tpu.memory_space<vmem>>
    %dma_start3A_796 = tpu.memref_squeeze %dma_start3A_795 : memref<1x32x1024xf32, #tpu.memory_space<vmem>> -> memref<32x1024xf32, #tpu.memory_space<vmem>>
    %dma_start3A_797 = arith.constant 0 : i32
    %dma_start3A_798 = tpu.memref_slice %arg3[%dma_start3A_791, %add3A_766, %dma_start3A_797] : memref<4x8192x1024xf32, #tpu.memory_space<hbm>> -> memref<1x32x1024xf32, #tpu.memory_space<hbm>>
    %dma_start3A_799 = tpu.memref_squeeze %dma_start3A_798 : memref<1x32x1024xf32, #tpu.memory_space<hbm>> -> memref<32x1024xf32, #tpu.memory_space<hbm>>
    %dma_start3A_800 = tpu.memref_slice %arg6[%dma_start3A_792] : memref<3x!tpu.dma_semaphore, #tpu.memory_space<semaphore_mem>> -> memref<1x!tpu.dma_semaphore, #tpu.memory_space<semaphore_mem>>
    %dma_start3A_801 = tpu.memref_squeeze %dma_start3A_800 : memref<1x!tpu.dma_semaphore, #tpu.memory_space<semaphore_mem>> -> memref<!tpu.dma_semaphore, #tpu.memory_space<semaphore_mem>>
    %dma_start3A_802 = arith.constant 0 : i32
    %dma_start3A_803 = tpu.memref_slice %arg3[%dma_start3A_791, %add3A_766, %dma_start3A_802] : memref<4x8192x1024xf32, #tpu.memory_space<hbm>> -> memref<1x32x1024xf32, #tpu.memory_space<hbm>>
    %dma_start3A_804 = tpu.memref_squeeze %dma_start3A_803 : memref<1x32x1024xf32, #tpu.memory_space<hbm>> -> memref<32x1024xf32, #tpu.memory_space<hbm>>
    %dma_start3A_805 = arith.constant 0 : i32
    %dma_start3A_806 = arith.constant 0 : i32
    %dma_start3A_807 = tpu.memref_slice %arg4[%dma_start3A_790, %dma_start3A_805, %dma_start3A_806] : memref<3x32x1024xf32, #tpu.memory_space<vmem>> -> memref<1x32x1024xf32, #tpu.memory_space<vmem>>
    %dma_start3A_808 = tpu.memref_squeeze %dma_start3A_807 : memref<1x32x1024xf32, #tpu.memory_space<vmem>> -> memref<32x1024xf32, #tpu.memory_space<vmem>>
    tpu.enqueue_dma source(%dma_start3A_808 : memref<32x1024xf32, #tpu.memory_space<vmem>>) target(%dma_start3A_804 : memref<32x1024xf32, #tpu.memory_space<hbm>>) target_semaphore(%dma_start3A_801 : memref<!tpu.dma_semaphore, #tpu.memory_space<semaphore_mem>>)
    %dma_start3A_809 = arith.constant 1 : i32
    %dma_start3A_810 = arith.constant 2 : i32
    %dma_start3A_811 = arith.constant 1 : i32
    %dma_start3A_812 = arith.constant 0 : i32
    %dma_start3A_813 = arith.constant 0 : i32
    %dma_start3A_814 = tpu.memref_slice %arg4[%dma_start3A_809, %dma_start3A_812, %dma_start3A_813] : memref<3x32x1024xf32, #tpu.memory_space<vmem>> -> memref<1x32x1024xf32, #tpu.memory_space<vmem>>
    %dma_start3A_815 = tpu.memref_squeeze %dma_start3A_814 : memref<1x32x1024xf32, #tpu.memory_space<vmem>> -> memref<32x1024xf32, #tpu.memory_space<vmem>>
    %dma_start3A_816 = arith.constant 0 : i32
    %dma_start3A_817 = tpu.memref_slice %arg3[%dma_start3A_810, %add3A_768, %dma_start3A_816] : memref<4x8192x1024xf32, #tpu.memory_space<hbm>> -> memref<1x32x1024xf32, #tpu.memory_space<hbm>>
    %dma_start3A_818 = tpu.memref_squeeze %dma_start3A_817 : memref<1x32x1024xf32, #tpu.memory_space<hbm>> -> memref<32x1024xf32, #tpu.memory_space<hbm>>
    %dma_start3A_819 = tpu.memref_slice %arg6[%dma_start3A_811] : memref<3x!tpu.dma_semaphore, #tpu.memory_space<semaphore_mem>> -> memref<1x!tpu.dma_semaphore, #tpu.memory_space<semaphore_mem>>
    %dma_start3A_820 = tpu.memref_squeeze %dma_start3A_819 : memref<1x!tpu.dma_semaphore, #tpu.memory_space<semaphore_mem>> -> memref<!tpu.dma_semaphore, #tpu.memory_space<semaphore_mem>>
    %dma_start3A_821 = arith.constant 0 : i32
    %dma_start3A_822 = tpu.memref_slice %arg3[%dma_start3A_810, %add3A_768, %dma_start3A_821] : memref<4x8192x1024xf32, #tpu.memory_space<hbm>> -> memref<1x32x1024xf32, #tpu.memory_space<hbm>>
    %dma_start3A_823 = tpu.memref_squeeze %dma_start3A_822 : memref<1x32x1024xf32, #tpu.memory_space<hbm>> -> memref<32x1024xf32, #tpu.memory_space<hbm>>
    %dma_start3A_824 = arith.constant 0 : i32
    %dma_start3A_825 = arith.constant 0 : i32
    %dma_start3A_826 = tpu.memref_slice %arg4[%dma_start3A_809, %dma_start3A_824, %dma_start3A_825] : memref<3x32x1024xf32, #tpu.memory_space<vmem>> -> memref<1x32x1024xf32, #tpu.memory_space<vmem>>
    %dma_start3A_827 = tpu.memref_squeeze %dma_start3A_826 : memref<1x32x1024xf32, #tpu.memory_space<vmem>> -> memref<32x1024xf32, #tpu.memory_space<vmem>>
    tpu.enqueue_dma source(%dma_start3A_827 : memref<32x1024xf32, #tpu.memory_space<vmem>>) target(%dma_start3A_823 : memref<32x1024xf32, #tpu.memory_space<hbm>>) target_semaphore(%dma_start3A_820 : memref<!tpu.dma_semaphore, #tpu.memory_space<semaphore_mem>>)
    %dma_start3A_828 = arith.constant 1 : i32
    %dma_start3A_829 = arith.constant 3 : i32
    %dma_start3A_830 = arith.constant 1 : i32
    %dma_start3A_831 = arith.constant 0 : i32
    %dma_start3A_832 = arith.constant 0 : i32
    %dma_start3A_833 = tpu.memref_slice %arg4[%dma_start3A_828, %dma_start3A_831, %dma_start3A_832] : memref<3x32x1024xf32, #tpu.memory_space<vmem>> -> memref<1x32x1024xf32, #tpu.memory_space<vmem>>
    %dma_start3A_834 = tpu.memref_squeeze %dma_start3A_833 : memref<1x32x1024xf32, #tpu.memory_space<vmem>> -> memref<32x1024xf32, #tpu.memory_space<vmem>>
    %dma_start3A_835 = arith.constant 0 : i32
    %dma_start3A_836 = tpu.memref_slice %arg3[%dma_start3A_829, %add3A_770, %dma_start3A_835] : memref<4x8192x1024xf32, #tpu.memory_space<hbm>> -> memref<1x32x1024xf32, #tpu.memory_space<hbm>>
    %dma_start3A_837 = tpu.memref_squeeze %dma_start3A_836 : memref<1x32x1024xf32, #tpu.memory_space<hbm>> -> memref<32x1024xf32, #tpu.memory_space<hbm>>
    %dma_start3A_838 = tpu.memref_slice %arg6[%dma_start3A_830] : memref<3x!tpu.dma_semaphore, #tpu.memory_space<semaphore_mem>> -> memref<1x!tpu.dma_semaphore, #tpu.memory_space<semaphore_mem>>
    %dma_start3A_839 = tpu.memref_squeeze %dma_start3A_838 : memref<1x!tpu.dma_semaphore, #tpu.memory_space<semaphore_mem>> -> memref<!tpu.dma_semaphore, #tpu.memory_space<semaphore_mem>>
    %dma_start3A_840 = arith.constant 0 : i32
    %dma_start3A_841 = tpu.memref_slice %arg3[%dma_start3A_829, %add3A_770, %dma_start3A_840] : memref<4x8192x1024xf32, #tpu.memory_space<hbm>> -> memref<1x32x1024xf32, #tpu.memory_space<hbm>>
    %dma_start3A_842 = tpu.memref_squeeze %dma_start3A_841 : memref<1x32x1024xf32, #tpu.memory_space<hbm>> -> memref<32x1024xf32, #tpu.memory_space<hbm>>
    %dma_start3A_843 = arith.constant 0 : i32
    %dma_start3A_844 = arith.constant 0 : i32
    %dma_start3A_845 = tpu.memref_slice %arg4[%dma_start3A_828, %dma_start3A_843, %dma_start3A_844] : memref<3x32x1024xf32, #tpu.memory_space<vmem>> -> memref<1x32x1024xf32, #tpu.memory_space<vmem>>
    %dma_start3A_846 = tpu.memref_squeeze %dma_start3A_845 : memref<1x32x1024xf32, #tpu.memory_space<vmem>> -> memref<32x1024xf32, #tpu.memory_space<vmem>>
    tpu.enqueue_dma source(%dma_start3A_846 : memref<32x1024xf32, #tpu.memory_space<vmem>>) target(%dma_start3A_842 : memref<32x1024xf32, #tpu.memory_space<hbm>>) target_semaphore(%dma_start3A_839 : memref<!tpu.dma_semaphore, #tpu.memory_space<semaphore_mem>>)
    %dma_wait3A_847 = arith.constant 0 : i32
    %dma_wait3A_848 = arith.constant 0 : i32
    %dma_wait3A_849 = arith.constant 0 : i32
    %dma_wait3A_850 = arith.constant 0 : i32
    %dma_wait3A_851 = arith.constant 0 : i32
    %dma_wait3A_852 = tpu.memref_slice %arg4[%dma_wait3A_847, %dma_wait3A_850, %dma_wait3A_851] : memref<3x32x1024xf32, #tpu.memory_space<vmem>> -> memref<1x32x1024xf32, #tpu.memory_space<vmem>>
    %dma_wait3A_853 = tpu.memref_squeeze %dma_wait3A_852 : memref<1x32x1024xf32, #tpu.memory_space<vmem>> -> memref<32x1024xf32, #tpu.memory_space<vmem>>
    %dma_wait3A_854 = arith.constant 0 : i32
    %dma_wait3A_855 = tpu.memref_slice %arg3[%dma_wait3A_848, %add3A_568, %dma_wait3A_854] : memref<4x8192x1024xf32, #tpu.memory_space<hbm>> -> memref<1x32x1024xf32, #tpu.memory_space<hbm>>
    %dma_wait3A_856 = tpu.memref_squeeze %dma_wait3A_855 : memref<1x32x1024xf32, #tpu.memory_space<hbm>> -> memref<32x1024xf32, #tpu.memory_space<hbm>>
    %dma_wait3A_857 = tpu.memref_slice %arg6[%dma_wait3A_849] : memref<3x!tpu.dma_semaphore, #tpu.memory_space<semaphore_mem>> -> memref<1x!tpu.dma_semaphore, #tpu.memory_space<semaphore_mem>>
    %dma_wait3A_858 = tpu.memref_squeeze %dma_wait3A_857 : memref<1x!tpu.dma_semaphore, #tpu.memory_space<semaphore_mem>> -> memref<!tpu.dma_semaphore, #tpu.memory_space<semaphore_mem>>
    %dma_wait3A_859 = arith.constant 0 : i32
    %dma_wait3A_860 = tpu.memref_slice %arg3[%dma_wait3A_848, %add3A_568, %dma_wait3A_859] : memref<4x8192x1024xf32, #tpu.memory_space<hbm>> -> memref<1x32x1024xf32, #tpu.memory_space<hbm>>
    %dma_wait3A_861 = tpu.memref_squeeze %dma_wait3A_860 : memref<1x32x1024xf32, #tpu.memory_space<hbm>> -> memref<32x1024xf32, #tpu.memory_space<hbm>>
    %dma_wait3A_862 = arith.constant 0 : i32
    %dma_wait3A_863 = arith.constant 0 : i32
    %dma_wait3A_864 = tpu.memref_slice %arg4[%dma_wait3A_847, %dma_wait3A_862, %dma_wait3A_863] : memref<3x32x1024xf32, #tpu.memory_space<vmem>> -> memref<1x32x1024xf32, #tpu.memory_space<vmem>>
    %dma_wait3A_865 = tpu.memref_squeeze %dma_wait3A_864 : memref<1x32x1024xf32, #tpu.memory_space<vmem>> -> memref<32x1024xf32, #tpu.memory_space<vmem>>
    tpu.wait_dma2 semaphore(%dma_wait3A_858 : memref<!tpu.dma_semaphore, #tpu.memory_space<semaphore_mem>>) src(%dma_wait3A_865 : memref<32x1024xf32, #tpu.memory_space<vmem>>) dst(%dma_wait3A_861 : memref<32x1024xf32, #tpu.memory_space<hbm>>)
    %dma_wait3A_866 = arith.constant 0 : i32
    %dma_wait3A_867 = arith.constant 1 : i32
    %dma_wait3A_868 = arith.constant 0 : i32
    %dma_wait3A_869 = arith.constant 0 : i32
    %dma_wait3A_870 = arith.constant 0 : i32
    %dma_wait3A_871 = tpu.memref_slice %arg4[%dma_wait3A_866, %dma_wait3A_869, %dma_wait3A_870] : memref<3x32x1024xf32, #tpu.memory_space<vmem>> -> memref<1x32x1024xf32, #tpu.memory_space<vmem>>
    %dma_wait3A_872 = tpu.memref_squeeze %dma_wait3A_871 : memref<1x32x1024xf32, #tpu.memory_space<vmem>> -> memref<32x1024xf32, #tpu.memory_space<vmem>>
    %dma_wait3A_873 = arith.constant 0 : i32
    %dma_wait3A_874 = tpu.memref_slice %arg3[%dma_wait3A_867, %add3A_570, %dma_wait3A_873] : memref<4x8192x1024xf32, #tpu.memory_space<hbm>> -> memref<1x32x1024xf32, #tpu.memory_space<hbm>>
    %dma_wait3A_875 = tpu.memref_squeeze %dma_wait3A_874 : memref<1x32x1024xf32, #tpu.memory_space<hbm>> -> memref<32x1024xf32, #tpu.memory_space<hbm>>
    %dma_wait3A_876 = tpu.memref_slice %arg6[%dma_wait3A_868] : memref<3x!tpu.dma_semaphore, #tpu.memory_space<semaphore_mem>> -> memref<1x!tpu.dma_semaphore, #tpu.memory_space<semaphore_mem>>
    %dma_wait3A_877 = tpu.memref_squeeze %dma_wait3A_876 : memref<1x!tpu.dma_semaphore, #tpu.memory_space<semaphore_mem>> -> memref<!tpu.dma_semaphore, #tpu.memory_space<semaphore_mem>>
    %dma_wait3A_878 = arith.constant 0 : i32
    %dma_wait3A_879 = tpu.memref_slice %arg3[%dma_wait3A_867, %add3A_570, %dma_wait3A_878] : memref<4x8192x1024xf32, #tpu.memory_space<hbm>> -> memref<1x32x1024xf32, #tpu.memory_space<hbm>>
    %dma_wait3A_880 = tpu.memref_squeeze %dma_wait3A_879 : memref<1x32x1024xf32, #tpu.memory_space<hbm>> -> memref<32x1024xf32, #tpu.memory_space<hbm>>
    %dma_wait3A_881 = arith.constant 0 : i32
    %dma_wait3A_882 = arith.constant 0 : i32
    %dma_wait3A_883 = tpu.memref_slice %arg4[%dma_wait3A_866, %dma_wait3A_881, %dma_wait3A_882] : memref<3x32x1024xf32, #tpu.memory_space<vmem>> -> memref<1x32x1024xf32, #tpu.memory_space<vmem>>
    %dma_wait3A_884 = tpu.memref_squeeze %dma_wait3A_883 : memref<1x32x1024xf32, #tpu.memory_space<vmem>> -> memref<32x1024xf32, #tpu.memory_space<vmem>>
    tpu.wait_dma2 semaphore(%dma_wait3A_877 : memref<!tpu.dma_semaphore, #tpu.memory_space<semaphore_mem>>) src(%dma_wait3A_884 : memref<32x1024xf32, #tpu.memory_space<vmem>>) dst(%dma_wait3A_880 : memref<32x1024xf32, #tpu.memory_space<hbm>>)
    %dma_wait3A_885 = arith.constant 0 : i32
    %dma_wait3A_886 = arith.constant 2 : i32
    %dma_wait3A_887 = arith.constant 0 : i32
    %dma_wait3A_888 = arith.constant 0 : i32
    %dma_wait3A_889 = arith.constant 0 : i32
    %dma_wait3A_890 = tpu.memref_slice %arg4[%dma_wait3A_885, %dma_wait3A_888, %dma_wait3A_889] : memref<3x32x1024xf32, #tpu.memory_space<vmem>> -> memref<1x32x1024xf32, #tpu.memory_space<vmem>>
    %dma_wait3A_891 = tpu.memref_squeeze %dma_wait3A_890 : memref<1x32x1024xf32, #tpu.memory_space<vmem>> -> memref<32x1024xf32, #tpu.memory_space<vmem>>
    %dma_wait3A_892 = arith.constant 0 : i32
    %dma_wait3A_893 = tpu.memref_slice %arg3[%dma_wait3A_886, %add3A_572, %dma_wait3A_892] : memref<4x8192x1024xf32, #tpu.memory_space<hbm>> -> memref<1x32x1024xf32, #tpu.memory_space<hbm>>
    %dma_wait3A_894 = tpu.memref_squeeze %dma_wait3A_893 : memref<1x32x1024xf32, #tpu.memory_space<hbm>> -> memref<32x1024xf32, #tpu.memory_space<hbm>>
    %dma_wait3A_895 = tpu.memref_slice %arg6[%dma_wait3A_887] : memref<3x!tpu.dma_semaphore, #tpu.memory_space<semaphore_mem>> -> memref<1x!tpu.dma_semaphore, #tpu.memory_space<semaphore_mem>>
    %dma_wait3A_896 = tpu.memref_squeeze %dma_wait3A_895 : memref<1x!tpu.dma_semaphore, #tpu.memory_space<semaphore_mem>> -> memref<!tpu.dma_semaphore, #tpu.memory_space<semaphore_mem>>
    %dma_wait3A_897 = arith.constant 0 : i32
    %dma_wait3A_898 = tpu.memref_slice %arg3[%dma_wait3A_886, %add3A_572, %dma_wait3A_897] : memref<4x8192x1024xf32, #tpu.memory_space<hbm>> -> memref<1x32x1024xf32, #tpu.memory_space<hbm>>
    %dma_wait3A_899 = tpu.memref_squeeze %dma_wait3A_898 : memref<1x32x1024xf32, #tpu.memory_space<hbm>> -> memref<32x1024xf32, #tpu.memory_space<hbm>>
    %dma_wait3A_900 = arith.constant 0 : i32
    %dma_wait3A_901 = arith.constant 0 : i32
    %dma_wait3A_902 = tpu.memref_slice %arg4[%dma_wait3A_885, %dma_wait3A_900, %dma_wait3A_901] : memref<3x32x1024xf32, #tpu.memory_space<vmem>> -> memref<1x32x1024xf32, #tpu.memory_space<vmem>>
    %dma_wait3A_903 = tpu.memref_squeeze %dma_wait3A_902 : memref<1x32x1024xf32, #tpu.memory_space<vmem>> -> memref<32x1024xf32, #tpu.memory_space<vmem>>
    tpu.wait_dma2 semaphore(%dma_wait3A_896 : memref<!tpu.dma_semaphore, #tpu.memory_space<semaphore_mem>>) src(%dma_wait3A_903 : memref<32x1024xf32, #tpu.memory_space<vmem>>) dst(%dma_wait3A_899 : memref<32x1024xf32, #tpu.memory_space<hbm>>)
    %dma_wait3A_904 = arith.constant 0 : i32
    %dma_wait3A_905 = arith.constant 3 : i32
    %dma_wait3A_906 = arith.constant 0 : i32
    %dma_wait3A_907 = arith.constant 0 : i32
    %dma_wait3A_908 = arith.constant 0 : i32
    %dma_wait3A_909 = tpu.memref_slice %arg4[%dma_wait3A_904, %dma_wait3A_907, %dma_wait3A_908] : memref<3x32x1024xf32, #tpu.memory_space<vmem>> -> memref<1x32x1024xf32, #tpu.memory_space<vmem>>
    %dma_wait3A_910 = tpu.memref_squeeze %dma_wait3A_909 : memref<1x32x1024xf32, #tpu.memory_space<vmem>> -> memref<32x1024xf32, #tpu.memory_space<vmem>>
    %dma_wait3A_911 = arith.constant 0 : i32
    %dma_wait3A_912 = tpu.memref_slice %arg3[%dma_wait3A_905, %add3A_574, %dma_wait3A_911] : memref<4x8192x1024xf32, #tpu.memory_space<hbm>> -> memref<1x32x1024xf32, #tpu.memory_space<hbm>>
    %dma_wait3A_913 = tpu.memref_squeeze %dma_wait3A_912 : memref<1x32x1024xf32, #tpu.memory_space<hbm>> -> memref<32x1024xf32, #tpu.memory_space<hbm>>
    %dma_wait3A_914 = tpu.memref_slice %arg6[%dma_wait3A_906] : memref<3x!tpu.dma_semaphore, #tpu.memory_space<semaphore_mem>> -> memref<1x!tpu.dma_semaphore, #tpu.memory_space<semaphore_mem>>
    %dma_wait3A_915 = tpu.memref_squeeze %dma_wait3A_914 : memref<1x!tpu.dma_semaphore, #tpu.memory_space<semaphore_mem>> -> memref<!tpu.dma_semaphore, #tpu.memory_space<semaphore_mem>>
    %dma_wait3A_916 = arith.constant 0 : i32
    %dma_wait3A_917 = tpu.memref_slice %arg3[%dma_wait3A_905, %add3A_574, %dma_wait3A_916] : memref<4x8192x1024xf32, #tpu.memory_space<hbm>> -> memref<1x32x1024xf32, #tpu.memory_space<hbm>>
    %dma_wait3A_918 = tpu.memref_squeeze %dma_wait3A_917 : memref<1x32x1024xf32, #tpu.memory_space<hbm>> -> memref<32x1024xf32, #tpu.memory_space<hbm>>
    %dma_wait3A_919 = arith.constant 0 : i32
    %dma_wait3A_920 = arith.constant 0 : i32
    %dma_wait3A_921 = tpu.memref_slice %arg4[%dma_wait3A_904, %dma_wait3A_919, %dma_wait3A_920] : memref<3x32x1024xf32, #tpu.memory_space<vmem>> -> memref<1x32x1024xf32, #tpu.memory_space<vmem>>
    %dma_wait3A_922 = tpu.memref_squeeze %dma_wait3A_921 : memref<1x32x1024xf32, #tpu.memory_space<vmem>> -> memref<32x1024xf32, #tpu.memory_space<vmem>>
    tpu.wait_dma2 semaphore(%dma_wait3A_915 : memref<!tpu.dma_semaphore, #tpu.memory_space<semaphore_mem>>) src(%dma_wait3A_922 : memref<32x1024xf32, #tpu.memory_space<vmem>>) dst(%dma_wait3A_918 : memref<32x1024xf32, #tpu.memory_space<hbm>>)
    %add3A_923 = arith.constant 192 : i32
    %add3A_924 = arith.addi %mul3A_2, %add3A_923 : i32
    %dma_start3A_925 = arith.constant 0 : i32
    %dma_start3A_926 = arith.constant 0 : i32
    %dma_start3A_927 = arith.constant 0 : i32
    %dma_start3A_928 = arith.constant 0 : i32
    %dma_start3A_929 = tpu.memref_slice %arg4[%dma_start3A_925, %dma_start3A_927, %dma_start3A_928] : memref<3x32x1024xf32, #tpu.memory_space<vmem>> -> memref<1x32x1024xf32, #tpu.memory_space<vmem>>
    %dma_start3A_930 = tpu.memref_squeeze %dma_start3A_929 : memref<1x32x1024xf32, #tpu.memory_space<vmem>> -> memref<32x1024xf32, #tpu.memory_space<vmem>>
    %dma_start3A_931 = arith.constant 0 : i32
    %dma_start3A_932 = tpu.memref_slice %arg2[%add3A_924, %dma_start3A_931] : memref<8192x1024xf32, #tpu.memory_space<hbm>> -> memref<32x1024xf32, #tpu.memory_space<hbm>>
    %dma_start3A_933 = tpu.memref_slice %arg5[%dma_start3A_926] : memref<3x!tpu.dma_semaphore, #tpu.memory_space<semaphore_mem>> -> memref<1x!tpu.dma_semaphore, #tpu.memory_space<semaphore_mem>>
    %dma_start3A_934 = tpu.memref_squeeze %dma_start3A_933 : memref<1x!tpu.dma_semaphore, #tpu.memory_space<semaphore_mem>> -> memref<!tpu.dma_semaphore, #tpu.memory_space<semaphore_mem>>
    %dma_start3A_935 = arith.constant 0 : i32
    %dma_start3A_936 = arith.constant 0 : i32
    %dma_start3A_937 = tpu.memref_slice %arg4[%dma_start3A_925, %dma_start3A_935, %dma_start3A_936] : memref<3x32x1024xf32, #tpu.memory_space<vmem>> -> memref<1x32x1024xf32, #tpu.memory_space<vmem>>
    %dma_start3A_938 = tpu.memref_squeeze %dma_start3A_937 : memref<1x32x1024xf32, #tpu.memory_space<vmem>> -> memref<32x1024xf32, #tpu.memory_space<vmem>>
    %dma_start3A_939 = arith.constant 0 : i32
    %dma_start3A_940 = tpu.memref_slice %arg2[%add3A_924, %dma_start3A_939] : memref<8192x1024xf32, #tpu.memory_space<hbm>> -> memref<32x1024xf32, #tpu.memory_space<hbm>>
    tpu.enqueue_dma source(%dma_start3A_940 : memref<32x1024xf32, #tpu.memory_space<hbm>>) target(%dma_start3A_938 : memref<32x1024xf32, #tpu.memory_space<vmem>>) target_semaphore(%dma_start3A_934 : memref<!tpu.dma_semaphore, #tpu.memory_space<semaphore_mem>>)
    %add3A_941 = arith.constant 160 : i32
    %add3A_942 = arith.addi %mul3A_2, %add3A_941 : i32
    %dma_wait3A_943 = arith.constant 2 : i32
    %dma_wait3A_944 = arith.constant 2 : i32
    %dma_wait3A_945 = arith.constant 0 : i32
    %dma_wait3A_946 = arith.constant 0 : i32
    %dma_wait3A_947 = tpu.memref_slice %arg4[%dma_wait3A_943, %dma_wait3A_945, %dma_wait3A_946] : memref<3x32x1024xf32, #tpu.memory_space<vmem>> -> memref<1x32x1024xf32, #tpu.memory_space<vmem>>
    %dma_wait3A_948 = tpu.memref_squeeze %dma_wait3A_947 : memref<1x32x1024xf32, #tpu.memory_space<vmem>> -> memref<32x1024xf32, #tpu.memory_space<vmem>>
    %dma_wait3A_949 = arith.constant 0 : i32
    %dma_wait3A_950 = tpu.memref_slice %arg2[%add3A_942, %dma_wait3A_949] : memref<8192x1024xf32, #tpu.memory_space<hbm>> -> memref<32x1024xf32, #tpu.memory_space<hbm>>
    %dma_wait3A_951 = tpu.memref_slice %arg5[%dma_wait3A_944] : memref<3x!tpu.dma_semaphore, #tpu.memory_space<semaphore_mem>> -> memref<1x!tpu.dma_semaphore, #tpu.memory_space<semaphore_mem>>
    %dma_wait3A_952 = tpu.memref_squeeze %dma_wait3A_951 : memref<1x!tpu.dma_semaphore, #tpu.memory_space<semaphore_mem>> -> memref<!tpu.dma_semaphore, #tpu.memory_space<semaphore_mem>>
    %dma_wait3A_953 = arith.constant 0 : i32
    %dma_wait3A_954 = arith.constant 0 : i32
    %dma_wait3A_955 = tpu.memref_slice %arg4[%dma_wait3A_943, %dma_wait3A_953, %dma_wait3A_954] : memref<3x32x1024xf32, #tpu.memory_space<vmem>> -> memref<1x32x1024xf32, #tpu.memory_space<vmem>>
    %dma_wait3A_956 = tpu.memref_squeeze %dma_wait3A_955 : memref<1x32x1024xf32, #tpu.memory_space<vmem>> -> memref<32x1024xf32, #tpu.memory_space<vmem>>
    %dma_wait3A_957 = arith.constant 0 : i32
    %dma_wait3A_958 = tpu.memref_slice %arg2[%add3A_942, %dma_wait3A_957] : memref<8192x1024xf32, #tpu.memory_space<hbm>> -> memref<32x1024xf32, #tpu.memory_space<hbm>>
    tpu.wait_dma2 semaphore(%dma_wait3A_952 : memref<!tpu.dma_semaphore, #tpu.memory_space<semaphore_mem>>) src(%dma_wait3A_958 : memref<32x1024xf32, #tpu.memory_space<hbm>>) dst(%dma_wait3A_956 : memref<32x1024xf32, #tpu.memory_space<vmem>>)
    %add3A_959 = arith.constant 160 : i32
    %add3A_960 = arith.addi %mul3A_2, %add3A_959 : i32
    %add3A_961 = arith.constant 160 : i32
    %add3A_962 = arith.addi %mul3A_2, %add3A_961 : i32
    %add3A_963 = arith.constant 160 : i32
    %add3A_964 = arith.addi %mul3A_2, %add3A_963 : i32
    %add3A_965 = arith.constant 160 : i32
    %add3A_966 = arith.addi %mul3A_2, %add3A_965 : i32
    %dma_start3A_967 = arith.constant 2 : i32
    %dma_start3A_968 = arith.constant 0 : i32
    %dma_start3A_969 = arith.constant 2 : i32
    %dma_start3A_970 = arith.constant 0 : i32
    %dma_start3A_971 = arith.constant 0 : i32
    %dma_start3A_972 = tpu.memref_slice %arg4[%dma_start3A_967, %dma_start3A_970, %dma_start3A_971] : memref<3x32x1024xf32, #tpu.memory_space<vmem>> -> memref<1x32x1024xf32, #tpu.memory_space<vmem>>
    %dma_start3A_973 = tpu.memref_squeeze %dma_start3A_972 : memref<1x32x1024xf32, #tpu.memory_space<vmem>> -> memref<32x1024xf32, #tpu.memory_space<vmem>>
    %dma_start3A_974 = arith.constant 0 : i32
    %dma_start3A_975 = tpu.memref_slice %arg3[%dma_start3A_968, %add3A_960, %dma_start3A_974] : memref<4x8192x1024xf32, #tpu.memory_space<hbm>> -> memref<1x32x1024xf32, #tpu.memory_space<hbm>>
    %dma_start3A_976 = tpu.memref_squeeze %dma_start3A_975 : memref<1x32x1024xf32, #tpu.memory_space<hbm>> -> memref<32x1024xf32, #tpu.memory_space<hbm>>
    %dma_start3A_977 = tpu.memref_slice %arg6[%dma_start3A_969] : memref<3x!tpu.dma_semaphore, #tpu.memory_space<semaphore_mem>> -> memref<1x!tpu.dma_semaphore, #tpu.memory_space<semaphore_mem>>
    %dma_start3A_978 = tpu.memref_squeeze %dma_start3A_977 : memref<1x!tpu.dma_semaphore, #tpu.memory_space<semaphore_mem>> -> memref<!tpu.dma_semaphore, #tpu.memory_space<semaphore_mem>>
    %dma_start3A_979 = arith.constant 0 : i32
    %dma_start3A_980 = tpu.memref_slice %arg3[%dma_start3A_968, %add3A_960, %dma_start3A_979] : memref<4x8192x1024xf32, #tpu.memory_space<hbm>> -> memref<1x32x1024xf32, #tpu.memory_space<hbm>>
    %dma_start3A_981 = tpu.memref_squeeze %dma_start3A_980 : memref<1x32x1024xf32, #tpu.memory_space<hbm>> -> memref<32x1024xf32, #tpu.memory_space<hbm>>
    %dma_start3A_982 = arith.constant 0 : i32
    %dma_start3A_983 = arith.constant 0 : i32
    %dma_start3A_984 = tpu.memref_slice %arg4[%dma_start3A_967, %dma_start3A_982, %dma_start3A_983] : memref<3x32x1024xf32, #tpu.memory_space<vmem>> -> memref<1x32x1024xf32, #tpu.memory_space<vmem>>
    %dma_start3A_985 = tpu.memref_squeeze %dma_start3A_984 : memref<1x32x1024xf32, #tpu.memory_space<vmem>> -> memref<32x1024xf32, #tpu.memory_space<vmem>>
    tpu.enqueue_dma source(%dma_start3A_985 : memref<32x1024xf32, #tpu.memory_space<vmem>>) target(%dma_start3A_981 : memref<32x1024xf32, #tpu.memory_space<hbm>>) target_semaphore(%dma_start3A_978 : memref<!tpu.dma_semaphore, #tpu.memory_space<semaphore_mem>>)
    %dma_start3A_986 = arith.constant 2 : i32
    %dma_start3A_987 = arith.constant 1 : i32
    %dma_start3A_988 = arith.constant 2 : i32
    %dma_start3A_989 = arith.constant 0 : i32
    %dma_start3A_990 = arith.constant 0 : i32
    %dma_start3A_991 = tpu.memref_slice %arg4[%dma_start3A_986, %dma_start3A_989, %dma_start3A_990] : memref<3x32x1024xf32, #tpu.memory_space<vmem>> -> memref<1x32x1024xf32, #tpu.memory_space<vmem>>
    %dma_start3A_992 = tpu.memref_squeeze %dma_start3A_991 : memref<1x32x1024xf32, #tpu.memory_space<vmem>> -> memref<32x1024xf32, #tpu.memory_space<vmem>>
    %dma_start3A_993 = arith.constant 0 : i32
    %dma_start3A_994 = tpu.memref_slice %arg3[%dma_start3A_987, %add3A_962, %dma_start3A_993] : memref<4x8192x1024xf32, #tpu.memory_space<hbm>> -> memref<1x32x1024xf32, #tpu.memory_space<hbm>>
    %dma_start3A_995 = tpu.memref_squeeze %dma_start3A_994 : memref<1x32x1024xf32, #tpu.memory_space<hbm>> -> memref<32x1024xf32, #tpu.memory_space<hbm>>
    %dma_start3A_996 = tpu.memref_slice %arg6[%dma_start3A_988] : memref<3x!tpu.dma_semaphore, #tpu.memory_space<semaphore_mem>> -> memref<1x!tpu.dma_semaphore, #tpu.memory_space<semaphore_mem>>
    %dma_start3A_997 = tpu.memref_squeeze %dma_start3A_996 : memref<1x!tpu.dma_semaphore, #tpu.memory_space<semaphore_mem>> -> memref<!tpu.dma_semaphore, #tpu.memory_space<semaphore_mem>>
    %dma_start3A_998 = arith.constant 0 : i32
    %dma_start3A_999 = tpu.memref_slice %arg3[%dma_start3A_987, %add3A_962, %dma_start3A_998] : memref<4x8192x1024xf32, #tpu.memory_space<hbm>> -> memref<1x32x1024xf32, #tpu.memory_space<hbm>>
    %dma_start3A_1000 = tpu.memref_squeeze %dma_start3A_999 : memref<1x32x1024xf32, #tpu.memory_space<hbm>> -> memref<32x1024xf32, #tpu.memory_space<hbm>>
    %dma_start3A_1001 = arith.constant 0 : i32
    %dma_start3A_1002 = arith.constant 0 : i32
    %dma_start3A_1003 = tpu.memref_slice %arg4[%dma_start3A_986, %dma_start3A_1001, %dma_start3A_1002] : memref<3x32x1024xf32, #tpu.memory_space<vmem>> -> memref<1x32x1024xf32, #tpu.memory_space<vmem>>
    %dma_start3A_1004 = tpu.memref_squeeze %dma_start3A_1003 : memref<1x32x1024xf32, #tpu.memory_space<vmem>> -> memref<32x1024xf32, #tpu.memory_space<vmem>>
    tpu.enqueue_dma source(%dma_start3A_1004 : memref<32x1024xf32, #tpu.memory_space<vmem>>) target(%dma_start3A_1000 : memref<32x1024xf32, #tpu.memory_space<hbm>>) target_semaphore(%dma_start3A_997 : memref<!tpu.dma_semaphore, #tpu.memory_space<semaphore_mem>>)
    %dma_start3A_1005 = arith.constant 2 : i32
    %dma_start3A_1006 = arith.constant 2 : i32
    %dma_start3A_1007 = arith.constant 2 : i32
    %dma_start3A_1008 = arith.constant 0 : i32
    %dma_start3A_1009 = arith.constant 0 : i32
    %dma_start3A_1010 = tpu.memref_slice %arg4[%dma_start3A_1005, %dma_start3A_1008, %dma_start3A_1009] : memref<3x32x1024xf32, #tpu.memory_space<vmem>> -> memref<1x32x1024xf32, #tpu.memory_space<vmem>>
    %dma_start3A_1011 = tpu.memref_squeeze %dma_start3A_1010 : memref<1x32x1024xf32, #tpu.memory_space<vmem>> -> memref<32x1024xf32, #tpu.memory_space<vmem>>
    %dma_start3A_1012 = arith.constant 0 : i32
    %dma_start3A_1013 = tpu.memref_slice %arg3[%dma_start3A_1006, %add3A_964, %dma_start3A_1012] : memref<4x8192x1024xf32, #tpu.memory_space<hbm>> -> memref<1x32x1024xf32, #tpu.memory_space<hbm>>
    %dma_start3A_1014 = tpu.memref_squeeze %dma_start3A_1013 : memref<1x32x1024xf32, #tpu.memory_space<hbm>> -> memref<32x1024xf32, #tpu.memory_space<hbm>>
    %dma_start3A_1015 = tpu.memref_slice %arg6[%dma_start3A_1007] : memref<3x!tpu.dma_semaphore, #tpu.memory_space<semaphore_mem>> -> memref<1x!tpu.dma_semaphore, #tpu.memory_space<semaphore_mem>>
    %dma_start3A_1016 = tpu.memref_squeeze %dma_start3A_1015 : memref<1x!tpu.dma_semaphore, #tpu.memory_space<semaphore_mem>> -> memref<!tpu.dma_semaphore, #tpu.memory_space<semaphore_mem>>
    %dma_start3A_1017 = arith.constant 0 : i32
    %dma_start3A_1018 = tpu.memref_slice %arg3[%dma_start3A_1006, %add3A_964, %dma_start3A_1017] : memref<4x8192x1024xf32, #tpu.memory_space<hbm>> -> memref<1x32x1024xf32, #tpu.memory_space<hbm>>
    %dma_start3A_1019 = tpu.memref_squeeze %dma_start3A_1018 : memref<1x32x1024xf32, #tpu.memory_space<hbm>> -> memref<32x1024xf32, #tpu.memory_space<hbm>>
    %dma_start3A_1020 = arith.constant 0 : i32
    %dma_start3A_1021 = arith.constant 0 : i32
    %dma_start3A_1022 = tpu.memref_slice %arg4[%dma_start3A_1005, %dma_start3A_1020, %dma_start3A_1021] : memref<3x32x1024xf32, #tpu.memory_space<vmem>> -> memref<1x32x1024xf32, #tpu.memory_space<vmem>>
    %dma_start3A_1023 = tpu.memref_squeeze %dma_start3A_1022 : memref<1x32x1024xf32, #tpu.memory_space<vmem>> -> memref<32x1024xf32, #tpu.memory_space<vmem>>
    tpu.enqueue_dma source(%dma_start3A_1023 : memref<32x1024xf32, #tpu.memory_space<vmem>>) target(%dma_start3A_1019 : memref<32x1024xf32, #tpu.memory_space<hbm>>) target_semaphore(%dma_start3A_1016 : memref<!tpu.dma_semaphore, #tpu.memory_space<semaphore_mem>>)
    %dma_start3A_1024 = arith.constant 2 : i32
    %dma_start3A_1025 = arith.constant 3 : i32
    %dma_start3A_1026 = arith.constant 2 : i32
    %dma_start3A_1027 = arith.constant 0 : i32
    %dma_start3A_1028 = arith.constant 0 : i32
    %dma_start3A_1029 = tpu.memref_slice %arg4[%dma_start3A_1024, %dma_start3A_1027, %dma_start3A_1028] : memref<3x32x1024xf32, #tpu.memory_space<vmem>> -> memref<1x32x1024xf32, #tpu.memory_space<vmem>>
    %dma_start3A_1030 = tpu.memref_squeeze %dma_start3A_1029 : memref<1x32x1024xf32, #tpu.memory_space<vmem>> -> memref<32x1024xf32, #tpu.memory_space<vmem>>
    %dma_start3A_1031 = arith.constant 0 : i32
    %dma_start3A_1032 = tpu.memref_slice %arg3[%dma_start3A_1025, %add3A_966, %dma_start3A_1031] : memref<4x8192x1024xf32, #tpu.memory_space<hbm>> -> memref<1x32x1024xf32, #tpu.memory_space<hbm>>
    %dma_start3A_1033 = tpu.memref_squeeze %dma_start3A_1032 : memref<1x32x1024xf32, #tpu.memory_space<hbm>> -> memref<32x1024xf32, #tpu.memory_space<hbm>>
    %dma_start3A_1034 = tpu.memref_slice %arg6[%dma_start3A_1026] : memref<3x!tpu.dma_semaphore, #tpu.memory_space<semaphore_mem>> -> memref<1x!tpu.dma_semaphore, #tpu.memory_space<semaphore_mem>>
    %dma_start3A_1035 = tpu.memref_squeeze %dma_start3A_1034 : memref<1x!tpu.dma_semaphore, #tpu.memory_space<semaphore_mem>> -> memref<!tpu.dma_semaphore, #tpu.memory_space<semaphore_mem>>
    %dma_start3A_1036 = arith.constant 0 : i32
    %dma_start3A_1037 = tpu.memref_slice %arg3[%dma_start3A_1025, %add3A_966, %dma_start3A_1036] : memref<4x8192x1024xf32, #tpu.memory_space<hbm>> -> memref<1x32x1024xf32, #tpu.memory_space<hbm>>
    %dma_start3A_1038 = tpu.memref_squeeze %dma_start3A_1037 : memref<1x32x1024xf32, #tpu.memory_space<hbm>> -> memref<32x1024xf32, #tpu.memory_space<hbm>>
    %dma_start3A_1039 = arith.constant 0 : i32
    %dma_start3A_1040 = arith.constant 0 : i32
    %dma_start3A_1041 = tpu.memref_slice %arg4[%dma_start3A_1024, %dma_start3A_1039, %dma_start3A_1040] : memref<3x32x1024xf32, #tpu.memory_space<vmem>> -> memref<1x32x1024xf32, #tpu.memory_space<vmem>>
    %dma_start3A_1042 = tpu.memref_squeeze %dma_start3A_1041 : memref<1x32x1024xf32, #tpu.memory_space<vmem>> -> memref<32x1024xf32, #tpu.memory_space<vmem>>
    tpu.enqueue_dma source(%dma_start3A_1042 : memref<32x1024xf32, #tpu.memory_space<vmem>>) target(%dma_start3A_1038 : memref<32x1024xf32, #tpu.memory_space<hbm>>) target_semaphore(%dma_start3A_1035 : memref<!tpu.dma_semaphore, #tpu.memory_space<semaphore_mem>>)
    %dma_wait3A_1043 = arith.constant 1 : i32
    %dma_wait3A_1044 = arith.constant 0 : i32
    %dma_wait3A_1045 = arith.constant 1 : i32
    %dma_wait3A_1046 = arith.constant 0 : i32
    %dma_wait3A_1047 = arith.constant 0 : i32
    %dma_wait3A_1048 = tpu.memref_slice %arg4[%dma_wait3A_1043, %dma_wait3A_1046, %dma_wait3A_1047] : memref<3x32x1024xf32, #tpu.memory_space<vmem>> -> memref<1x32x1024xf32, #tpu.memory_space<vmem>>
    %dma_wait3A_1049 = tpu.memref_squeeze %dma_wait3A_1048 : memref<1x32x1024xf32, #tpu.memory_space<vmem>> -> memref<32x1024xf32, #tpu.memory_space<vmem>>
    %dma_wait3A_1050 = arith.constant 0 : i32
    %dma_wait3A_1051 = tpu.memref_slice %arg3[%dma_wait3A_1044, %add3A_764, %dma_wait3A_1050] : memref<4x8192x1024xf32, #tpu.memory_space<hbm>> -> memref<1x32x1024xf32, #tpu.memory_space<hbm>>
    %dma_wait3A_1052 = tpu.memref_squeeze %dma_wait3A_1051 : memref<1x32x1024xf32, #tpu.memory_space<hbm>> -> memref<32x1024xf32, #tpu.memory_space<hbm>>
    %dma_wait3A_1053 = tpu.memref_slice %arg6[%dma_wait3A_1045] : memref<3x!tpu.dma_semaphore, #tpu.memory_space<semaphore_mem>> -> memref<1x!tpu.dma_semaphore, #tpu.memory_space<semaphore_mem>>
    %dma_wait3A_1054 = tpu.memref_squeeze %dma_wait3A_1053 : memref<1x!tpu.dma_semaphore, #tpu.memory_space<semaphore_mem>> -> memref<!tpu.dma_semaphore, #tpu.memory_space<semaphore_mem>>
    %dma_wait3A_1055 = arith.constant 0 : i32
    %dma_wait3A_1056 = tpu.memref_slice %arg3[%dma_wait3A_1044, %add3A_764, %dma_wait3A_1055] : memref<4x8192x1024xf32, #tpu.memory_space<hbm>> -> memref<1x32x1024xf32, #tpu.memory_space<hbm>>
    %dma_wait3A_1057 = tpu.memref_squeeze %dma_wait3A_1056 : memref<1x32x1024xf32, #tpu.memory_space<hbm>> -> memref<32x1024xf32, #tpu.memory_space<hbm>>
    %dma_wait3A_1058 = arith.constant 0 : i32
    %dma_wait3A_1059 = arith.constant 0 : i32
    %dma_wait3A_1060 = tpu.memref_slice %arg4[%dma_wait3A_1043, %dma_wait3A_1058, %dma_wait3A_1059] : memref<3x32x1024xf32, #tpu.memory_space<vmem>> -> memref<1x32x1024xf32, #tpu.memory_space<vmem>>
    %dma_wait3A_1061 = tpu.memref_squeeze %dma_wait3A_1060 : memref<1x32x1024xf32, #tpu.memory_space<vmem>> -> memref<32x1024xf32, #tpu.memory_space<vmem>>
    tpu.wait_dma2 semaphore(%dma_wait3A_1054 : memref<!tpu.dma_semaphore, #tpu.memory_space<semaphore_mem>>) src(%dma_wait3A_1061 : memref<32x1024xf32, #tpu.memory_space<vmem>>) dst(%dma_wait3A_1057 : memref<32x1024xf32, #tpu.memory_space<hbm>>)
    %dma_wait3A_1062 = arith.constant 1 : i32
    %dma_wait3A_1063 = arith.constant 1 : i32
    %dma_wait3A_1064 = arith.constant 1 : i32
    %dma_wait3A_1065 = arith.constant 0 : i32
    %dma_wait3A_1066 = arith.constant 0 : i32
    %dma_wait3A_1067 = tpu.memref_slice %arg4[%dma_wait3A_1062, %dma_wait3A_1065, %dma_wait3A_1066] : memref<3x32x1024xf32, #tpu.memory_space<vmem>> -> memref<1x32x1024xf32, #tpu.memory_space<vmem>>
    %dma_wait3A_1068 = tpu.memref_squeeze %dma_wait3A_1067 : memref<1x32x1024xf32, #tpu.memory_space<vmem>> -> memref<32x1024xf32, #tpu.memory_space<vmem>>
    %dma_wait3A_1069 = arith.constant 0 : i32
    %dma_wait3A_1070 = tpu.memref_slice %arg3[%dma_wait3A_1063, %add3A_766, %dma_wait3A_1069] : memref<4x8192x1024xf32, #tpu.memory_space<hbm>> -> memref<1x32x1024xf32, #tpu.memory_space<hbm>>
    %dma_wait3A_1071 = tpu.memref_squeeze %dma_wait3A_1070 : memref<1x32x1024xf32, #tpu.memory_space<hbm>> -> memref<32x1024xf32, #tpu.memory_space<hbm>>
    %dma_wait3A_1072 = tpu.memref_slice %arg6[%dma_wait3A_1064] : memref<3x!tpu.dma_semaphore, #tpu.memory_space<semaphore_mem>> -> memref<1x!tpu.dma_semaphore, #tpu.memory_space<semaphore_mem>>
    %dma_wait3A_1073 = tpu.memref_squeeze %dma_wait3A_1072 : memref<1x!tpu.dma_semaphore, #tpu.memory_space<semaphore_mem>> -> memref<!tpu.dma_semaphore, #tpu.memory_space<semaphore_mem>>
    %dma_wait3A_1074 = arith.constant 0 : i32
    %dma_wait3A_1075 = tpu.memref_slice %arg3[%dma_wait3A_1063, %add3A_766, %dma_wait3A_1074] : memref<4x8192x1024xf32, #tpu.memory_space<hbm>> -> memref<1x32x1024xf32, #tpu.memory_space<hbm>>
    %dma_wait3A_1076 = tpu.memref_squeeze %dma_wait3A_1075 : memref<1x32x1024xf32, #tpu.memory_space<hbm>> -> memref<32x1024xf32, #tpu.memory_space<hbm>>
    %dma_wait3A_1077 = arith.constant 0 : i32
    %dma_wait3A_1078 = arith.constant 0 : i32
    %dma_wait3A_1079 = tpu.memref_slice %arg4[%dma_wait3A_1062, %dma_wait3A_1077, %dma_wait3A_1078] : memref<3x32x1024xf32, #tpu.memory_space<vmem>> -> memref<1x32x1024xf32, #tpu.memory_space<vmem>>
    %dma_wait3A_1080 = tpu.memref_squeeze %dma_wait3A_1079 : memref<1x32x1024xf32, #tpu.memory_space<vmem>> -> memref<32x1024xf32, #tpu.memory_space<vmem>>
    tpu.wait_dma2 semaphore(%dma_wait3A_1073 : memref<!tpu.dma_semaphore, #tpu.memory_space<semaphore_mem>>) src(%dma_wait3A_1080 : memref<32x1024xf32, #tpu.memory_space<vmem>>) dst(%dma_wait3A_1076 : memref<32x1024xf32, #tpu.memory_space<hbm>>)
    %dma_wait3A_1081 = arith.constant 1 : i32
    %dma_wait3A_1082 = arith.constant 2 : i32
    %dma_wait3A_1083 = arith.constant 1 : i32
    %dma_wait3A_1084 = arith.constant 0 : i32
    %dma_wait3A_1085 = arith.constant 0 : i32
    %dma_wait3A_1086 = tpu.memref_slice %arg4[%dma_wait3A_1081, %dma_wait3A_1084, %dma_wait3A_1085] : memref<3x32x1024xf32, #tpu.memory_space<vmem>> -> memref<1x32x1024xf32, #tpu.memory_space<vmem>>
    %dma_wait3A_1087 = tpu.memref_squeeze %dma_wait3A_1086 : memref<1x32x1024xf32, #tpu.memory_space<vmem>> -> memref<32x1024xf32, #tpu.memory_space<vmem>>
    %dma_wait3A_1088 = arith.constant 0 : i32
    %dma_wait3A_1089 = tpu.memref_slice %arg3[%dma_wait3A_1082, %add3A_768, %dma_wait3A_1088] : memref<4x8192x1024xf32, #tpu.memory_space<hbm>> -> memref<1x32x1024xf32, #tpu.memory_space<hbm>>
    %dma_wait3A_1090 = tpu.memref_squeeze %dma_wait3A_1089 : memref<1x32x1024xf32, #tpu.memory_space<hbm>> -> memref<32x1024xf32, #tpu.memory_space<hbm>>
    %dma_wait3A_1091 = tpu.memref_slice %arg6[%dma_wait3A_1083] : memref<3x!tpu.dma_semaphore, #tpu.memory_space<semaphore_mem>> -> memref<1x!tpu.dma_semaphore, #tpu.memory_space<semaphore_mem>>
    %dma_wait3A_1092 = tpu.memref_squeeze %dma_wait3A_1091 : memref<1x!tpu.dma_semaphore, #tpu.memory_space<semaphore_mem>> -> memref<!tpu.dma_semaphore, #tpu.memory_space<semaphore_mem>>
    %dma_wait3A_1093 = arith.constant 0 : i32
    %dma_wait3A_1094 = tpu.memref_slice %arg3[%dma_wait3A_1082, %add3A_768, %dma_wait3A_1093] : memref<4x8192x1024xf32, #tpu.memory_space<hbm>> -> memref<1x32x1024xf32, #tpu.memory_space<hbm>>
    %dma_wait3A_1095 = tpu.memref_squeeze %dma_wait3A_1094 : memref<1x32x1024xf32, #tpu.memory_space<hbm>> -> memref<32x1024xf32, #tpu.memory_space<hbm>>
    %dma_wait3A_1096 = arith.constant 0 : i32
    %dma_wait3A_1097 = arith.constant 0 : i32
    %dma_wait3A_1098 = tpu.memref_slice %arg4[%dma_wait3A_1081, %dma_wait3A_1096, %dma_wait3A_1097] : memref<3x32x1024xf32, #tpu.memory_space<vmem>> -> memref<1x32x1024xf32, #tpu.memory_space<vmem>>
    %dma_wait3A_1099 = tpu.memref_squeeze %dma_wait3A_1098 : memref<1x32x1024xf32, #tpu.memory_space<vmem>> -> memref<32x1024xf32, #tpu.memory_space<vmem>>
    tpu.wait_dma2 semaphore(%dma_wait3A_1092 : memref<!tpu.dma_semaphore, #tpu.memory_space<semaphore_mem>>) src(%dma_wait3A_1099 : memref<32x1024xf32, #tpu.memory_space<vmem>>) dst(%dma_wait3A_1095 : memref<32x1024xf32, #tpu.memory_space<hbm>>)
    %dma_wait3A_1100 = arith.constant 1 : i32
    %dma_wait3A_1101 = arith.constant 3 : i32
    %dma_wait3A_1102 = arith.constant 1 : i32
    %dma_wait3A_1103 = arith.constant 0 : i32
    %dma_wait3A_1104 = arith.constant 0 : i32
    %dma_wait3A_1105 = tpu.memref_slice %arg4[%dma_wait3A_1100, %dma_wait3A_1103, %dma_wait3A_1104] : memref<3x32x1024xf32, #tpu.memory_space<vmem>> -> memref<1x32x1024xf32, #tpu.memory_space<vmem>>
    %dma_wait3A_1106 = tpu.memref_squeeze %dma_wait3A_1105 : memref<1x32x1024xf32, #tpu.memory_space<vmem>> -> memref<32x1024xf32, #tpu.memory_space<vmem>>
    %dma_wait3A_1107 = arith.constant 0 : i32
    %dma_wait3A_1108 = tpu.memref_slice %arg3[%dma_wait3A_1101, %add3A_770, %dma_wait3A_1107] : memref<4x8192x1024xf32, #tpu.memory_space<hbm>> -> memref<1x32x1024xf32, #tpu.memory_space<hbm>>
    %dma_wait3A_1109 = tpu.memref_squeeze %dma_wait3A_1108 : memref<1x32x1024xf32, #tpu.memory_space<hbm>> -> memref<32x1024xf32, #tpu.memory_space<hbm>>
    %dma_wait3A_1110 = tpu.memref_slice %arg6[%dma_wait3A_1102] : memref<3x!tpu.dma_semaphore, #tpu.memory_space<semaphore_mem>> -> memref<1x!tpu.dma_semaphore, #tpu.memory_space<semaphore_mem>>
    %dma_wait3A_1111 = tpu.memref_squeeze %dma_wait3A_1110 : memref<1x!tpu.dma_semaphore, #tpu.memory_space<semaphore_mem>> -> memref<!tpu.dma_semaphore, #tpu.memory_space<semaphore_mem>>
    %dma_wait3A_1112 = arith.constant 0 : i32
    %dma_wait3A_1113 = tpu.memref_slice %arg3[%dma_wait3A_1101, %add3A_770, %dma_wait3A_1112] : memref<4x8192x1024xf32, #tpu.memory_space<hbm>> -> memref<1x32x1024xf32, #tpu.memory_space<hbm>>
    %dma_wait3A_1114 = tpu.memref_squeeze %dma_wait3A_1113 : memref<1x32x1024xf32, #tpu.memory_space<hbm>> -> memref<32x1024xf32, #tpu.memory_space<hbm>>
    %dma_wait3A_1115 = arith.constant 0 : i32
    %dma_wait3A_1116 = arith.constant 0 : i32
    %dma_wait3A_1117 = tpu.memref_slice %arg4[%dma_wait3A_1100, %dma_wait3A_1115, %dma_wait3A_1116] : memref<3x32x1024xf32, #tpu.memory_space<vmem>> -> memref<1x32x1024xf32, #tpu.memory_space<vmem>>
    %dma_wait3A_1118 = tpu.memref_squeeze %dma_wait3A_1117 : memref<1x32x1024xf32, #tpu.memory_space<vmem>> -> memref<32x1024xf32, #tpu.memory_space<vmem>>
    tpu.wait_dma2 semaphore(%dma_wait3A_1111 : memref<!tpu.dma_semaphore, #tpu.memory_space<semaphore_mem>>) src(%dma_wait3A_1118 : memref<32x1024xf32, #tpu.memory_space<vmem>>) dst(%dma_wait3A_1114 : memref<32x1024xf32, #tpu.memory_space<hbm>>)
    %add3A_1119 = arith.constant 224 : i32
    %add3A_1120 = arith.addi %mul3A_2, %add3A_1119 : i32
    %dma_start3A_1121 = arith.constant 1 : i32
    %dma_start3A_1122 = arith.constant 1 : i32
    %dma_start3A_1123 = arith.constant 0 : i32
    %dma_start3A_1124 = arith.constant 0 : i32
    %dma_start3A_1125 = tpu.memref_slice %arg4[%dma_start3A_1121, %dma_start3A_1123, %dma_start3A_1124] : memref<3x32x1024xf32, #tpu.memory_space<vmem>> -> memref<1x32x1024xf32, #tpu.memory_space<vmem>>
    %dma_start3A_1126 = tpu.memref_squeeze %dma_start3A_1125 : memref<1x32x1024xf32, #tpu.memory_space<vmem>> -> memref<32x1024xf32, #tpu.memory_space<vmem>>
    %dma_start3A_1127 = arith.constant 0 : i32
    %dma_start3A_1128 = tpu.memref_slice %arg2[%add3A_1120, %dma_start3A_1127] : memref<8192x1024xf32, #tpu.memory_space<hbm>> -> memref<32x1024xf32, #tpu.memory_space<hbm>>
    %dma_start3A_1129 = tpu.memref_slice %arg5[%dma_start3A_1122] : memref<3x!tpu.dma_semaphore, #tpu.memory_space<semaphore_mem>> -> memref<1x!tpu.dma_semaphore, #tpu.memory_space<semaphore_mem>>
    %dma_start3A_1130 = tpu.memref_squeeze %dma_start3A_1129 : memref<1x!tpu.dma_semaphore, #tpu.memory_space<semaphore_mem>> -> memref<!tpu.dma_semaphore, #tpu.memory_space<semaphore_mem>>
    %dma_start3A_1131 = arith.constant 0 : i32
    %dma_start3A_1132 = arith.constant 0 : i32
    %dma_start3A_1133 = tpu.memref_slice %arg4[%dma_start3A_1121, %dma_start3A_1131, %dma_start3A_1132] : memref<3x32x1024xf32, #tpu.memory_space<vmem>> -> memref<1x32x1024xf32, #tpu.memory_space<vmem>>
    %dma_start3A_1134 = tpu.memref_squeeze %dma_start3A_1133 : memref<1x32x1024xf32, #tpu.memory_space<vmem>> -> memref<32x1024xf32, #tpu.memory_space<vmem>>
    %dma_start3A_1135 = arith.constant 0 : i32
    %dma_start3A_1136 = tpu.memref_slice %arg2[%add3A_1120, %dma_start3A_1135] : memref<8192x1024xf32, #tpu.memory_space<hbm>> -> memref<32x1024xf32, #tpu.memory_space<hbm>>
    tpu.enqueue_dma source(%dma_start3A_1136 : memref<32x1024xf32, #tpu.memory_space<hbm>>) target(%dma_start3A_1134 : memref<32x1024xf32, #tpu.memory_space<vmem>>) target_semaphore(%dma_start3A_1130 : memref<!tpu.dma_semaphore, #tpu.memory_space<semaphore_mem>>)
    %add3A_1137 = arith.constant 192 : i32
    %add3A_1138 = arith.addi %mul3A_2, %add3A_1137 : i32
    %dma_wait3A_1139 = arith.constant 0 : i32
    %dma_wait3A_1140 = arith.constant 0 : i32
    %dma_wait3A_1141 = arith.constant 0 : i32
    %dma_wait3A_1142 = arith.constant 0 : i32
    %dma_wait3A_1143 = tpu.memref_slice %arg4[%dma_wait3A_1139, %dma_wait3A_1141, %dma_wait3A_1142] : memref<3x32x1024xf32, #tpu.memory_space<vmem>> -> memref<1x32x1024xf32, #tpu.memory_space<vmem>>
    %dma_wait3A_1144 = tpu.memref_squeeze %dma_wait3A_1143 : memref<1x32x1024xf32, #tpu.memory_space<vmem>> -> memref<32x1024xf32, #tpu.memory_space<vmem>>
    %dma_wait3A_1145 = arith.constant 0 : i32
    %dma_wait3A_1146 = tpu.memref_slice %arg2[%add3A_1138, %dma_wait3A_1145] : memref<8192x1024xf32, #tpu.memory_space<hbm>> -> memref<32x1024xf32, #tpu.memory_space<hbm>>
    %dma_wait3A_1147 = tpu.memref_slice %arg5[%dma_wait3A_1140] : memref<3x!tpu.dma_semaphore, #tpu.memory_space<semaphore_mem>> -> memref<1x!tpu.dma_semaphore, #tpu.memory_space<semaphore_mem>>
    %dma_wait3A_1148 = tpu.memref_squeeze %dma_wait3A_1147 : memref<1x!tpu.dma_semaphore, #tpu.memory_space<semaphore_mem>> -> memref<!tpu.dma_semaphore, #tpu.memory_space<semaphore_mem>>
    %dma_wait3A_1149 = arith.constant 0 : i32
    %dma_wait3A_1150 = arith.constant 0 : i32
    %dma_wait3A_1151 = tpu.memref_slice %arg4[%dma_wait3A_1139, %dma_wait3A_1149, %dma_wait3A_1150] : memref<3x32x1024xf32, #tpu.memory_space<vmem>> -> memref<1x32x1024xf32, #tpu.memory_space<vmem>>
    %dma_wait3A_1152 = tpu.memref_squeeze %dma_wait3A_1151 : memref<1x32x1024xf32, #tpu.memory_space<vmem>> -> memref<32x1024xf32, #tpu.memory_space<vmem>>
    %dma_wait3A_1153 = arith.constant 0 : i32
    %dma_wait3A_1154 = tpu.memref_slice %arg2[%add3A_1138, %dma_wait3A_1153] : memref<8192x1024xf32, #tpu.memory_space<hbm>> -> memref<32x1024xf32, #tpu.memory_space<hbm>>
    tpu.wait_dma2 semaphore(%dma_wait3A_1148 : memref<!tpu.dma_semaphore, #tpu.memory_space<semaphore_mem>>) src(%dma_wait3A_1154 : memref<32x1024xf32, #tpu.memory_space<hbm>>) dst(%dma_wait3A_1152 : memref<32x1024xf32, #tpu.memory_space<vmem>>)
    %add3A_1155 = arith.constant 192 : i32
    %add3A_1156 = arith.addi %mul3A_2, %add3A_1155 : i32
    %add3A_1157 = arith.constant 192 : i32
    %add3A_1158 = arith.addi %mul3A_2, %add3A_1157 : i32
    %add3A_1159 = arith.constant 192 : i32
    %add3A_1160 = arith.addi %mul3A_2, %add3A_1159 : i32
    %add3A_1161 = arith.constant 192 : i32
    %add3A_1162 = arith.addi %mul3A_2, %add3A_1161 : i32
    %dma_start3A_1163 = arith.constant 0 : i32
    %dma_start3A_1164 = arith.constant 0 : i32
    %dma_start3A_1165 = arith.constant 0 : i32
    %dma_start3A_1166 = arith.constant 0 : i32
    %dma_start3A_1167 = arith.constant 0 : i32
    %dma_start3A_1168 = tpu.memref_slice %arg4[%dma_start3A_1163, %dma_start3A_1166, %dma_start3A_1167] : memref<3x32x1024xf32, #tpu.memory_space<vmem>> -> memref<1x32x1024xf32, #tpu.memory_space<vmem>>
    %dma_start3A_1169 = tpu.memref_squeeze %dma_start3A_1168 : memref<1x32x1024xf32, #tpu.memory_space<vmem>> -> memref<32x1024xf32, #tpu.memory_space<vmem>>
    %dma_start3A_1170 = arith.constant 0 : i32
    %dma_start3A_1171 = tpu.memref_slice %arg3[%dma_start3A_1164, %add3A_1156, %dma_start3A_1170] : memref<4x8192x1024xf32, #tpu.memory_space<hbm>> -> memref<1x32x1024xf32, #tpu.memory_space<hbm>>
    %dma_start3A_1172 = tpu.memref_squeeze %dma_start3A_1171 : memref<1x32x1024xf32, #tpu.memory_space<hbm>> -> memref<32x1024xf32, #tpu.memory_space<hbm>>
    %dma_start3A_1173 = tpu.memref_slice %arg6[%dma_start3A_1165] : memref<3x!tpu.dma_semaphore, #tpu.memory_space<semaphore_mem>> -> memref<1x!tpu.dma_semaphore, #tpu.memory_space<semaphore_mem>>
    %dma_start3A_1174 = tpu.memref_squeeze %dma_start3A_1173 : memref<1x!tpu.dma_semaphore, #tpu.memory_space<semaphore_mem>> -> memref<!tpu.dma_semaphore, #tpu.memory_space<semaphore_mem>>
    %dma_start3A_1175 = arith.constant 0 : i32
    %dma_start3A_1176 = tpu.memref_slice %arg3[%dma_start3A_1164, %add3A_1156, %dma_start3A_1175] : memref<4x8192x1024xf32, #tpu.memory_space<hbm>> -> memref<1x32x1024xf32, #tpu.memory_space<hbm>>
    %dma_start3A_1177 = tpu.memref_squeeze %dma_start3A_1176 : memref<1x32x1024xf32, #tpu.memory_space<hbm>> -> memref<32x1024xf32, #tpu.memory_space<hbm>>
    %dma_start3A_1178 = arith.constant 0 : i32
    %dma_start3A_1179 = arith.constant 0 : i32
    %dma_start3A_1180 = tpu.memref_slice %arg4[%dma_start3A_1163, %dma_start3A_1178, %dma_start3A_1179] : memref<3x32x1024xf32, #tpu.memory_space<vmem>> -> memref<1x32x1024xf32, #tpu.memory_space<vmem>>
    %dma_start3A_1181 = tpu.memref_squeeze %dma_start3A_1180 : memref<1x32x1024xf32, #tpu.memory_space<vmem>> -> memref<32x1024xf32, #tpu.memory_space<vmem>>
    tpu.enqueue_dma source(%dma_start3A_1181 : memref<32x1024xf32, #tpu.memory_space<vmem>>) target(%dma_start3A_1177 : memref<32x1024xf32, #tpu.memory_space<hbm>>) target_semaphore(%dma_start3A_1174 : memref<!tpu.dma_semaphore, #tpu.memory_space<semaphore_mem>>)
    %dma_start3A_1182 = arith.constant 0 : i32
    %dma_start3A_1183 = arith.constant 1 : i32
    %dma_start3A_1184 = arith.constant 0 : i32
    %dma_start3A_1185 = arith.constant 0 : i32
    %dma_start3A_1186 = arith.constant 0 : i32
    %dma_start3A_1187 = tpu.memref_slice %arg4[%dma_start3A_1182, %dma_start3A_1185, %dma_start3A_1186] : memref<3x32x1024xf32, #tpu.memory_space<vmem>> -> memref<1x32x1024xf32, #tpu.memory_space<vmem>>
    %dma_start3A_1188 = tpu.memref_squeeze %dma_start3A_1187 : memref<1x32x1024xf32, #tpu.memory_space<vmem>> -> memref<32x1024xf32, #tpu.memory_space<vmem>>
    %dma_start3A_1189 = arith.constant 0 : i32
    %dma_start3A_1190 = tpu.memref_slice %arg3[%dma_start3A_1183, %add3A_1158, %dma_start3A_1189] : memref<4x8192x1024xf32, #tpu.memory_space<hbm>> -> memref<1x32x1024xf32, #tpu.memory_space<hbm>>
    %dma_start3A_1191 = tpu.memref_squeeze %dma_start3A_1190 : memref<1x32x1024xf32, #tpu.memory_space<hbm>> -> memref<32x1024xf32, #tpu.memory_space<hbm>>
    %dma_start3A_1192 = tpu.memref_slice %arg6[%dma_start3A_1184] : memref<3x!tpu.dma_semaphore, #tpu.memory_space<semaphore_mem>> -> memref<1x!tpu.dma_semaphore, #tpu.memory_space<semaphore_mem>>
    %dma_start3A_1193 = tpu.memref_squeeze %dma_start3A_1192 : memref<1x!tpu.dma_semaphore, #tpu.memory_space<semaphore_mem>> -> memref<!tpu.dma_semaphore, #tpu.memory_space<semaphore_mem>>
    %dma_start3A_1194 = arith.constant 0 : i32
    %dma_start3A_1195 = tpu.memref_slice %arg3[%dma_start3A_1183, %add3A_1158, %dma_start3A_1194] : memref<4x8192x1024xf32, #tpu.memory_space<hbm>> -> memref<1x32x1024xf32, #tpu.memory_space<hbm>>
    %dma_start3A_1196 = tpu.memref_squeeze %dma_start3A_1195 : memref<1x32x1024xf32, #tpu.memory_space<hbm>> -> memref<32x1024xf32, #tpu.memory_space<hbm>>
    %dma_start3A_1197 = arith.constant 0 : i32
    %dma_start3A_1198 = arith.constant 0 : i32
    %dma_start3A_1199 = tpu.memref_slice %arg4[%dma_start3A_1182, %dma_start3A_1197, %dma_start3A_1198] : memref<3x32x1024xf32, #tpu.memory_space<vmem>> -> memref<1x32x1024xf32, #tpu.memory_space<vmem>>
    %dma_start3A_1200 = tpu.memref_squeeze %dma_start3A_1199 : memref<1x32x1024xf32, #tpu.memory_space<vmem>> -> memref<32x1024xf32, #tpu.memory_space<vmem>>
    tpu.enqueue_dma source(%dma_start3A_1200 : memref<32x1024xf32, #tpu.memory_space<vmem>>) target(%dma_start3A_1196 : memref<32x1024xf32, #tpu.memory_space<hbm>>) target_semaphore(%dma_start3A_1193 : memref<!tpu.dma_semaphore, #tpu.memory_space<semaphore_mem>>)
    %dma_start3A_1201 = arith.constant 0 : i32
    %dma_start3A_1202 = arith.constant 2 : i32
    %dma_start3A_1203 = arith.constant 0 : i32
    %dma_start3A_1204 = arith.constant 0 : i32
    %dma_start3A_1205 = arith.constant 0 : i32
    %dma_start3A_1206 = tpu.memref_slice %arg4[%dma_start3A_1201, %dma_start3A_1204, %dma_start3A_1205] : memref<3x32x1024xf32, #tpu.memory_space<vmem>> -> memref<1x32x1024xf32, #tpu.memory_space<vmem>>
    %dma_start3A_1207 = tpu.memref_squeeze %dma_start3A_1206 : memref<1x32x1024xf32, #tpu.memory_space<vmem>> -> memref<32x1024xf32, #tpu.memory_space<vmem>>
    %dma_start3A_1208 = arith.constant 0 : i32
    %dma_start3A_1209 = tpu.memref_slice %arg3[%dma_start3A_1202, %add3A_1160, %dma_start3A_1208] : memref<4x8192x1024xf32, #tpu.memory_space<hbm>> -> memref<1x32x1024xf32, #tpu.memory_space<hbm>>
    %dma_start3A_1210 = tpu.memref_squeeze %dma_start3A_1209 : memref<1x32x1024xf32, #tpu.memory_space<hbm>> -> memref<32x1024xf32, #tpu.memory_space<hbm>>
    %dma_start3A_1211 = tpu.memref_slice %arg6[%dma_start3A_1203] : memref<3x!tpu.dma_semaphore, #tpu.memory_space<semaphore_mem>> -> memref<1x!tpu.dma_semaphore, #tpu.memory_space<semaphore_mem>>
    %dma_start3A_1212 = tpu.memref_squeeze %dma_start3A_1211 : memref<1x!tpu.dma_semaphore, #tpu.memory_space<semaphore_mem>> -> memref<!tpu.dma_semaphore, #tpu.memory_space<semaphore_mem>>
    %dma_start3A_1213 = arith.constant 0 : i32
    %dma_start3A_1214 = tpu.memref_slice %arg3[%dma_start3A_1202, %add3A_1160, %dma_start3A_1213] : memref<4x8192x1024xf32, #tpu.memory_space<hbm>> -> memref<1x32x1024xf32, #tpu.memory_space<hbm>>
    %dma_start3A_1215 = tpu.memref_squeeze %dma_start3A_1214 : memref<1x32x1024xf32, #tpu.memory_space<hbm>> -> memref<32x1024xf32, #tpu.memory_space<hbm>>
    %dma_start3A_1216 = arith.constant 0 : i32
    %dma_start3A_1217 = arith.constant 0 : i32
    %dma_start3A_1218 = tpu.memref_slice %arg4[%dma_start3A_1201, %dma_start3A_1216, %dma_start3A_1217] : memref<3x32x1024xf32, #tpu.memory_space<vmem>> -> memref<1x32x1024xf32, #tpu.memory_space<vmem>>
    %dma_start3A_1219 = tpu.memref_squeeze %dma_start3A_1218 : memref<1x32x1024xf32, #tpu.memory_space<vmem>> -> memref<32x1024xf32, #tpu.memory_space<vmem>>
    tpu.enqueue_dma source(%dma_start3A_1219 : memref<32x1024xf32, #tpu.memory_space<vmem>>) target(%dma_start3A_1215 : memref<32x1024xf32, #tpu.memory_space<hbm>>) target_semaphore(%dma_start3A_1212 : memref<!tpu.dma_semaphore, #tpu.memory_space<semaphore_mem>>)
    %dma_start3A_1220 = arith.constant 0 : i32
    %dma_start3A_1221 = arith.constant 3 : i32
    %dma_start3A_1222 = arith.constant 0 : i32
    %dma_start3A_1223 = arith.constant 0 : i32
    %dma_start3A_1224 = arith.constant 0 : i32
    %dma_start3A_1225 = tpu.memref_slice %arg4[%dma_start3A_1220, %dma_start3A_1223, %dma_start3A_1224] : memref<3x32x1024xf32, #tpu.memory_space<vmem>> -> memref<1x32x1024xf32, #tpu.memory_space<vmem>>
    %dma_start3A_1226 = tpu.memref_squeeze %dma_start3A_1225 : memref<1x32x1024xf32, #tpu.memory_space<vmem>> -> memref<32x1024xf32, #tpu.memory_space<vmem>>
    %dma_start3A_1227 = arith.constant 0 : i32
    %dma_start3A_1228 = tpu.memref_slice %arg3[%dma_start3A_1221, %add3A_1162, %dma_start3A_1227] : memref<4x8192x1024xf32, #tpu.memory_space<hbm>> -> memref<1x32x1024xf32, #tpu.memory_space<hbm>>
    %dma_start3A_1229 = tpu.memref_squeeze %dma_start3A_1228 : memref<1x32x1024xf32, #tpu.memory_space<hbm>> -> memref<32x1024xf32, #tpu.memory_space<hbm>>
    %dma_start3A_1230 = tpu.memref_slice %arg6[%dma_start3A_1222] : memref<3x!tpu.dma_semaphore, #tpu.memory_space<semaphore_mem>> -> memref<1x!tpu.dma_semaphore, #tpu.memory_space<semaphore_mem>>
    %dma_start3A_1231 = tpu.memref_squeeze %dma_start3A_1230 : memref<1x!tpu.dma_semaphore, #tpu.memory_space<semaphore_mem>> -> memref<!tpu.dma_semaphore, #tpu.memory_space<semaphore_mem>>
    %dma_start3A_1232 = arith.constant 0 : i32
    %dma_start3A_1233 = tpu.memref_slice %arg3[%dma_start3A_1221, %add3A_1162, %dma_start3A_1232] : memref<4x8192x1024xf32, #tpu.memory_space<hbm>> -> memref<1x32x1024xf32, #tpu.memory_space<hbm>>
    %dma_start3A_1234 = tpu.memref_squeeze %dma_start3A_1233 : memref<1x32x1024xf32, #tpu.memory_space<hbm>> -> memref<32x1024xf32, #tpu.memory_space<hbm>>
    %dma_start3A_1235 = arith.constant 0 : i32
    %dma_start3A_1236 = arith.constant 0 : i32
    %dma_start3A_1237 = tpu.memref_slice %arg4[%dma_start3A_1220, %dma_start3A_1235, %dma_start3A_1236] : memref<3x32x1024xf32, #tpu.memory_space<vmem>> -> memref<1x32x1024xf32, #tpu.memory_space<vmem>>
    %dma_start3A_1238 = tpu.memref_squeeze %dma_start3A_1237 : memref<1x32x1024xf32, #tpu.memory_space<vmem>> -> memref<32x1024xf32, #tpu.memory_space<vmem>>
    tpu.enqueue_dma source(%dma_start3A_1238 : memref<32x1024xf32, #tpu.memory_space<vmem>>) target(%dma_start3A_1234 : memref<32x1024xf32, #tpu.memory_space<hbm>>) target_semaphore(%dma_start3A_1231 : memref<!tpu.dma_semaphore, #tpu.memory_space<semaphore_mem>>)
    %add3A_1239 = arith.constant 224 : i32
    %add3A_1240 = arith.addi %mul3A_2, %add3A_1239 : i32
    %dma_wait3A_1241 = arith.constant 1 : i32
    %dma_wait3A_1242 = arith.constant 1 : i32
    %dma_wait3A_1243 = arith.constant 0 : i32
    %dma_wait3A_1244 = arith.constant 0 : i32
    %dma_wait3A_1245 = tpu.memref_slice %arg4[%dma_wait3A_1241, %dma_wait3A_1243, %dma_wait3A_1244] : memref<3x32x1024xf32, #tpu.memory_space<vmem>> -> memref<1x32x1024xf32, #tpu.memory_space<vmem>>
    %dma_wait3A_1246 = tpu.memref_squeeze %dma_wait3A_1245 : memref<1x32x1024xf32, #tpu.memory_space<vmem>> -> memref<32x1024xf32, #tpu.memory_space<vmem>>
    %dma_wait3A_1247 = arith.constant 0 : i32
    %dma_wait3A_1248 = tpu.memref_slice %arg2[%add3A_1240, %dma_wait3A_1247] : memref<8192x1024xf32, #tpu.memory_space<hbm>> -> memref<32x1024xf32, #tpu.memory_space<hbm>>
    %dma_wait3A_1249 = tpu.memref_slice %arg5[%dma_wait3A_1242] : memref<3x!tpu.dma_semaphore, #tpu.memory_space<semaphore_mem>> -> memref<1x!tpu.dma_semaphore, #tpu.memory_space<semaphore_mem>>
    %dma_wait3A_1250 = tpu.memref_squeeze %dma_wait3A_1249 : memref<1x!tpu.dma_semaphore, #tpu.memory_space<semaphore_mem>> -> memref<!tpu.dma_semaphore, #tpu.memory_space<semaphore_mem>>
    %dma_wait3A_1251 = arith.constant 0 : i32
    %dma_wait3A_1252 = arith.constant 0 : i32
    %dma_wait3A_1253 = tpu.memref_slice %arg4[%dma_wait3A_1241, %dma_wait3A_1251, %dma_wait3A_1252] : memref<3x32x1024xf32, #tpu.memory_space<vmem>> -> memref<1x32x1024xf32, #tpu.memory_space<vmem>>
    %dma_wait3A_1254 = tpu.memref_squeeze %dma_wait3A_1253 : memref<1x32x1024xf32, #tpu.memory_space<vmem>> -> memref<32x1024xf32, #tpu.memory_space<vmem>>
    %dma_wait3A_1255 = arith.constant 0 : i32
    %dma_wait3A_1256 = tpu.memref_slice %arg2[%add3A_1240, %dma_wait3A_1255] : memref<8192x1024xf32, #tpu.memory_space<hbm>> -> memref<32x1024xf32, #tpu.memory_space<hbm>>
    tpu.wait_dma2 semaphore(%dma_wait3A_1250 : memref<!tpu.dma_semaphore, #tpu.memory_space<semaphore_mem>>) src(%dma_wait3A_1256 : memref<32x1024xf32, #tpu.memory_space<hbm>>) dst(%dma_wait3A_1254 : memref<32x1024xf32, #tpu.memory_space<vmem>>)
    %add3A_1257 = arith.constant 224 : i32
    %add3A_1258 = arith.addi %mul3A_2, %add3A_1257 : i32
    %add3A_1259 = arith.constant 224 : i32
    %add3A_1260 = arith.addi %mul3A_2, %add3A_1259 : i32
    %add3A_1261 = arith.constant 224 : i32
    %add3A_1262 = arith.addi %mul3A_2, %add3A_1261 : i32
    %add3A_1263 = arith.constant 224 : i32
    %add3A_1264 = arith.addi %mul3A_2, %add3A_1263 : i32
    %dma_start3A_1265 = arith.constant 1 : i32
    %dma_start3A_1266 = arith.constant 0 : i32
    %dma_start3A_1267 = arith.constant 1 : i32
    %dma_start3A_1268 = arith.constant 0 : i32
    %dma_start3A_1269 = arith.constant 0 : i32
    %dma_start3A_1270 = tpu.memref_slice %arg4[%dma_start3A_1265, %dma_start3A_1268, %dma_start3A_1269] : memref<3x32x1024xf32, #tpu.memory_space<vmem>> -> memref<1x32x1024xf32, #tpu.memory_space<vmem>>
    %dma_start3A_1271 = tpu.memref_squeeze %dma_start3A_1270 : memref<1x32x1024xf32, #tpu.memory_space<vmem>> -> memref<32x1024xf32, #tpu.memory_space<vmem>>
    %dma_start3A_1272 = arith.constant 0 : i32
    %dma_start3A_1273 = tpu.memref_slice %arg3[%dma_start3A_1266, %add3A_1258, %dma_start3A_1272] : memref<4x8192x1024xf32, #tpu.memory_space<hbm>> -> memref<1x32x1024xf32, #tpu.memory_space<hbm>>
    %dma_start3A_1274 = tpu.memref_squeeze %dma_start3A_1273 : memref<1x32x1024xf32, #tpu.memory_space<hbm>> -> memref<32x1024xf32, #tpu.memory_space<hbm>>
    %dma_start3A_1275 = tpu.memref_slice %arg6[%dma_start3A_1267] : memref<3x!tpu.dma_semaphore, #tpu.memory_space<semaphore_mem>> -> memref<1x!tpu.dma_semaphore, #tpu.memory_space<semaphore_mem>>
    %dma_start3A_1276 = tpu.memref_squeeze %dma_start3A_1275 : memref<1x!tpu.dma_semaphore, #tpu.memory_space<semaphore_mem>> -> memref<!tpu.dma_semaphore, #tpu.memory_space<semaphore_mem>>
    %dma_start3A_1277 = arith.constant 0 : i32
    %dma_start3A_1278 = tpu.memref_slice %arg3[%dma_start3A_1266, %add3A_1258, %dma_start3A_1277] : memref<4x8192x1024xf32, #tpu.memory_space<hbm>> -> memref<1x32x1024xf32, #tpu.memory_space<hbm>>
    %dma_start3A_1279 = tpu.memref_squeeze %dma_start3A_1278 : memref<1x32x1024xf32, #tpu.memory_space<hbm>> -> memref<32x1024xf32, #tpu.memory_space<hbm>>
    %dma_start3A_1280 = arith.constant 0 : i32
    %dma_start3A_1281 = arith.constant 0 : i32
    %dma_start3A_1282 = tpu.memref_slice %arg4[%dma_start3A_1265, %dma_start3A_1280, %dma_start3A_1281] : memref<3x32x1024xf32, #tpu.memory_space<vmem>> -> memref<1x32x1024xf32, #tpu.memory_space<vmem>>
    %dma_start3A_1283 = tpu.memref_squeeze %dma_start3A_1282 : memref<1x32x1024xf32, #tpu.memory_space<vmem>> -> memref<32x1024xf32, #tpu.memory_space<vmem>>
    tpu.enqueue_dma source(%dma_start3A_1283 : memref<32x1024xf32, #tpu.memory_space<vmem>>) target(%dma_start3A_1279 : memref<32x1024xf32, #tpu.memory_space<hbm>>) target_semaphore(%dma_start3A_1276 : memref<!tpu.dma_semaphore, #tpu.memory_space<semaphore_mem>>)
    %dma_start3A_1284 = arith.constant 1 : i32
    %dma_start3A_1285 = arith.constant 1 : i32
    %dma_start3A_1286 = arith.constant 1 : i32
    %dma_start3A_1287 = arith.constant 0 : i32
    %dma_start3A_1288 = arith.constant 0 : i32
    %dma_start3A_1289 = tpu.memref_slice %arg4[%dma_start3A_1284, %dma_start3A_1287, %dma_start3A_1288] : memref<3x32x1024xf32, #tpu.memory_space<vmem>> -> memref<1x32x1024xf32, #tpu.memory_space<vmem>>
    %dma_start3A_1290 = tpu.memref_squeeze %dma_start3A_1289 : memref<1x32x1024xf32, #tpu.memory_space<vmem>> -> memref<32x1024xf32, #tpu.memory_space<vmem>>
    %dma_start3A_1291 = arith.constant 0 : i32
    %dma_start3A_1292 = tpu.memref_slice %arg3[%dma_start3A_1285, %add3A_1260, %dma_start3A_1291] : memref<4x8192x1024xf32, #tpu.memory_space<hbm>> -> memref<1x32x1024xf32, #tpu.memory_space<hbm>>
    %dma_start3A_1293 = tpu.memref_squeeze %dma_start3A_1292 : memref<1x32x1024xf32, #tpu.memory_space<hbm>> -> memref<32x1024xf32, #tpu.memory_space<hbm>>
    %dma_start3A_1294 = tpu.memref_slice %arg6[%dma_start3A_1286] : memref<3x!tpu.dma_semaphore, #tpu.memory_space<semaphore_mem>> -> memref<1x!tpu.dma_semaphore, #tpu.memory_space<semaphore_mem>>
    %dma_start3A_1295 = tpu.memref_squeeze %dma_start3A_1294 : memref<1x!tpu.dma_semaphore, #tpu.memory_space<semaphore_mem>> -> memref<!tpu.dma_semaphore, #tpu.memory_space<semaphore_mem>>
    %dma_start3A_1296 = arith.constant 0 : i32
    %dma_start3A_1297 = tpu.memref_slice %arg3[%dma_start3A_1285, %add3A_1260, %dma_start3A_1296] : memref<4x8192x1024xf32, #tpu.memory_space<hbm>> -> memref<1x32x1024xf32, #tpu.memory_space<hbm>>
    %dma_start3A_1298 = tpu.memref_squeeze %dma_start3A_1297 : memref<1x32x1024xf32, #tpu.memory_space<hbm>> -> memref<32x1024xf32, #tpu.memory_space<hbm>>
    %dma_start3A_1299 = arith.constant 0 : i32
    %dma_start3A_1300 = arith.constant 0 : i32
    %dma_start3A_1301 = tpu.memref_slice %arg4[%dma_start3A_1284, %dma_start3A_1299, %dma_start3A_1300] : memref<3x32x1024xf32, #tpu.memory_space<vmem>> -> memref<1x32x1024xf32, #tpu.memory_space<vmem>>
    %dma_start3A_1302 = tpu.memref_squeeze %dma_start3A_1301 : memref<1x32x1024xf32, #tpu.memory_space<vmem>> -> memref<32x1024xf32, #tpu.memory_space<vmem>>
    tpu.enqueue_dma source(%dma_start3A_1302 : memref<32x1024xf32, #tpu.memory_space<vmem>>) target(%dma_start3A_1298 : memref<32x1024xf32, #tpu.memory_space<hbm>>) target_semaphore(%dma_start3A_1295 : memref<!tpu.dma_semaphore, #tpu.memory_space<semaphore_mem>>)
    %dma_start3A_1303 = arith.constant 1 : i32
    %dma_start3A_1304 = arith.constant 2 : i32
    %dma_start3A_1305 = arith.constant 1 : i32
    %dma_start3A_1306 = arith.constant 0 : i32
    %dma_start3A_1307 = arith.constant 0 : i32
    %dma_start3A_1308 = tpu.memref_slice %arg4[%dma_start3A_1303, %dma_start3A_1306, %dma_start3A_1307] : memref<3x32x1024xf32, #tpu.memory_space<vmem>> -> memref<1x32x1024xf32, #tpu.memory_space<vmem>>
    %dma_start3A_1309 = tpu.memref_squeeze %dma_start3A_1308 : memref<1x32x1024xf32, #tpu.memory_space<vmem>> -> memref<32x1024xf32, #tpu.memory_space<vmem>>
    %dma_start3A_1310 = arith.constant 0 : i32
    %dma_start3A_1311 = tpu.memref_slice %arg3[%dma_start3A_1304, %add3A_1262, %dma_start3A_1310] : memref<4x8192x1024xf32, #tpu.memory_space<hbm>> -> memref<1x32x1024xf32, #tpu.memory_space<hbm>>
    %dma_start3A_1312 = tpu.memref_squeeze %dma_start3A_1311 : memref<1x32x1024xf32, #tpu.memory_space<hbm>> -> memref<32x1024xf32, #tpu.memory_space<hbm>>
    %dma_start3A_1313 = tpu.memref_slice %arg6[%dma_start3A_1305] : memref<3x!tpu.dma_semaphore, #tpu.memory_space<semaphore_mem>> -> memref<1x!tpu.dma_semaphore, #tpu.memory_space<semaphore_mem>>
    %dma_start3A_1314 = tpu.memref_squeeze %dma_start3A_1313 : memref<1x!tpu.dma_semaphore, #tpu.memory_space<semaphore_mem>> -> memref<!tpu.dma_semaphore, #tpu.memory_space<semaphore_mem>>
    %dma_start3A_1315 = arith.constant 0 : i32
    %dma_start3A_1316 = tpu.memref_slice %arg3[%dma_start3A_1304, %add3A_1262, %dma_start3A_1315] : memref<4x8192x1024xf32, #tpu.memory_space<hbm>> -> memref<1x32x1024xf32, #tpu.memory_space<hbm>>
    %dma_start3A_1317 = tpu.memref_squeeze %dma_start3A_1316 : memref<1x32x1024xf32, #tpu.memory_space<hbm>> -> memref<32x1024xf32, #tpu.memory_space<hbm>>
    %dma_start3A_1318 = arith.constant 0 : i32
    %dma_start3A_1319 = arith.constant 0 : i32
    %dma_start3A_1320 = tpu.memref_slice %arg4[%dma_start3A_1303, %dma_start3A_1318, %dma_start3A_1319] : memref<3x32x1024xf32, #tpu.memory_space<vmem>> -> memref<1x32x1024xf32, #tpu.memory_space<vmem>>
    %dma_start3A_1321 = tpu.memref_squeeze %dma_start3A_1320 : memref<1x32x1024xf32, #tpu.memory_space<vmem>> -> memref<32x1024xf32, #tpu.memory_space<vmem>>
    tpu.enqueue_dma source(%dma_start3A_1321 : memref<32x1024xf32, #tpu.memory_space<vmem>>) target(%dma_start3A_1317 : memref<32x1024xf32, #tpu.memory_space<hbm>>) target_semaphore(%dma_start3A_1314 : memref<!tpu.dma_semaphore, #tpu.memory_space<semaphore_mem>>)
    %dma_start3A_1322 = arith.constant 1 : i32
    %dma_start3A_1323 = arith.constant 3 : i32
    %dma_start3A_1324 = arith.constant 1 : i32
    %dma_start3A_1325 = arith.constant 0 : i32
    %dma_start3A_1326 = arith.constant 0 : i32
    %dma_start3A_1327 = tpu.memref_slice %arg4[%dma_start3A_1322, %dma_start3A_1325, %dma_start3A_1326] : memref<3x32x1024xf32, #tpu.memory_space<vmem>> -> memref<1x32x1024xf32, #tpu.memory_space<vmem>>
    %dma_start3A_1328 = tpu.memref_squeeze %dma_start3A_1327 : memref<1x32x1024xf32, #tpu.memory_space<vmem>> -> memref<32x1024xf32, #tpu.memory_space<vmem>>
    %dma_start3A_1329 = arith.constant 0 : i32
    %dma_start3A_1330 = tpu.memref_slice %arg3[%dma_start3A_1323, %add3A_1264, %dma_start3A_1329] : memref<4x8192x1024xf32, #tpu.memory_space<hbm>> -> memref<1x32x1024xf32, #tpu.memory_space<hbm>>
    %dma_start3A_1331 = tpu.memref_squeeze %dma_start3A_1330 : memref<1x32x1024xf32, #tpu.memory_space<hbm>> -> memref<32x1024xf32, #tpu.memory_space<hbm>>
    %dma_start3A_1332 = tpu.memref_slice %arg6[%dma_start3A_1324] : memref<3x!tpu.dma_semaphore, #tpu.memory_space<semaphore_mem>> -> memref<1x!tpu.dma_semaphore, #tpu.memory_space<semaphore_mem>>
    %dma_start3A_1333 = tpu.memref_squeeze %dma_start3A_1332 : memref<1x!tpu.dma_semaphore, #tpu.memory_space<semaphore_mem>> -> memref<!tpu.dma_semaphore, #tpu.memory_space<semaphore_mem>>
    %dma_start3A_1334 = arith.constant 0 : i32
    %dma_start3A_1335 = tpu.memref_slice %arg3[%dma_start3A_1323, %add3A_1264, %dma_start3A_1334] : memref<4x8192x1024xf32, #tpu.memory_space<hbm>> -> memref<1x32x1024xf32, #tpu.memory_space<hbm>>
    %dma_start3A_1336 = tpu.memref_squeeze %dma_start3A_1335 : memref<1x32x1024xf32, #tpu.memory_space<hbm>> -> memref<32x1024xf32, #tpu.memory_space<hbm>>
    %dma_start3A_1337 = arith.constant 0 : i32
    %dma_start3A_1338 = arith.constant 0 : i32
    %dma_start3A_1339 = tpu.memref_slice %arg4[%dma_start3A_1322, %dma_start3A_1337, %dma_start3A_1338] : memref<3x32x1024xf32, #tpu.memory_space<vmem>> -> memref<1x32x1024xf32, #tpu.memory_space<vmem>>
    %dma_start3A_1340 = tpu.memref_squeeze %dma_start3A_1339 : memref<1x32x1024xf32, #tpu.memory_space<vmem>> -> memref<32x1024xf32, #tpu.memory_space<vmem>>
    tpu.enqueue_dma source(%dma_start3A_1340 : memref<32x1024xf32, #tpu.memory_space<vmem>>) target(%dma_start3A_1336 : memref<32x1024xf32, #tpu.memory_space<hbm>>) target_semaphore(%dma_start3A_1333 : memref<!tpu.dma_semaphore, #tpu.memory_space<semaphore_mem>>)
    %dma_wait3A_1341 = arith.constant 2 : i32
    %dma_wait3A_1342 = arith.constant 0 : i32
    %dma_wait3A_1343 = arith.constant 2 : i32
    %dma_wait3A_1344 = arith.constant 0 : i32
    %dma_wait3A_1345 = arith.constant 0 : i32
    %dma_wait3A_1346 = tpu.memref_slice %arg4[%dma_wait3A_1341, %dma_wait3A_1344, %dma_wait3A_1345] : memref<3x32x1024xf32, #tpu.memory_space<vmem>> -> memref<1x32x1024xf32, #tpu.memory_space<vmem>>
    %dma_wait3A_1347 = tpu.memref_squeeze %dma_wait3A_1346 : memref<1x32x1024xf32, #tpu.memory_space<vmem>> -> memref<32x1024xf32, #tpu.memory_space<vmem>>
    %dma_wait3A_1348 = arith.constant 0 : i32
    %dma_wait3A_1349 = tpu.memref_slice %arg3[%dma_wait3A_1342, %add3A_960, %dma_wait3A_1348] : memref<4x8192x1024xf32, #tpu.memory_space<hbm>> -> memref<1x32x1024xf32, #tpu.memory_space<hbm>>
    %dma_wait3A_1350 = tpu.memref_squeeze %dma_wait3A_1349 : memref<1x32x1024xf32, #tpu.memory_space<hbm>> -> memref<32x1024xf32, #tpu.memory_space<hbm>>
    %dma_wait3A_1351 = tpu.memref_slice %arg6[%dma_wait3A_1343] : memref<3x!tpu.dma_semaphore, #tpu.memory_space<semaphore_mem>> -> memref<1x!tpu.dma_semaphore, #tpu.memory_space<semaphore_mem>>
    %dma_wait3A_1352 = tpu.memref_squeeze %dma_wait3A_1351 : memref<1x!tpu.dma_semaphore, #tpu.memory_space<semaphore_mem>> -> memref<!tpu.dma_semaphore, #tpu.memory_space<semaphore_mem>>
    %dma_wait3A_1353 = arith.constant 0 : i32
    %dma_wait3A_1354 = tpu.memref_slice %arg3[%dma_wait3A_1342, %add3A_960, %dma_wait3A_1353] : memref<4x8192x1024xf32, #tpu.memory_space<hbm>> -> memref<1x32x1024xf32, #tpu.memory_space<hbm>>
    %dma_wait3A_1355 = tpu.memref_squeeze %dma_wait3A_1354 : memref<1x32x1024xf32, #tpu.memory_space<hbm>> -> memref<32x1024xf32, #tpu.memory_space<hbm>>
    %dma_wait3A_1356 = arith.constant 0 : i32
    %dma_wait3A_1357 = arith.constant 0 : i32
    %dma_wait3A_1358 = tpu.memref_slice %arg4[%dma_wait3A_1341, %dma_wait3A_1356, %dma_wait3A_1357] : memref<3x32x1024xf32, #tpu.memory_space<vmem>> -> memref<1x32x1024xf32, #tpu.memory_space<vmem>>
    %dma_wait3A_1359 = tpu.memref_squeeze %dma_wait3A_1358 : memref<1x32x1024xf32, #tpu.memory_space<vmem>> -> memref<32x1024xf32, #tpu.memory_space<vmem>>
    tpu.wait_dma2 semaphore(%dma_wait3A_1352 : memref<!tpu.dma_semaphore, #tpu.memory_space<semaphore_mem>>) src(%dma_wait3A_1359 : memref<32x1024xf32, #tpu.memory_space<vmem>>) dst(%dma_wait3A_1355 : memref<32x1024xf32, #tpu.memory_space<hbm>>)
    %dma_wait3A_1360 = arith.constant 2 : i32
    %dma_wait3A_1361 = arith.constant 1 : i32
    %dma_wait3A_1362 = arith.constant 2 : i32
    %dma_wait3A_1363 = arith.constant 0 : i32
    %dma_wait3A_1364 = arith.constant 0 : i32
    %dma_wait3A_1365 = tpu.memref_slice %arg4[%dma_wait3A_1360, %dma_wait3A_1363, %dma_wait3A_1364] : memref<3x32x1024xf32, #tpu.memory_space<vmem>> -> memref<1x32x1024xf32, #tpu.memory_space<vmem>>
    %dma_wait3A_1366 = tpu.memref_squeeze %dma_wait3A_1365 : memref<1x32x1024xf32, #tpu.memory_space<vmem>> -> memref<32x1024xf32, #tpu.memory_space<vmem>>
    %dma_wait3A_1367 = arith.constant 0 : i32
    %dma_wait3A_1368 = tpu.memref_slice %arg3[%dma_wait3A_1361, %add3A_962, %dma_wait3A_1367] : memref<4x8192x1024xf32, #tpu.memory_space<hbm>> -> memref<1x32x1024xf32, #tpu.memory_space<hbm>>
    %dma_wait3A_1369 = tpu.memref_squeeze %dma_wait3A_1368 : memref<1x32x1024xf32, #tpu.memory_space<hbm>> -> memref<32x1024xf32, #tpu.memory_space<hbm>>
    %dma_wait3A_1370 = tpu.memref_slice %arg6[%dma_wait3A_1362] : memref<3x!tpu.dma_semaphore, #tpu.memory_space<semaphore_mem>> -> memref<1x!tpu.dma_semaphore, #tpu.memory_space<semaphore_mem>>
    %dma_wait3A_1371 = tpu.memref_squeeze %dma_wait3A_1370 : memref<1x!tpu.dma_semaphore, #tpu.memory_space<semaphore_mem>> -> memref<!tpu.dma_semaphore, #tpu.memory_space<semaphore_mem>>
    %dma_wait3A_1372 = arith.constant 0 : i32
    %dma_wait3A_1373 = tpu.memref_slice %arg3[%dma_wait3A_1361, %add3A_962, %dma_wait3A_1372] : memref<4x8192x1024xf32, #tpu.memory_space<hbm>> -> memref<1x32x1024xf32, #tpu.memory_space<hbm>>
    %dma_wait3A_1374 = tpu.memref_squeeze %dma_wait3A_1373 : memref<1x32x1024xf32, #tpu.memory_space<hbm>> -> memref<32x1024xf32, #tpu.memory_space<hbm>>
    %dma_wait3A_1375 = arith.constant 0 : i32
    %dma_wait3A_1376 = arith.constant 0 : i32
    %dma_wait3A_1377 = tpu.memref_slice %arg4[%dma_wait3A_1360, %dma_wait3A_1375, %dma_wait3A_1376] : memref<3x32x1024xf32, #tpu.memory_space<vmem>> -> memref<1x32x1024xf32, #tpu.memory_space<vmem>>
    %dma_wait3A_1378 = tpu.memref_squeeze %dma_wait3A_1377 : memref<1x32x1024xf32, #tpu.memory_space<vmem>> -> memref<32x1024xf32, #tpu.memory_space<vmem>>
    tpu.wait_dma2 semaphore(%dma_wait3A_1371 : memref<!tpu.dma_semaphore, #tpu.memory_space<semaphore_mem>>) src(%dma_wait3A_1378 : memref<32x1024xf32, #tpu.memory_space<vmem>>) dst(%dma_wait3A_1374 : memref<32x1024xf32, #tpu.memory_space<hbm>>)
    %dma_wait3A_1379 = arith.constant 2 : i32
    %dma_wait3A_1380 = arith.constant 2 : i32
    %dma_wait3A_1381 = arith.constant 2 : i32
    %dma_wait3A_1382 = arith.constant 0 : i32
    %dma_wait3A_1383 = arith.constant 0 : i32
    %dma_wait3A_1384 = tpu.memref_slice %arg4[%dma_wait3A_1379, %dma_wait3A_1382, %dma_wait3A_1383] : memref<3x32x1024xf32, #tpu.memory_space<vmem>> -> memref<1x32x1024xf32, #tpu.memory_space<vmem>>
    %dma_wait3A_1385 = tpu.memref_squeeze %dma_wait3A_1384 : memref<1x32x1024xf32, #tpu.memory_space<vmem>> -> memref<32x1024xf32, #tpu.memory_space<vmem>>
    %dma_wait3A_1386 = arith.constant 0 : i32
    %dma_wait3A_1387 = tpu.memref_slice %arg3[%dma_wait3A_1380, %add3A_964, %dma_wait3A_1386] : memref<4x8192x1024xf32, #tpu.memory_space<hbm>> -> memref<1x32x1024xf32, #tpu.memory_space<hbm>>
    %dma_wait3A_1388 = tpu.memref_squeeze %dma_wait3A_1387 : memref<1x32x1024xf32, #tpu.memory_space<hbm>> -> memref<32x1024xf32, #tpu.memory_space<hbm>>
    %dma_wait3A_1389 = tpu.memref_slice %arg6[%dma_wait3A_1381] : memref<3x!tpu.dma_semaphore, #tpu.memory_space<semaphore_mem>> -> memref<1x!tpu.dma_semaphore, #tpu.memory_space<semaphore_mem>>
    %dma_wait3A_1390 = tpu.memref_squeeze %dma_wait3A_1389 : memref<1x!tpu.dma_semaphore, #tpu.memory_space<semaphore_mem>> -> memref<!tpu.dma_semaphore, #tpu.memory_space<semaphore_mem>>
    %dma_wait3A_1391 = arith.constant 0 : i32
    %dma_wait3A_1392 = tpu.memref_slice %arg3[%dma_wait3A_1380, %add3A_964, %dma_wait3A_1391] : memref<4x8192x1024xf32, #tpu.memory_space<hbm>> -> memref<1x32x1024xf32, #tpu.memory_space<hbm>>
    %dma_wait3A_1393 = tpu.memref_squeeze %dma_wait3A_1392 : memref<1x32x1024xf32, #tpu.memory_space<hbm>> -> memref<32x1024xf32, #tpu.memory_space<hbm>>
    %dma_wait3A_1394 = arith.constant 0 : i32
    %dma_wait3A_1395 = arith.constant 0 : i32
    %dma_wait3A_1396 = tpu.memref_slice %arg4[%dma_wait3A_1379, %dma_wait3A_1394, %dma_wait3A_1395] : memref<3x32x1024xf32, #tpu.memory_space<vmem>> -> memref<1x32x1024xf32, #tpu.memory_space<vmem>>
    %dma_wait3A_1397 = tpu.memref_squeeze %dma_wait3A_1396 : memref<1x32x1024xf32, #tpu.memory_space<vmem>> -> memref<32x1024xf32, #tpu.memory_space<vmem>>
    tpu.wait_dma2 semaphore(%dma_wait3A_1390 : memref<!tpu.dma_semaphore, #tpu.memory_space<semaphore_mem>>) src(%dma_wait3A_1397 : memref<32x1024xf32, #tpu.memory_space<vmem>>) dst(%dma_wait3A_1393 : memref<32x1024xf32, #tpu.memory_space<hbm>>)
    %dma_wait3A_1398 = arith.constant 2 : i32
    %dma_wait3A_1399 = arith.constant 3 : i32
    %dma_wait3A_1400 = arith.constant 2 : i32
    %dma_wait3A_1401 = arith.constant 0 : i32
    %dma_wait3A_1402 = arith.constant 0 : i32
    %dma_wait3A_1403 = tpu.memref_slice %arg4[%dma_wait3A_1398, %dma_wait3A_1401, %dma_wait3A_1402] : memref<3x32x1024xf32, #tpu.memory_space<vmem>> -> memref<1x32x1024xf32, #tpu.memory_space<vmem>>
    %dma_wait3A_1404 = tpu.memref_squeeze %dma_wait3A_1403 : memref<1x32x1024xf32, #tpu.memory_space<vmem>> -> memref<32x1024xf32, #tpu.memory_space<vmem>>
    %dma_wait3A_1405 = arith.constant 0 : i32
    %dma_wait3A_1406 = tpu.memref_slice %arg3[%dma_wait3A_1399, %add3A_966, %dma_wait3A_1405] : memref<4x8192x1024xf32, #tpu.memory_space<hbm>> -> memref<1x32x1024xf32, #tpu.memory_space<hbm>>
    %dma_wait3A_1407 = tpu.memref_squeeze %dma_wait3A_1406 : memref<1x32x1024xf32, #tpu.memory_space<hbm>> -> memref<32x1024xf32, #tpu.memory_space<hbm>>
    %dma_wait3A_1408 = tpu.memref_slice %arg6[%dma_wait3A_1400] : memref<3x!tpu.dma_semaphore, #tpu.memory_space<semaphore_mem>> -> memref<1x!tpu.dma_semaphore, #tpu.memory_space<semaphore_mem>>
    %dma_wait3A_1409 = tpu.memref_squeeze %dma_wait3A_1408 : memref<1x!tpu.dma_semaphore, #tpu.memory_space<semaphore_mem>> -> memref<!tpu.dma_semaphore, #tpu.memory_space<semaphore_mem>>
    %dma_wait3A_1410 = arith.constant 0 : i32
    %dma_wait3A_1411 = tpu.memref_slice %arg3[%dma_wait3A_1399, %add3A_966, %dma_wait3A_1410] : memref<4x8192x1024xf32, #tpu.memory_space<hbm>> -> memref<1x32x1024xf32, #tpu.memory_space<hbm>>
    %dma_wait3A_1412 = tpu.memref_squeeze %dma_wait3A_1411 : memref<1x32x1024xf32, #tpu.memory_space<hbm>> -> memref<32x1024xf32, #tpu.memory_space<hbm>>
    %dma_wait3A_1413 = arith.constant 0 : i32
    %dma_wait3A_1414 = arith.constant 0 : i32
    %dma_wait3A_1415 = tpu.memref_slice %arg4[%dma_wait3A_1398, %dma_wait3A_1413, %dma_wait3A_1414] : memref<3x32x1024xf32, #tpu.memory_space<vmem>> -> memref<1x32x1024xf32, #tpu.memory_space<vmem>>
    %dma_wait3A_1416 = tpu.memref_squeeze %dma_wait3A_1415 : memref<1x32x1024xf32, #tpu.memory_space<vmem>> -> memref<32x1024xf32, #tpu.memory_space<vmem>>
    tpu.wait_dma2 semaphore(%dma_wait3A_1409 : memref<!tpu.dma_semaphore, #tpu.memory_space<semaphore_mem>>) src(%dma_wait3A_1416 : memref<32x1024xf32, #tpu.memory_space<vmem>>) dst(%dma_wait3A_1412 : memref<32x1024xf32, #tpu.memory_space<hbm>>)
    %dma_wait3A_1417 = arith.constant 0 : i32
    %dma_wait3A_1418 = arith.constant 0 : i32
    %dma_wait3A_1419 = arith.constant 0 : i32
    %dma_wait3A_1420 = arith.constant 0 : i32
    %dma_wait3A_1421 = arith.constant 0 : i32
    %dma_wait3A_1422 = tpu.memref_slice %arg4[%dma_wait3A_1417, %dma_wait3A_1420, %dma_wait3A_1421] : memref<3x32x1024xf32, #tpu.memory_space<vmem>> -> memref<1x32x1024xf32, #tpu.memory_space<vmem>>
    %dma_wait3A_1423 = tpu.memref_squeeze %dma_wait3A_1422 : memref<1x32x1024xf32, #tpu.memory_space<vmem>> -> memref<32x1024xf32, #tpu.memory_space<vmem>>
    %dma_wait3A_1424 = arith.constant 0 : i32
    %dma_wait3A_1425 = tpu.memref_slice %arg3[%dma_wait3A_1418, %add3A_1156, %dma_wait3A_1424] : memref<4x8192x1024xf32, #tpu.memory_space<hbm>> -> memref<1x32x1024xf32, #tpu.memory_space<hbm>>
    %dma_wait3A_1426 = tpu.memref_squeeze %dma_wait3A_1425 : memref<1x32x1024xf32, #tpu.memory_space<hbm>> -> memref<32x1024xf32, #tpu.memory_space<hbm>>
    %dma_wait3A_1427 = tpu.memref_slice %arg6[%dma_wait3A_1419] : memref<3x!tpu.dma_semaphore, #tpu.memory_space<semaphore_mem>> -> memref<1x!tpu.dma_semaphore, #tpu.memory_space<semaphore_mem>>
    %dma_wait3A_1428 = tpu.memref_squeeze %dma_wait3A_1427 : memref<1x!tpu.dma_semaphore, #tpu.memory_space<semaphore_mem>> -> memref<!tpu.dma_semaphore, #tpu.memory_space<semaphore_mem>>
    %dma_wait3A_1429 = arith.constant 0 : i32
    %dma_wait3A_1430 = tpu.memref_slice %arg3[%dma_wait3A_1418, %add3A_1156, %dma_wait3A_1429] : memref<4x8192x1024xf32, #tpu.memory_space<hbm>> -> memref<1x32x1024xf32, #tpu.memory_space<hbm>>
    %dma_wait3A_1431 = tpu.memref_squeeze %dma_wait3A_1430 : memref<1x32x1024xf32, #tpu.memory_space<hbm>> -> memref<32x1024xf32, #tpu.memory_space<hbm>>
    %dma_wait3A_1432 = arith.constant 0 : i32
    %dma_wait3A_1433 = arith.constant 0 : i32
    %dma_wait3A_1434 = tpu.memref_slice %arg4[%dma_wait3A_1417, %dma_wait3A_1432, %dma_wait3A_1433] : memref<3x32x1024xf32, #tpu.memory_space<vmem>> -> memref<1x32x1024xf32, #tpu.memory_space<vmem>>
    %dma_wait3A_1435 = tpu.memref_squeeze %dma_wait3A_1434 : memref<1x32x1024xf32, #tpu.memory_space<vmem>> -> memref<32x1024xf32, #tpu.memory_space<vmem>>
    tpu.wait_dma2 semaphore(%dma_wait3A_1428 : memref<!tpu.dma_semaphore, #tpu.memory_space<semaphore_mem>>) src(%dma_wait3A_1435 : memref<32x1024xf32, #tpu.memory_space<vmem>>) dst(%dma_wait3A_1431 : memref<32x1024xf32, #tpu.memory_space<hbm>>)
    %dma_wait3A_1436 = arith.constant 0 : i32
    %dma_wait3A_1437 = arith.constant 1 : i32
    %dma_wait3A_1438 = arith.constant 0 : i32
    %dma_wait3A_1439 = arith.constant 0 : i32
    %dma_wait3A_1440 = arith.constant 0 : i32
    %dma_wait3A_1441 = tpu.memref_slice %arg4[%dma_wait3A_1436, %dma_wait3A_1439, %dma_wait3A_1440] : memref<3x32x1024xf32, #tpu.memory_space<vmem>> -> memref<1x32x1024xf32, #tpu.memory_space<vmem>>
    %dma_wait3A_1442 = tpu.memref_squeeze %dma_wait3A_1441 : memref<1x32x1024xf32, #tpu.memory_space<vmem>> -> memref<32x1024xf32, #tpu.memory_space<vmem>>
    %dma_wait3A_1443 = arith.constant 0 : i32
    %dma_wait3A_1444 = tpu.memref_slice %arg3[%dma_wait3A_1437, %add3A_1158, %dma_wait3A_1443] : memref<4x8192x1024xf32, #tpu.memory_space<hbm>> -> memref<1x32x1024xf32, #tpu.memory_space<hbm>>
    %dma_wait3A_1445 = tpu.memref_squeeze %dma_wait3A_1444 : memref<1x32x1024xf32, #tpu.memory_space<hbm>> -> memref<32x1024xf32, #tpu.memory_space<hbm>>
    %dma_wait3A_1446 = tpu.memref_slice %arg6[%dma_wait3A_1438] : memref<3x!tpu.dma_semaphore, #tpu.memory_space<semaphore_mem>> -> memref<1x!tpu.dma_semaphore, #tpu.memory_space<semaphore_mem>>
    %dma_wait3A_1447 = tpu.memref_squeeze %dma_wait3A_1446 : memref<1x!tpu.dma_semaphore, #tpu.memory_space<semaphore_mem>> -> memref<!tpu.dma_semaphore, #tpu.memory_space<semaphore_mem>>
    %dma_wait3A_1448 = arith.constant 0 : i32
    %dma_wait3A_1449 = tpu.memref_slice %arg3[%dma_wait3A_1437, %add3A_1158, %dma_wait3A_1448] : memref<4x8192x1024xf32, #tpu.memory_space<hbm>> -> memref<1x32x1024xf32, #tpu.memory_space<hbm>>
    %dma_wait3A_1450 = tpu.memref_squeeze %dma_wait3A_1449 : memref<1x32x1024xf32, #tpu.memory_space<hbm>> -> memref<32x1024xf32, #tpu.memory_space<hbm>>
    %dma_wait3A_1451 = arith.constant 0 : i32
    %dma_wait3A_1452 = arith.constant 0 : i32
    %dma_wait3A_1453 = tpu.memref_slice %arg4[%dma_wait3A_1436, %dma_wait3A_1451, %dma_wait3A_1452] : memref<3x32x1024xf32, #tpu.memory_space<vmem>> -> memref<1x32x1024xf32, #tpu.memory_space<vmem>>
    %dma_wait3A_1454 = tpu.memref_squeeze %dma_wait3A_1453 : memref<1x32x1024xf32, #tpu.memory_space<vmem>> -> memref<32x1024xf32, #tpu.memory_space<vmem>>
    tpu.wait_dma2 semaphore(%dma_wait3A_1447 : memref<!tpu.dma_semaphore, #tpu.memory_space<semaphore_mem>>) src(%dma_wait3A_1454 : memref<32x1024xf32, #tpu.memory_space<vmem>>) dst(%dma_wait3A_1450 : memref<32x1024xf32, #tpu.memory_space<hbm>>)
    %dma_wait3A_1455 = arith.constant 0 : i32
    %dma_wait3A_1456 = arith.constant 2 : i32
    %dma_wait3A_1457 = arith.constant 0 : i32
    %dma_wait3A_1458 = arith.constant 0 : i32
    %dma_wait3A_1459 = arith.constant 0 : i32
    %dma_wait3A_1460 = tpu.memref_slice %arg4[%dma_wait3A_1455, %dma_wait3A_1458, %dma_wait3A_1459] : memref<3x32x1024xf32, #tpu.memory_space<vmem>> -> memref<1x32x1024xf32, #tpu.memory_space<vmem>>
    %dma_wait3A_1461 = tpu.memref_squeeze %dma_wait3A_1460 : memref<1x32x1024xf32, #tpu.memory_space<vmem>> -> memref<32x1024xf32, #tpu.memory_space<vmem>>
    %dma_wait3A_1462 = arith.constant 0 : i32
    %dma_wait3A_1463 = tpu.memref_slice %arg3[%dma_wait3A_1456, %add3A_1160, %dma_wait3A_1462] : memref<4x8192x1024xf32, #tpu.memory_space<hbm>> -> memref<1x32x1024xf32, #tpu.memory_space<hbm>>
    %dma_wait3A_1464 = tpu.memref_squeeze %dma_wait3A_1463 : memref<1x32x1024xf32, #tpu.memory_space<hbm>> -> memref<32x1024xf32, #tpu.memory_space<hbm>>
    %dma_wait3A_1465 = tpu.memref_slice %arg6[%dma_wait3A_1457] : memref<3x!tpu.dma_semaphore, #tpu.memory_space<semaphore_mem>> -> memref<1x!tpu.dma_semaphore, #tpu.memory_space<semaphore_mem>>
    %dma_wait3A_1466 = tpu.memref_squeeze %dma_wait3A_1465 : memref<1x!tpu.dma_semaphore, #tpu.memory_space<semaphore_mem>> -> memref<!tpu.dma_semaphore, #tpu.memory_space<semaphore_mem>>
    %dma_wait3A_1467 = arith.constant 0 : i32
    %dma_wait3A_1468 = tpu.memref_slice %arg3[%dma_wait3A_1456, %add3A_1160, %dma_wait3A_1467] : memref<4x8192x1024xf32, #tpu.memory_space<hbm>> -> memref<1x32x1024xf32, #tpu.memory_space<hbm>>
    %dma_wait3A_1469 = tpu.memref_squeeze %dma_wait3A_1468 : memref<1x32x1024xf32, #tpu.memory_space<hbm>> -> memref<32x1024xf32, #tpu.memory_space<hbm>>
    %dma_wait3A_1470 = arith.constant 0 : i32
    %dma_wait3A_1471 = arith.constant 0 : i32
    %dma_wait3A_1472 = tpu.memref_slice %arg4[%dma_wait3A_1455, %dma_wait3A_1470, %dma_wait3A_1471] : memref<3x32x1024xf32, #tpu.memory_space<vmem>> -> memref<1x32x1024xf32, #tpu.memory_space<vmem>>
    %dma_wait3A_1473 = tpu.memref_squeeze %dma_wait3A_1472 : memref<1x32x1024xf32, #tpu.memory_space<vmem>> -> memref<32x1024xf32, #tpu.memory_space<vmem>>
    tpu.wait_dma2 semaphore(%dma_wait3A_1466 : memref<!tpu.dma_semaphore, #tpu.memory_space<semaphore_mem>>) src(%dma_wait3A_1473 : memref<32x1024xf32, #tpu.memory_space<vmem>>) dst(%dma_wait3A_1469 : memref<32x1024xf32, #tpu.memory_space<hbm>>)
    %dma_wait3A_1474 = arith.constant 0 : i32
    %dma_wait3A_1475 = arith.constant 3 : i32
    %dma_wait3A_1476 = arith.constant 0 : i32
    %dma_wait3A_1477 = arith.constant 0 : i32
    %dma_wait3A_1478 = arith.constant 0 : i32
    %dma_wait3A_1479 = tpu.memref_slice %arg4[%dma_wait3A_1474, %dma_wait3A_1477, %dma_wait3A_1478] : memref<3x32x1024xf32, #tpu.memory_space<vmem>> -> memref<1x32x1024xf32, #tpu.memory_space<vmem>>
    %dma_wait3A_1480 = tpu.memref_squeeze %dma_wait3A_1479 : memref<1x32x1024xf32, #tpu.memory_space<vmem>> -> memref<32x1024xf32, #tpu.memory_space<vmem>>
    %dma_wait3A_1481 = arith.constant 0 : i32
    %dma_wait3A_1482 = tpu.memref_slice %arg3[%dma_wait3A_1475, %add3A_1162, %dma_wait3A_1481] : memref<4x8192x1024xf32, #tpu.memory_space<hbm>> -> memref<1x32x1024xf32, #tpu.memory_space<hbm>>
    %dma_wait3A_1483 = tpu.memref_squeeze %dma_wait3A_1482 : memref<1x32x1024xf32, #tpu.memory_space<hbm>> -> memref<32x1024xf32, #tpu.memory_space<hbm>>
    %dma_wait3A_1484 = tpu.memref_slice %arg6[%dma_wait3A_1476] : memref<3x!tpu.dma_semaphore, #tpu.memory_space<semaphore_mem>> -> memref<1x!tpu.dma_semaphore, #tpu.memory_space<semaphore_mem>>
    %dma_wait3A_1485 = tpu.memref_squeeze %dma_wait3A_1484 : memref<1x!tpu.dma_semaphore, #tpu.memory_space<semaphore_mem>> -> memref<!tpu.dma_semaphore, #tpu.memory_space<semaphore_mem>>
    %dma_wait3A_1486 = arith.constant 0 : i32
    %dma_wait3A_1487 = tpu.memref_slice %arg3[%dma_wait3A_1475, %add3A_1162, %dma_wait3A_1486] : memref<4x8192x1024xf32, #tpu.memory_space<hbm>> -> memref<1x32x1024xf32, #tpu.memory_space<hbm>>
    %dma_wait3A_1488 = tpu.memref_squeeze %dma_wait3A_1487 : memref<1x32x1024xf32, #tpu.memory_space<hbm>> -> memref<32x1024xf32, #tpu.memory_space<hbm>>
    %dma_wait3A_1489 = arith.constant 0 : i32
    %dma_wait3A_1490 = arith.constant 0 : i32
    %dma_wait3A_1491 = tpu.memref_slice %arg4[%dma_wait3A_1474, %dma_wait3A_1489, %dma_wait3A_1490] : memref<3x32x1024xf32, #tpu.memory_space<vmem>> -> memref<1x32x1024xf32, #tpu.memory_space<vmem>>
    %dma_wait3A_1492 = tpu.memref_squeeze %dma_wait3A_1491 : memref<1x32x1024xf32, #tpu.memory_space<vmem>> -> memref<32x1024xf32, #tpu.memory_space<vmem>>
    tpu.wait_dma2 semaphore(%dma_wait3A_1485 : memref<!tpu.dma_semaphore, #tpu.memory_space<semaphore_mem>>) src(%dma_wait3A_1492 : memref<32x1024xf32, #tpu.memory_space<vmem>>) dst(%dma_wait3A_1488 : memref<32x1024xf32, #tpu.memory_space<hbm>>)
    %dma_wait3A_1493 = arith.constant 1 : i32
    %dma_wait3A_1494 = arith.constant 0 : i32
    %dma_wait3A_1495 = arith.constant 1 : i32
    %dma_wait3A_1496 = arith.constant 0 : i32
    %dma_wait3A_1497 = arith.constant 0 : i32
    %dma_wait3A_1498 = tpu.memref_slice %arg4[%dma_wait3A_1493, %dma_wait3A_1496, %dma_wait3A_1497] : memref<3x32x1024xf32, #tpu.memory_space<vmem>> -> memref<1x32x1024xf32, #tpu.memory_space<vmem>>
    %dma_wait3A_1499 = tpu.memref_squeeze %dma_wait3A_1498 : memref<1x32x1024xf32, #tpu.memory_space<vmem>> -> memref<32x1024xf32, #tpu.memory_space<vmem>>
    %dma_wait3A_1500 = arith.constant 0 : i32
    %dma_wait3A_1501 = tpu.memref_slice %arg3[%dma_wait3A_1494, %add3A_1258, %dma_wait3A_1500] : memref<4x8192x1024xf32, #tpu.memory_space<hbm>> -> memref<1x32x1024xf32, #tpu.memory_space<hbm>>
    %dma_wait3A_1502 = tpu.memref_squeeze %dma_wait3A_1501 : memref<1x32x1024xf32, #tpu.memory_space<hbm>> -> memref<32x1024xf32, #tpu.memory_space<hbm>>
    %dma_wait3A_1503 = tpu.memref_slice %arg6[%dma_wait3A_1495] : memref<3x!tpu.dma_semaphore, #tpu.memory_space<semaphore_mem>> -> memref<1x!tpu.dma_semaphore, #tpu.memory_space<semaphore_mem>>
    %dma_wait3A_1504 = tpu.memref_squeeze %dma_wait3A_1503 : memref<1x!tpu.dma_semaphore, #tpu.memory_space<semaphore_mem>> -> memref<!tpu.dma_semaphore, #tpu.memory_space<semaphore_mem>>
    %dma_wait3A_1505 = arith.constant 0 : i32
    %dma_wait3A_1506 = tpu.memref_slice %arg3[%dma_wait3A_1494, %add3A_1258, %dma_wait3A_1505] : memref<4x8192x1024xf32, #tpu.memory_space<hbm>> -> memref<1x32x1024xf32, #tpu.memory_space<hbm>>
    %dma_wait3A_1507 = tpu.memref_squeeze %dma_wait3A_1506 : memref<1x32x1024xf32, #tpu.memory_space<hbm>> -> memref<32x1024xf32, #tpu.memory_space<hbm>>
    %dma_wait3A_1508 = arith.constant 0 : i32
    %dma_wait3A_1509 = arith.constant 0 : i32
    %dma_wait3A_1510 = tpu.memref_slice %arg4[%dma_wait3A_1493, %dma_wait3A_1508, %dma_wait3A_1509] : memref<3x32x1024xf32, #tpu.memory_space<vmem>> -> memref<1x32x1024xf32, #tpu.memory_space<vmem>>
    %dma_wait3A_1511 = tpu.memref_squeeze %dma_wait3A_1510 : memref<1x32x1024xf32, #tpu.memory_space<vmem>> -> memref<32x1024xf32, #tpu.memory_space<vmem>>
    tpu.wait_dma2 semaphore(%dma_wait3A_1504 : memref<!tpu.dma_semaphore, #tpu.memory_space<semaphore_mem>>) src(%dma_wait3A_1511 : memref<32x1024xf32, #tpu.memory_space<vmem>>) dst(%dma_wait3A_1507 : memref<32x1024xf32, #tpu.memory_space<hbm>>)
    %dma_wait3A_1512 = arith.constant 1 : i32
    %dma_wait3A_1513 = arith.constant 1 : i32
    %dma_wait3A_1514 = arith.constant 1 : i32
    %dma_wait3A_1515 = arith.constant 0 : i32
    %dma_wait3A_1516 = arith.constant 0 : i32
    %dma_wait3A_1517 = tpu.memref_slice %arg4[%dma_wait3A_1512, %dma_wait3A_1515, %dma_wait3A_1516] : memref<3x32x1024xf32, #tpu.memory_space<vmem>> -> memref<1x32x1024xf32, #tpu.memory_space<vmem>>
    %dma_wait3A_1518 = tpu.memref_squeeze %dma_wait3A_1517 : memref<1x32x1024xf32, #tpu.memory_space<vmem>> -> memref<32x1024xf32, #tpu.memory_space<vmem>>
    %dma_wait3A_1519 = arith.constant 0 : i32
    %dma_wait3A_1520 = tpu.memref_slice %arg3[%dma_wait3A_1513, %add3A_1260, %dma_wait3A_1519] : memref<4x8192x1024xf32, #tpu.memory_space<hbm>> -> memref<1x32x1024xf32, #tpu.memory_space<hbm>>
    %dma_wait3A_1521 = tpu.memref_squeeze %dma_wait3A_1520 : memref<1x32x1024xf32, #tpu.memory_space<hbm>> -> memref<32x1024xf32, #tpu.memory_space<hbm>>
    %dma_wait3A_1522 = tpu.memref_slice %arg6[%dma_wait3A_1514] : memref<3x!tpu.dma_semaphore, #tpu.memory_space<semaphore_mem>> -> memref<1x!tpu.dma_semaphore, #tpu.memory_space<semaphore_mem>>
    %dma_wait3A_1523 = tpu.memref_squeeze %dma_wait3A_1522 : memref<1x!tpu.dma_semaphore, #tpu.memory_space<semaphore_mem>> -> memref<!tpu.dma_semaphore, #tpu.memory_space<semaphore_mem>>
    %dma_wait3A_1524 = arith.constant 0 : i32
    %dma_wait3A_1525 = tpu.memref_slice %arg3[%dma_wait3A_1513, %add3A_1260, %dma_wait3A_1524] : memref<4x8192x1024xf32, #tpu.memory_space<hbm>> -> memref<1x32x1024xf32, #tpu.memory_space<hbm>>
    %dma_wait3A_1526 = tpu.memref_squeeze %dma_wait3A_1525 : memref<1x32x1024xf32, #tpu.memory_space<hbm>> -> memref<32x1024xf32, #tpu.memory_space<hbm>>
    %dma_wait3A_1527 = arith.constant 0 : i32
    %dma_wait3A_1528 = arith.constant 0 : i32
    %dma_wait3A_1529 = tpu.memref_slice %arg4[%dma_wait3A_1512, %dma_wait3A_1527, %dma_wait3A_1528] : memref<3x32x1024xf32, #tpu.memory_space<vmem>> -> memref<1x32x1024xf32, #tpu.memory_space<vmem>>
    %dma_wait3A_1530 = tpu.memref_squeeze %dma_wait3A_1529 : memref<1x32x1024xf32, #tpu.memory_space<vmem>> -> memref<32x1024xf32, #tpu.memory_space<vmem>>
    tpu.wait_dma2 semaphore(%dma_wait3A_1523 : memref<!tpu.dma_semaphore, #tpu.memory_space<semaphore_mem>>) src(%dma_wait3A_1530 : memref<32x1024xf32, #tpu.memory_space<vmem>>) dst(%dma_wait3A_1526 : memref<32x1024xf32, #tpu.memory_space<hbm>>)
    %dma_wait3A_1531 = arith.constant 1 : i32
    %dma_wait3A_1532 = arith.constant 2 : i32
    %dma_wait3A_1533 = arith.constant 1 : i32
    %dma_wait3A_1534 = arith.constant 0 : i32
    %dma_wait3A_1535 = arith.constant 0 : i32
    %dma_wait3A_1536 = tpu.memref_slice %arg4[%dma_wait3A_1531, %dma_wait3A_1534, %dma_wait3A_1535] : memref<3x32x1024xf32, #tpu.memory_space<vmem>> -> memref<1x32x1024xf32, #tpu.memory_space<vmem>>
    %dma_wait3A_1537 = tpu.memref_squeeze %dma_wait3A_1536 : memref<1x32x1024xf32, #tpu.memory_space<vmem>> -> memref<32x1024xf32, #tpu.memory_space<vmem>>
    %dma_wait3A_1538 = arith.constant 0 : i32
    %dma_wait3A_1539 = tpu.memref_slice %arg3[%dma_wait3A_1532, %add3A_1262, %dma_wait3A_1538] : memref<4x8192x1024xf32, #tpu.memory_space<hbm>> -> memref<1x32x1024xf32, #tpu.memory_space<hbm>>
    %dma_wait3A_1540 = tpu.memref_squeeze %dma_wait3A_1539 : memref<1x32x1024xf32, #tpu.memory_space<hbm>> -> memref<32x1024xf32, #tpu.memory_space<hbm>>
    %dma_wait3A_1541 = tpu.memref_slice %arg6[%dma_wait3A_1533] : memref<3x!tpu.dma_semaphore, #tpu.memory_space<semaphore_mem>> -> memref<1x!tpu.dma_semaphore, #tpu.memory_space<semaphore_mem>>
    %dma_wait3A_1542 = tpu.memref_squeeze %dma_wait3A_1541 : memref<1x!tpu.dma_semaphore, #tpu.memory_space<semaphore_mem>> -> memref<!tpu.dma_semaphore, #tpu.memory_space<semaphore_mem>>
    %dma_wait3A_1543 = arith.constant 0 : i32
    %dma_wait3A_1544 = tpu.memref_slice %arg3[%dma_wait3A_1532, %add3A_1262, %dma_wait3A_1543] : memref<4x8192x1024xf32, #tpu.memory_space<hbm>> -> memref<1x32x1024xf32, #tpu.memory_space<hbm>>
    %dma_wait3A_1545 = tpu.memref_squeeze %dma_wait3A_1544 : memref<1x32x1024xf32, #tpu.memory_space<hbm>> -> memref<32x1024xf32, #tpu.memory_space<hbm>>
    %dma_wait3A_1546 = arith.constant 0 : i32
    %dma_wait3A_1547 = arith.constant 0 : i32
    %dma_wait3A_1548 = tpu.memref_slice %arg4[%dma_wait3A_1531, %dma_wait3A_1546, %dma_wait3A_1547] : memref<3x32x1024xf32, #tpu.memory_space<vmem>> -> memref<1x32x1024xf32, #tpu.memory_space<vmem>>
    %dma_wait3A_1549 = tpu.memref_squeeze %dma_wait3A_1548 : memref<1x32x1024xf32, #tpu.memory_space<vmem>> -> memref<32x1024xf32, #tpu.memory_space<vmem>>
    tpu.wait_dma2 semaphore(%dma_wait3A_1542 : memref<!tpu.dma_semaphore, #tpu.memory_space<semaphore_mem>>) src(%dma_wait3A_1549 : memref<32x1024xf32, #tpu.memory_space<vmem>>) dst(%dma_wait3A_1545 : memref<32x1024xf32, #tpu.memory_space<hbm>>)
    %dma_wait3A_1550 = arith.constant 1 : i32
    %dma_wait3A_1551 = arith.constant 3 : i32
    %dma_wait3A_1552 = arith.constant 1 : i32
    %dma_wait3A_1553 = arith.constant 0 : i32
    %dma_wait3A_1554 = arith.constant 0 : i32
    %dma_wait3A_1555 = tpu.memref_slice %arg4[%dma_wait3A_1550, %dma_wait3A_1553, %dma_wait3A_1554] : memref<3x32x1024xf32, #tpu.memory_space<vmem>> -> memref<1x32x1024xf32, #tpu.memory_space<vmem>>
    %dma_wait3A_1556 = tpu.memref_squeeze %dma_wait3A_1555 : memref<1x32x1024xf32, #tpu.memory_space<vmem>> -> memref<32x1024xf32, #tpu.memory_space<vmem>>
    %dma_wait3A_1557 = arith.constant 0 : i32
    %dma_wait3A_1558 = tpu.memref_slice %arg3[%dma_wait3A_1551, %add3A_1264, %dma_wait3A_1557] : memref<4x8192x1024xf32, #tpu.memory_space<hbm>> -> memref<1x32x1024xf32, #tpu.memory_space<hbm>>
    %dma_wait3A_1559 = tpu.memref_squeeze %dma_wait3A_1558 : memref<1x32x1024xf32, #tpu.memory_space<hbm>> -> memref<32x1024xf32, #tpu.memory_space<hbm>>
    %dma_wait3A_1560 = tpu.memref_slice %arg6[%dma_wait3A_1552] : memref<3x!tpu.dma_semaphore, #tpu.memory_space<semaphore_mem>> -> memref<1x!tpu.dma_semaphore, #tpu.memory_space<semaphore_mem>>
    %dma_wait3A_1561 = tpu.memref_squeeze %dma_wait3A_1560 : memref<1x!tpu.dma_semaphore, #tpu.memory_space<semaphore_mem>> -> memref<!tpu.dma_semaphore, #tpu.memory_space<semaphore_mem>>
    %dma_wait3A_1562 = arith.constant 0 : i32
    %dma_wait3A_1563 = tpu.memref_slice %arg3[%dma_wait3A_1551, %add3A_1264, %dma_wait3A_1562] : memref<4x8192x1024xf32, #tpu.memory_space<hbm>> -> memref<1x32x1024xf32, #tpu.memory_space<hbm>>
    %dma_wait3A_1564 = tpu.memref_squeeze %dma_wait3A_1563 : memref<1x32x1024xf32, #tpu.memory_space<hbm>> -> memref<32x1024xf32, #tpu.memory_space<hbm>>
    %dma_wait3A_1565 = arith.constant 0 : i32
    %dma_wait3A_1566 = arith.constant 0 : i32
    %dma_wait3A_1567 = tpu.memref_slice %arg4[%dma_wait3A_1550, %dma_wait3A_1565, %dma_wait3A_1566] : memref<3x32x1024xf32, #tpu.memory_space<vmem>> -> memref<1x32x1024xf32, #tpu.memory_space<vmem>>
    %dma_wait3A_1568 = tpu.memref_squeeze %dma_wait3A_1567 : memref<1x32x1024xf32, #tpu.memory_space<vmem>> -> memref<32x1024xf32, #tpu.memory_space<vmem>>
    tpu.wait_dma2 semaphore(%dma_wait3A_1561 : memref<!tpu.dma_semaphore, #tpu.memory_space<semaphore_mem>>) src(%dma_wait3A_1568 : memref<32x1024xf32, #tpu.memory_space<vmem>>) dst(%dma_wait3A_1564 : memref<32x1024xf32, #tpu.memory_space<hbm>>)
    return
  }
}

</mosaic_0001>

<sc_bundles>
// kernel: kernel.3.cloned.1.call-start
scs
__scs_entry_jumppad:
0x0: {  	(pc) =	sbr.rel $0x88, $3  }
0x1: {  	(tag) =	ssettag $0x0;
	lr =	simm.s32 $0x1  }
0x2: {  	[smem:$0x3FA0] =	sst lr;
	_ =	strace $0xD0000000  }
0x3: {  	_ = 	snop  }
0x4: {  	_ = 	snop  }
0x5: {  	_ = 	snop  }
0x6: {  	_ = 	snop  }
0x7: {  	_ = 	snop  }
__scs_overlays_trampoline_lowered:
0x8: {  	[smem:$0x3FAF] =	sst s0  }
0x9: {  	[smem:$0x3FB0] =	sst s1  }
0xa: {  	[smem:$0x3FB1] =	sst s2  }
0xb: {  	[smem:$0x3FB2] =	sst s3  }
0xc: {  	[smem:$0x3FB3] =	sst s4  }
0xd: {  	[smem:$0x3FB4] =	sst s5  }
0xe: {  	[smem:$0x3FB5] =	sst s6  }
0xf: {  	[smem:$0x3FB6] =	sst s7  }
0x10: {  	[smem:$0x3FB7] =	sst s8  }
0x11: {  	[smem:$0x3FB8] =	sst s9;
	s0 =	simm.s32 @!p0 $0x0  }
0x12: {  	s1 =	sld [smem:$0x3F9E];
	s0 =	simm.s32 @p0 $0x1  }
0x13: {  	[smem:$0x3FB9] =	sst s0;
	s0 =	simm.s32 @!p1 $0x0  }
0x14: {  	s2 =	sld [smem:$0x3F9D];
	s0 =	simm.s32 @p1 $0x1  }
0x15: {  	[smem:$0x3FBA] =	sst s0;
	s0 =	simm.s32 @!p2 $0x0  }
0x16: {  	s3 =	sld [smem:$0x3FDB];
	s0 =	simm.s32 @p2 $0x1  }
0x17: {  	s4 =	simm.s32 $0x1BF5;
	[smem:$0x3FBC] =	sst s0  }
0x18: {  	s0 =	sld [smem:$0x3F9F];
	_ =	swait.ge [sflag:s4], $0x0  }
0x19: {  	s7 =	sld [smem:$0x3FA0]  }
0x1a: {  	s8 =	sadd.s32 $0xFFFFE003, lr  }
0x1b: {  	s9 =	sadd.s32 $0xFFFFFEF7, lr;
	s5 =	simm.s32 $0xFFFFFFFF;
	p2 =	slt.u32 s8, $0xFFFFF086  }
0x1c: {  	p1 =	slt.u32 s9, $0xF7A;
	s5 =	simm.s32 @!p2 $0x0  }
0x1d: {  	s5 =	simm.s32 @p1 $0x1;
	p0 =	seq.s32 s7, s2  }
0x1e: {  	s7 =	smul.u32 @!p0 $0xF7A, s2;
	p2 =	seq.s32 @!p0 s5, $0x0  }
0x1f: {  	s9 =	smul.u32 $0xF7A, s1;
	s8 =	simm.s32 @!p0 $0x1BF5;
	p2 =	por !p2, p0  }
0x20: {  	[sflag:s8] =	ssyncset.s32 @!p0 $0xFFFFF086;
	s6 =	sadd.s32 @!p0 s3, s7;
	s7 =	simm.s32 @!p0 $0x108  }
0x21: {  	s3 =	sadd.s32 s3, s9;
	s6 =	sadd.s32 @!p0 $0x88, s6;
	s7 =	simm.s32 @p2 $0x1082  }
0x22: {  	[simem:s7], [sflag:s8] =	dma.local @!p0 [hbm:s6], $0xF7A  }
0x23: {  	s9 =	sor.u32 $0xD0000000, s2;
	s6 =	simm.s32 $0x108;
	_ =	swait.ge @!p0 [sflag:s8], $0x0  }
0x24: {  	s3 =	sadd.s32 $0x88, s3;
	s6 =	simm.s32 @!p1 $0x1082;
	[sflag:s4] =	ssyncset.s32 $0xFFFFF086  }
0x25: {  	[simem:s6], [sflag:s4] =	dma.local [hbm:s3], $0xF7A  }
0x26: {  	[smem:$0x3FA0] =	sst s1;
	(tag) =	ssettag s2;
	_ =	strace s9  }
0x27: {  	s1 =	sld [smem:$0x3FB0]  }
0x28: {  	s2 =	sld [smem:$0x3FB1]  }
0x29: {  	s4 =	sld [smem:$0x3FB3]  }
0x2a: {  	p0 =	seq.s32 s5, $0x0;
	s5 =	sld [smem:$0x3FB4]  }
0x2b: {  	s6 =	sld [smem:$0x3FB5]  }
0x2c: {  	s7 =	sld [smem:$0x3FB6]  }
0x2d: {  	s3 =	simm.s32 $0x108;
	s8 =	sld [smem:$0x3FB7]  }
0x2e: {  	s3 =	simm.s32 @!p0 $0x1082;
	s9 =	sld [smem:$0x3FB8]  }
0x2f: {  	lr =	sadd.s32 s0, s3;
	s0 =	sld [smem:$0x3FAF]  }
0x30: {  	s3 =	sld [smem:$0x3FB2]  }
0x31: {  	[smem:$0x3FBB] =	sst s10  }
0x32: {  	s10 =	sld [smem:$0x3FB9];
	_ =	sdelay $0x3  }
0x33: {  	p0 =	seq.s32 s10, $0x1;
	s10 =	sld [smem:$0x3FBB];
	_ =	sdelay $0x3  }
0x34: {  	[smem:$0x3FBB] =	sst s10  }
0x35: {  	s10 =	sld [smem:$0x3FBA];
	_ =	sdelay $0x3  }
0x36: {  	p1 =	seq.s32 s10, $0x1;
	s10 =	sld [smem:$0x3FBB];
	_ =	sdelay $0x3  }
0x37: {  	[smem:$0x3FBB] =	sst s10  }
0x38: {  	s10 =	sld [smem:$0x3FBC]  }
0x39: {  	_ = 	snop;
	(pc) =	sbr.ind lr, $3  }
0x3a: {  	_ = 	snop  }
0x3b: {  	_ = 	snop  }
0x3c: {  	p2 =	seq.s32 s10, $0x1;
	s10 =	sld [smem:$0x3FBB]  }
0x3d: {  	_ =	shalt  }
0x3e: {  	_ =	shalt  }
0x3f: {  	_ =	shalt  }
0x40: {  	_ =	shalt  }
0x41: {  	_ =	shalt  }
0x42: {  	_ =	shalt  }
0x43: {  	_ =	shalt  }
0x44: {  	_ =	shalt  }
0x45: {  	_ =	shalt  }
0x46: {  	_ =	shalt  }
0x47: {  	_ =	shalt  }
0x48: {  	_ =	shalt  }
0x49: {  	_ =	shalt  }
0x4a: {  	_ =	shalt  }
0x4b: {  	_ =	shalt  }
0x4c: {  	_ =	shalt  }
0x4d: {  	_ =	shalt  }
0x4e: {  	_ =	shalt  }
0x4f: {  	_ =	shalt  }
0x50: {  	_ =	shalt  }
0x51: {  	_ =	shalt  }
0x52: {  	_ =	shalt  }
0x53: {  	_ =	shalt  }
0x54: {  	_ =	shalt  }
0x55: {  	_ =	shalt  }
0x56: {  	_ =	shalt  }
0x57: {  	_ =	shalt  }
0x58: {  	_ =	shalt  }
0x59: {  	_ =	shalt  }
0x5a: {  	_ =	shalt  }
0x5b: {  	_ =	shalt  }
0x5c: {  	_ =	shalt  }
0x5d: {  	_ =	shalt  }
0x5e: {  	_ =	shalt  }
0x5f: {  	_ =	shalt  }
0x60: {  	_ =	shalt  }
0x61: {  	_ =	shalt  }
0x62: {  	_ =	shalt  }
0x63: {  	_ =	shalt  }
0x64: {  	_ =	shalt  }
0x65: {  	_ =	shalt  }
0x66: {  	_ =	shalt  }
0x67: {  	_ =	shalt  }
0x68: {  	_ =	shalt  }
0x69: {  	_ =	shalt  }
0x6a: {  	_ =	shalt  }
0x6b: {  	_ =	shalt  }
0x6c: {  	_ =	shalt  }
0x6d: {  	_ =	shalt  }
0x6e: {  	_ =	shalt  }
0x6f: {  	_ =	shalt  }
0x70: {  	_ =	shalt  }
0x71: {  	_ =	shalt  }
0x72: {  	_ =	shalt  }
0x73: {  	_ =	shalt  }
0x74: {  	_ =	shalt  }
0x75: {  	_ =	shalt  }
0x76: {  	_ =	shalt  }
0x77: {  	_ =	shalt  }
0x78: {  	_ =	shalt  }
0x79: {  	_ =	shalt  }
0x7a: {  	_ =	shalt  }
0x7b: {  	_ =	shalt  }
0x7c: {  	_ =	shalt  }
0x7d: {  	_ =	shalt  }
0x7e: {  	_ =	shalt  }
0x7f: {  	_ =	shalt  }
0x80: {  	_ =	shalt  }
0x81: {  	_ =	shalt  }
0x82: {  	_ =	shalt  }
0x83: {  	_ =	shalt  }
0x84: {  	_ =	shalt  }
0x85: {  	_ =	shalt  }
0x86: {  	_ =	shalt  }
0x87: {  	_ =	shalt  }
.Lfunc_end0:
.L_simem_size_0:
called_computation_lowered:
.L_overlay_start_0:
0x88: {  	s2 =	sld [smem:$0x3FD9]  }
0x89: {  	s3 =	sld [smem:$0x3FFE];
	_ =	sdelay $0x1  }
0x8a: {  	s1 =	srdreg.scid  }
0x8b: {  	s0 =	sand.u32 $0x1, s1  }
0x8c: {  	s18 =	sshll.u32 s0, $0xA;
	s2 =	sadd.s32 s3, s2  }
0x8d: {  	s2 =	sadd.s32 s2, s18  }
0x8e: {  	[smem:$0x3FC7] =	sst s2  }
0x8f: {  	_ = 	snop  }
0x90: {  	s2 =	sld [smem:$0x3FC9]  }
0x91: {  	s19 =	sld [smem:$0x3FD0];
	(tm) =	ssettm $0x1  }
0x92: {  	s4 =	sld [smem:$0x3FFB];
	_ =	sdelay $0x3  }
0x93: {  	_ =	strace s4  }
0x94: {  	s4 =	sld [smem:$0x3FFC];
	_ =	sdelay $0x3  }
0x95: {  	_ =	strace s4  }
0x96: {  	s4 =	sld [smem:$0x3FFD];
	_ =	sdelay $0x3  }
0x97: {  	_ =	strace s4  }
0x98: {  	_ =	strace $0x8FFFFFFF  }
0x99: {  	s20 =	sld [smem:$0x3FDB];
	_ =	sdelay $0x1  }
0x9a: {  	s5 =	simm.s32 $_scs_section_size  }
0x9b: {  	s6 =	simm.s32 $_size__tile_overlayer_lowered;
	s7 =	simm.s32 $_tile_overlayer_lowered  }
0x9c: {  	s23 =	simm.s32 $0x1BFF;
	s22 =	sshll.u32 s7, $0x1;
	s4 =	sadd.s32 s5, s20  }
0x9d: {  	s8 =	simm.s32 $0x0;
	s21 =	sshll.u32 s6, $0x1;
	s6 =	sadd.s32 s22, s4  }
0x9e: {  	[timem:s8], [sflag:s23] =	dma.local [hbm:s6], s21  }
0x9f: {  	_ =	swait.ge [sflag:s23], s21  }
0xa0: {  	s5 =	ssub.s32 $0x0, s21;
	[sflag:s23] =	ssyncset.done $0x0  }
0xa1: {  	[sflag:s23] =	ssyncadd.s32 s5;
	_ =	sdelay $0x1  }
0xa2: {  	s24 =	simm.s32 $0x1B8B  }
0xa3: {  	_ =	swait.ge [sflag:s24], $0x1  }
0xa4: {  	[sflag:s24] =	ssyncset.done $0x0  }
0xa5: {  	s25 =	simm.s32 $0x1B8E;
	[sflag:s24] =	ssyncadd.s32 $0xFFFFFFFF  }
0xa6: {  	s26 =	simm.s32 $execute0_lowered;
	[smem:$0x3FD2] =	sst s25  }
0xa7: {  	s5 =	sshll.u32 s26, $0x1;
	_ =	strace $0x80000046;
	[dreg:$0x1] =	wrdreg $0xFFFFFFFF  }
0xa8: {  	s28 =	simm.s32 $_size_execute0_lowered;
	s4 =	sadd.s32 s4, s5;
	[dreg:$0x0] =	wrdreg $0x0  }
0xa9: {  	s5 =	sshll.u32 s28, $0x1;
	[dreg:$0x2] =	wrdreg s4  }
0xaa: {  	[dreg:$0x3] =	wrdreg s5  }
0xab: {  	[dreg:$0x4] =	wrdreg $0xC0  }
0xac: {  	_ =	task [dreg:s8], $0x5FFFF  }
0xad: {  	[dreg:$0x1] =	wrdreg $0xFFFFFFFF  }
0xae: {  	[dreg:$0x0] =	wrdreg $0x60  }
0xaf: {  	[dreg:$0x2] =	wrdreg s2  }
0xb0: {  	[dreg:$0x3] =	wrdreg s19  }
0xb1: {  	[dreg:$0x4] =	wrdreg $0x9  }
0xb2: {  	_ =	task.clear_ibuf [dreg:s8], $0x5FFFF;
	_ =	strace $0x90000046  }
0xb3: {  	s29 =	simm.s32 $0x9;
	_ =	strace $0x80000048  }
0xb4: {  	_ =	swait.ge [sflag:s29], $0x1  }
0xb5: {  	[sflag:s29] =	ssyncadd.s32 $0xFFFFFFFF  }
0xb6: {  	_ =	strace $0x90000048  }
0xb7: {  	_ =	sfence  }
0xb8: {  	s30 =	sld [smem:$0x0];
	_ =	sdelay $0x2  }
0xb9: {  	s31 =	sshll.u32 s1, $0xD;
	s1 =	sshrl.u32 s1, $0x2  }
0xba: {  	s3 =	sand.u32 $0x4000, s31;
	s1 =	sadd.s32 s1, s30  }
0xbb: {  	s0 =	sor.u32 s3, s0;
	s1 =	sshll.u32 s1, $0x11  }
0xbc: {  	s0 =	sor.u32 s1, s0  }
0xbd: {  	s0 =	sadd.s32 $0x8F2B, s0  }
0xbe: {  	[sflag:s0] =	ssyncadd.remote.s32 $0x1  }
0xbf: {  	_ =	sfence.sel $0xFFFF  }
0xc0: {  	[dreg:$0x0] =	wrdreg $0xFFFFFFFF;
	(pc) =	sbr.abs _section_cstart, $3  }
0xc1: {  	[dreg:$0x1] =	wrdreg $0xFFFFFFFF  }
0xc2: {  	_ =	task.clear_ibuf [dreg:s8], $0x2FFFF;
	_ =	strace $0x9FFFFFFF  }
0xc3: {  	(tm) =	ssettm $0x7FFFFFFF  }
tec
execute0_lowered:
.L_overlay_start_1:
0x0: {  	(tag) =	ssettag $0x1  }
0x1: {  	s3 =	rddreg [dreg:$0x0];
	s1 =	srdreg.scid  }
0x2: {  	s0 =	rddreg [dreg:$0x1];
	s4 =	stileid.u32;
	s1 =	sand.u32 $0x1, s1  }
0x3: {  	s2 =	simm.s32 $0x0;
	s4 =	sshll.u32 s4, $0x10;
	s5 =	sshll.u32 s1, $0xF  }
0x4: {  	[smem:$0x7FF] =	sst s2;
	s4 =	sor.u32 s5, s4  }
0x5: {  	_ =	strace $0x80000047;
	s5 =	sadd.s32 s3, s4;
	s6 =	sor.u32 $0x1000, s4  }
0x6: {  	s31 =	sadd.s32 s0, s4;
	[dreg:$0x3] =	wrdreg s5;
	s11 =	sadd.s32 s3, s6  }
0x7: {  	s12 =	sadd.s32 $0x100000, s31;
	[dreg:$0x4] =	wrdreg s11  }
0x8: {  	s13 =	sadd.s32 $0x200000, s31;
	[dreg:$0x5] =	wrdreg s12  }
0x9: {  	s7 =	sor.u32 $0x2000, s4;
	s14 =	sadd.s32 $0x300000, s31;
	[dreg:$0x6] =	wrdreg s13  }
0xa: {  	s15 =	sadd.s32 s3, s7;
	[dreg:$0x7] =	wrdreg s14  }
0xb: {  	s16 =	sadd.s32 s0, s6;
	[dreg:$0x8] =	wrdreg s15  }
0xc: {  	s17 =	sadd.s32 $0x101000, s31;
	[dreg:$0x9] =	wrdreg s16  }
0xd: {  	p0 =	por $0x0, $0x0;
	s18 =	sadd.s32 $0x201000, s31;
	[dreg:$0xa] =	wrdreg s17  }
0xe: {  	s20 =	sor.u32 $0x3000, s4;
	s19 =	sadd.s32 $0x301000, s31;
	[dreg:$0xb] =	wrdreg s18  }
0xf: {  	s29 =	simm.s32 $0x10000;
	s21 =	sadd.s32 s3, s20;
	[dreg:$0xc] =	wrdreg s19  }
0x10: {  	s30 =	simm.s32 $0x3;
	s22 =	sadd.s32 s0, s7;
	[dreg:$0xd] =	wrdreg s21  }
0x11: {  	s1 =	ssub.s32 $0x2, s1;
	s23 =	sadd.s32 $0x102000, s31;
	[dreg:$0xe] =	wrdreg s22  }
0x12: {  	s26 =	sor.u32 $0x4000, s4;
	s24 =	sadd.s32 $0x202000, s31;
	[dreg:$0xf] =	wrdreg s23  }
0x13: {  	s25 =	sadd.s32 $0x302000, s31;
	s8 =	sadd.s32 s3, s26;
	[dreg:$0x10] =	wrdreg s24  }
0x14: {  	s9 =	sadd.s32 s0, s20;
	s10 =	sadd.s32 $0x103000, s31;
	[dreg:$0x11] =	wrdreg s25  }
0x15: {  	s20 =	sadd.s32 $0x205000, s31;
	s6 =	sadd.s32 $0x107000, s31;
	[dreg:$0x12] =	wrdreg s8  }
0x16: {  	s7 =	sadd.s32 $0x207000, s31;
	[dreg:$0x13] =	wrdreg s9;
	s11 =	sshrl.u32 s1, $0x1  }
0x17: {  	[dreg:$0x14] =	wrdreg s10;
	s12 =	sadd.s32 $0x203000, s31;
	s13 =	sadd.s32 $0x303000, s31  }
0x18: {  	s8 =	sor.u32 $0x5000, s4;
	s23 =	sadd.s32 s0, s26;
	s24 =	sadd.s32 $0x104000, s31  }
0x19: {  	s14 =	sor.u32 $0x6000, s4;
	s25 =	sadd.s32 $0x204000, s31;
	s26 =	sadd.s32 $0x304000, s31  }
0x1a: {  	s19 =	sadd.s32 $0x105000, s31;
	s4 =	sor.u32 $0x7000, s4;
	s21 =	sadd.s32 $0x305000, s31  }
0x1b: {  	s10 =	simm.s32 $0x8000;
	s17 =	simm.s32 $0x1;
	s1 =	ssub.s32 s1, s11  }
0x1c: {  	s9 =	simm.s32 $0x6;
	[dreg:$0x15] =	wrdreg s12;
	s16 =	smax.u32 s1, $0x1  }
0x1d: {  	[dreg:$0x16] =	wrdreg s13;
	s28 =	sadd.s32 s3, s8;
	p1 =	sne.s32 s16, $0x1  }
.Ltmp0:
0x1e: {  	s22 =	sadd.s32 s3, s14;
	s18 =	sadd.s32 s0, s8;
	(pc) =	sbr.rel @!p1 .LBB2_5-.Ltmp0, $4  }
0x1f: {  	s15 =	sadd.s32 s3, s4;
	s11 =	sadd.s32 s0, s14;
	s12 =	sadd.s32 $0x106000, s31  }
0x20: {  	s13 =	sadd.s32 $0x206000, s31;
	s14 =	sadd.s32 $0x306000, s31;
	s5 =	sadd.s32 s0, s4  }
0x21: {  	s8 =	sadd.s32 $0x307000, s31;
	s4 =	simm.s32 $0x4;
	s3 =	simm.s32 $0x5  }
0x22: {  	s1 =	rddreg [dreg:$0x3];
	s0 =	sadd.s32 $0xFFFFFFFF, s16;
	s16 =	simm.s32 $0x2  }
0x23: {  	[dreg:$0x18] =	wrdreg s0  }
0x24: {  	[tilespmem:s2], [sflag:$0x1] =	stream.linear.gather [hbm4b:s1+s2], $0x8000, $0x38;
	[tilespmem:$0x18000] =	vst v63  }
0x25: {  	s0 =	rddreg [dreg:$0x4]  }
0x26: {  	[tilespmem:s10], [sflag:$0x2] =	stream.linear.gather [hbm4b:s0+s2], $0x8000, $0x38;
	[tilespmem:$0x18000] =	vst v63  }
0x27: {  	_ =	swait.ge [sflag:s17], $0x8000  }
0x28: {  	[sflag:s17] =	ssyncset.done $0x0  }
0x29: {  	[sflag:s17] =	ssyncadd.s32 $0xFFFF8000  }
0x2a: {  	[hbm4b:s31+s2] =	stream.linear.scatter [tilespmem:s2], [sflag:$0x4], $0x8000, $0x38;
	[tilespmem:$0x18000] =	vst v63  }
0x2b: {  	s0 =	rddreg [dreg:$0x5]  }
0x2c: {  	[hbm4b:s0+s2] =	stream.linear.scatter [tilespmem:s2], [sflag:$0x4], $0x8000, $0x38;
	[tilespmem:$0x18000] =	vst v63  }
0x2d: {  	s1 =	rddreg [dreg:$0x6]  }
0x2e: {  	[hbm4b:s1+s2] =	stream.linear.scatter [tilespmem:s2], [sflag:$0x4], $0x8000, $0x38;
	[tilespmem:$0x18000] =	vst v63  }
0x2f: {  	s0 =	rddreg [dreg:$0x7]  }
0x30: {  	[hbm4b:s0+s2] =	stream.linear.scatter [tilespmem:s2], [sflag:$0x4], $0x8000, $0x38;
	[tilespmem:$0x18000] =	vst v63  }
0x31: {  	s1 =	rddreg [dreg:$0x8]  }
0x32: {  	[tilespmem:s29], [sflag:$0x3] =	stream.linear.gather [hbm4b:s1+s2], $0x8000, $0x38;
	[tilespmem:$0x18000] =	vst v63  }
0x33: {  	_ =	swait.ge [sflag:s16], $0x8000  }
0x34: {  	[sflag:s16] =	ssyncset.done $0x0  }
0x35: {  	s0 =	rddreg [dreg:$0x9];
	[sflag:s16] =	ssyncadd.s32 $0xFFFF8000  }
0x36: {  	[hbm4b:s0+s2] =	stream.linear.scatter [tilespmem:s10], [sflag:$0x5], $0x8000, $0x38;
	[tilespmem:$0x18000] =	vst v63  }
0x37: {  	s1 =	rddreg [dreg:$0xa]  }
0x38: {  	[hbm4b:s1+s2] =	stream.linear.scatter [tilespmem:s10], [sflag:$0x5], $0x8000, $0x38;
	[tilespmem:$0x18000] =	vst v63  }
0x39: {  	s0 =	rddreg [dreg:$0xb]  }
0x3a: {  	[hbm4b:s0+s2] =	stream.linear.scatter [tilespmem:s10], [sflag:$0x5], $0x8000, $0x38;
	[tilespmem:$0x18000] =	vst v63  }
0x3b: {  	s1 =	rddreg [dreg:$0xc]  }
0x3c: {  	[hbm4b:s1+s2] =	stream.linear.scatter [tilespmem:s10], [sflag:$0x5], $0x8000, $0x38;
	[tilespmem:$0x18000] =	vst v63  }
0x3d: {  	_ =	swait.ge [sflag:s4], $0x8000  }
0x3e: {  	[sflag:s4] =	ssyncset.done $0x0  }
0x3f: {  	[sflag:s4] =	ssyncadd.s32 $0xFFFF8000  }
0x40: {  	_ =	swait.ge [sflag:s4], $0x8000  }
0x41: {  	[sflag:s4] =	ssyncset.done $0x0  }
0x42: {  	[sflag:s4] =	ssyncadd.s32 $0xFFFF8000  }
0x43: {  	_ =	swait.ge [sflag:s4], $0x8000  }
0x44: {  	[sflag:s4] =	ssyncset.done $0x0  }
0x45: {  	[sflag:s4] =	ssyncadd.s32 $0xFFFF8000  }
0x46: {  	_ =	swait.ge [sflag:s4], $0x8000  }
0x47: {  	[sflag:s4] =	ssyncset.done $0x0  }
0x48: {  	s1 =	rddreg [dreg:$0xd];
	[sflag:s4] =	ssyncadd.s32 $0xFFFF8000  }
0x49: {  	[tilespmem:s2], [sflag:$0x1] =	stream.linear.gather [hbm4b:s1+s2], $0x8000, $0x38;
	[tilespmem:$0x18000] =	vst v63  }
0x4a: {  	_ =	swait.ge [sflag:s30], $0x8000  }
0x4b: {  	[sflag:s30] =	ssyncset.done $0x0  }
0x4c: {  	s0 =	rddreg [dreg:$0xe];
	[sflag:s30] =	ssyncadd.s32 $0xFFFF8000  }
0x4d: {  	[hbm4b:s0+s2] =	stream.linear.scatter [tilespmem:s29], [sflag:$0x6], $0x8000, $0x38;
	[tilespmem:$0x18000] =	vst v63  }
0x4e: {  	s1 =	rddreg [dreg:$0xf]  }
0x4f: {  	[hbm4b:s1+s2] =	stream.linear.scatter [tilespmem:s29], [sflag:$0x6], $0x8000, $0x38;
	[tilespmem:$0x18000] =	vst v63  }
0x50: {  	s0 =	rddreg [dreg:$0x10]  }
0x51: {  	[hbm4b:s0+s2] =	stream.linear.scatter [tilespmem:s29], [sflag:$0x6], $0x8000, $0x38;
	[tilespmem:$0x18000] =	vst v63  }
0x52: {  	s1 =	rddreg [dreg:$0x11]  }
0x53: {  	[hbm4b:s1+s2] =	stream.linear.scatter [tilespmem:s29], [sflag:$0x6], $0x8000, $0x38;
	[tilespmem:$0x18000] =	vst v63  }
0x54: {  	_ =	swait.ge [sflag:s3], $0x8000  }
0x55: {  	[sflag:s3] =	ssyncset.done $0x0  }
0x56: {  	[sflag:s3] =	ssyncadd.s32 $0xFFFF8000  }
0x57: {  	_ =	swait.ge [sflag:s3], $0x8000  }
0x58: {  	[sflag:s3] =	ssyncset.done $0x0  }
0x59: {  	[sflag:s3] =	ssyncadd.s32 $0xFFFF8000  }
0x5a: {  	_ =	swait.ge [sflag:s3], $0x8000  }
0x5b: {  	[sflag:s3] =	ssyncset.done $0x0  }
0x5c: {  	[sflag:s3] =	ssyncadd.s32 $0xFFFF8000  }
0x5d: {  	_ =	swait.ge [sflag:s3], $0x8000  }
0x5e: {  	[sflag:s3] =	ssyncset.done $0x0  }
0x5f: {  	s1 =	rddreg [dreg:$0x12];
	[sflag:s3] =	ssyncadd.s32 $0xFFFF8000  }
0x60: {  	[tilespmem:s10], [sflag:$0x2] =	stream.linear.gather [hbm4b:s1+s2], $0x8000, $0x38;
	[tilespmem:$0x18000] =	vst v63  }
0x61: {  	_ =	swait.ge [sflag:s17], $0x8000  }
0x62: {  	[sflag:s17] =	ssyncset.done $0x0  }
0x63: {  	s0 =	rddreg [dreg:$0x13];
	[sflag:s17] =	ssyncadd.s32 $0xFFFF8000  }
0x64: {  	[hbm4b:s0+s2] =	stream.linear.scatter [tilespmem:s2], [sflag:$0x4], $0x8000, $0x38;
	[tilespmem:$0x18000] =	vst v63  }
0x65: {  	s1 =	rddreg [dreg:$0x14]  }
0x66: {  	[hbm4b:s1+s2] =	stream.linear.scatter [tilespmem:s2], [sflag:$0x4], $0x8000, $0x38;
	[tilespmem:$0x18000] =	vst v63  }
0x67: {  	s0 =	rddreg [dreg:$0x15]  }
0x68: {  	[hbm4b:s0+s2] =	stream.linear.scatter [tilespmem:s2], [sflag:$0x4], $0x8000, $0x38;
	[tilespmem:$0x18000] =	vst v63  }
0x69: {  	s1 =	rddreg [dreg:$0x16]  }
0x6a: {  	[hbm4b:s1+s2] =	stream.linear.scatter [tilespmem:s2], [sflag:$0x4], $0x8000, $0x38;
	[tilespmem:$0x18000] =	vst v63  }
0x6b: {  	_ =	swait.ge [sflag:s9], $0x8000  }
0x6c: {  	[sflag:s9] =	ssyncset.done $0x0  }
0x6d: {  	[sflag:s9] =	ssyncadd.s32 $0xFFFF8000  }
0x6e: {  	_ =	swait.ge [sflag:s9], $0x8000  }
0x6f: {  	[sflag:s9] =	ssyncset.done $0x0  }
0x70: {  	[sflag:s9] =	ssyncadd.s32 $0xFFFF8000  }
0x71: {  	_ =	swait.ge [sflag:s9], $0x8000  }
0x72: {  	[sflag:s9] =	ssyncset.done $0x0  }
0x73: {  	[sflag:s9] =	ssyncadd.s32 $0xFFFF8000  }
0x74: {  	_ =	swait.ge [sflag:s9], $0x8000  }
0x75: {  	[sflag:s9] =	ssyncset.done $0x0  }
0x76: {  	[sflag:s9] =	ssyncadd.s32 $0xFFFF8000  }
0x77: {  	[tilespmem:s29], [sflag:$0x3] =	stream.linear.gather [hbm4b:s28+s2], $0x8000, $0x38;
	[tilespmem:$0x18000] =	vst v63  }
0x78: {  	_ =	swait.ge [sflag:s16], $0x8000  }
0x79: {  	[sflag:s16] =	ssyncset.done $0x0  }
0x7a: {  	[sflag:s16] =	ssyncadd.s32 $0xFFFF8000  }
0x7b: {  	[hbm4b:s23+s2] =	stream.linear.scatter [tilespmem:s10], [sflag:$0x5], $0x8000, $0x38;
	[tilespmem:$0x18000] =	vst v63  }
0x7c: {  	_ = 	snop  }
0x7d: {  	[hbm4b:s24+s2] =	stream.linear.scatter [tilespmem:s10], [sflag:$0x5], $0x8000, $0x38;
	[tilespmem:$0x18000] =	vst v63  }
0x7e: {  	_ = 	snop  }
0x7f: {  	[hbm4b:s25+s2] =	stream.linear.scatter [tilespmem:s10], [sflag:$0x5], $0x8000, $0x38;
	[tilespmem:$0x18000] =	vst v63  }
0x80: {  	_ = 	snop  }
0x81: {  	[hbm4b:s26+s2] =	stream.linear.scatter [tilespmem:s10], [sflag:$0x5], $0x8000, $0x38;
	[tilespmem:$0x18000] =	vst v63  }
0x82: {  	_ =	swait.ge [sflag:s4], $0x8000  }
0x83: {  	[sflag:s4] =	ssyncset.done $0x0  }
0x84: {  	[sflag:s4] =	ssyncadd.s32 $0xFFFF8000  }
0x85: {  	_ =	swait.ge [sflag:s4], $0x8000  }
0x86: {  	[sflag:s4] =	ssyncset.done $0x0  }
0x87: {  	[sflag:s4] =	ssyncadd.s32 $0xFFFF8000  }
0x88: {  	_ =	swait.ge [sflag:s4], $0x8000  }
0x89: {  	[sflag:s4] =	ssyncset.done $0x0  }
0x8a: {  	[sflag:s4] =	ssyncadd.s32 $0xFFFF8000  }
0x8b: {  	_ =	swait.ge [sflag:s4], $0x8000  }
0x8c: {  	[sflag:s4] =	ssyncset.done $0x0  }
0x8d: {  	[sflag:s4] =	ssyncadd.s32 $0xFFFF8000  }
0x8e: {  	[tilespmem:s2], [sflag:$0x1] =	stream.linear.gather [hbm4b:s22+s2], $0x8000, $0x38;
	[tilespmem:$0x18000] =	vst v63  }
0x8f: {  	_ =	swait.ge [sflag:s30], $0x8000  }
0x90: {  	[sflag:s30] =	ssyncset.done $0x0  }
0x91: {  	[sflag:s30] =	ssyncadd.s32 $0xFFFF8000  }
0x92: {  	[hbm4b:s18+s2] =	stream.linear.scatter [tilespmem:s29], [sflag:$0x6], $0x8000, $0x38;
	[tilespmem:$0x18000] =	vst v63  }
0x93: {  	_ = 	snop  }
0x94: {  	[hbm4b:s19+s2] =	stream.linear.scatter [tilespmem:s29], [sflag:$0x6], $0x8000, $0x38;
	[tilespmem:$0x18000] =	vst v63  }
0x95: {  	_ = 	snop  }
0x96: {  	[hbm4b:s20+s2] =	stream.linear.scatter [tilespmem:s29], [sflag:$0x6], $0x8000, $0x38;
	[tilespmem:$0x18000] =	vst v63  }
0x97: {  	_ = 	snop  }
0x98: {  	[hbm4b:s21+s2] =	stream.linear.scatter [tilespmem:s29], [sflag:$0x6], $0x8000, $0x38;
	[tilespmem:$0x18000] =	vst v63  }
0x99: {  	_ =	swait.ge [sflag:s3], $0x8000  }
0x9a: {  	[sflag:s3] =	ssyncset.done $0x0  }
0x9b: {  	[sflag:s3] =	ssyncadd.s32 $0xFFFF8000  }
0x9c: {  	_ =	swait.ge [sflag:s3], $0x8000  }
0x9d: {  	[sflag:s3] =	ssyncset.done $0x0  }
0x9e: {  	[sflag:s3] =	ssyncadd.s32 $0xFFFF8000  }
0x9f: {  	_ =	swait.ge [sflag:s3], $0x8000  }
0xa0: {  	[sflag:s3] =	ssyncset.done $0x0  }
0xa1: {  	[sflag:s3] =	ssyncadd.s32 $0xFFFF8000  }
0xa2: {  	_ =	swait.ge [sflag:s3], $0x8000  }
0xa3: {  	[sflag:s3] =	ssyncset.done $0x0  }
0xa4: {  	[sflag:s3] =	ssyncadd.s32 $0xFFFF8000  }
0xa5: {  	[tilespmem:s10], [sflag:$0x2] =	stream.linear.gather [hbm4b:s15+s2], $0x8000, $0x38;
	[tilespmem:$0x18000] =	vst v63  }
0xa6: {  	_ =	swait.ge [sflag:s17], $0x8000  }
0xa7: {  	[sflag:s17] =	ssyncset.done $0x0  }
0xa8: {  	[sflag:s17] =	ssyncadd.s32 $0xFFFF8000  }
0xa9: {  	[hbm4b:s11+s2] =	stream.linear.scatter [tilespmem:s2], [sflag:$0x4], $0x8000, $0x38;
	[tilespmem:$0x18000] =	vst v63  }
0xaa: {  	_ = 	snop  }
0xab: {  	[hbm4b:s12+s2] =	stream.linear.scatter [tilespmem:s2], [sflag:$0x4], $0x8000, $0x38;
	[tilespmem:$0x18000] =	vst v63  }
0xac: {  	_ = 	snop  }
0xad: {  	[hbm4b:s13+s2] =	stream.linear.scatter [tilespmem:s2], [sflag:$0x4], $0x8000, $0x38;
	[tilespmem:$0x18000] =	vst v63  }
0xae: {  	_ = 	snop  }
0xaf: {  	[hbm4b:s14+s2] =	stream.linear.scatter [tilespmem:s2], [sflag:$0x4], $0x8000, $0x38;
	[tilespmem:$0x18000] =	vst v63  }
0xb0: {  	_ =	swait.ge [sflag:s16], $0x8000  }
0xb1: {  	[sflag:s16] =	ssyncset.done $0x0  }
0xb2: {  	[sflag:s16] =	ssyncadd.s32 $0xFFFF8000  }
0xb3: {  	[hbm4b:s5+s2] =	stream.linear.scatter [tilespmem:s10], [sflag:$0x5], $0x8000, $0x38;
	[tilespmem:$0x18000] =	vst v63  }
0xb4: {  	_ = 	snop  }
0xb5: {  	[hbm4b:s6+s2] =	stream.linear.scatter [tilespmem:s10], [sflag:$0x5], $0x8000, $0x38;
	[tilespmem:$0x18000] =	vst v63  }
0xb6: {  	_ = 	snop  }
0xb7: {  	[hbm4b:s7+s2] =	stream.linear.scatter [tilespmem:s10], [sflag:$0x5], $0x8000, $0x38;
	[tilespmem:$0x18000] =	vst v63  }
0xb8: {  	_ = 	snop  }
0xb9: {  	[hbm4b:s8+s2] =	stream.linear.scatter [tilespmem:s10], [sflag:$0x5], $0x8000, $0x38;
	[tilespmem:$0x18000] =	vst v63  }
0xba: {  	_ =	swait.ge [sflag:s9], $0x8000  }
0xbb: {  	[sflag:s9] =	ssyncset.done $0x0  }
0xbc: {  	[sflag:s9] =	ssyncadd.s32 $0xFFFF8000  }
0xbd: {  	_ =	swait.ge [sflag:s9], $0x8000  }
0xbe: {  	[sflag:s9] =	ssyncset.done $0x0  }
0xbf: {  	[sflag:s9] =	ssyncadd.s32 $0xFFFF8000  }
0xc0: {  	_ =	swait.ge [sflag:s9], $0x8000  }
0xc1: {  	[sflag:s9] =	ssyncset.done $0x0  }
0xc2: {  	[sflag:s9] =	ssyncadd.s32 $0xFFFF8000  }
0xc3: {  	_ =	swait.ge [sflag:s9], $0x8000  }
0xc4: {  	[sflag:s9] =	ssyncset.done $0x0  }
0xc5: {  	[sflag:s9] =	ssyncadd.s32 $0xFFFF8000  }
0xc6: {  	_ =	swait.ge [sflag:s4], $0x8000  }
0xc7: {  	[sflag:s4] =	ssyncset.done $0x0  }
0xc8: {  	[sflag:s4] =	ssyncadd.s32 $0xFFFF8000  }
0xc9: {  	_ =	swait.ge [sflag:s4], $0x8000  }
0xca: {  	[sflag:s4] =	ssyncset.done $0x0  }
0xcb: {  	[sflag:s4] =	ssyncadd.s32 $0xFFFF8000  }
0xcc: {  	_ =	swait.ge [sflag:s4], $0x8000  }
0xcd: {  	[sflag:s4] =	ssyncset.done $0x0  }
0xce: {  	[sflag:s4] =	ssyncadd.s32 $0xFFFF8000  }
0xcf: {  	_ =	swait.ge [sflag:s4], $0x8000  }
0xd0: {  	[sflag:s4] =	ssyncset.done $0x0  }
0xd1: {  	[sflag:s4] =	ssyncadd.s32 $0xFFFF8000  }
0xd2: {  	_ =	swait.ge [sflag:s3], $0x8000  }
0xd3: {  	[sflag:s3] =	ssyncset.done $0x0  }
0xd4: {  	[sflag:s3] =	ssyncadd.s32 $0xFFFF8000  }
0xd5: {  	_ =	swait.ge [sflag:s3], $0x8000  }
0xd6: {  	[sflag:s3] =	ssyncset.done $0x0  }
0xd7: {  	[sflag:s3] =	ssyncadd.s32 $0xFFFF8000  }
0xd8: {  	_ =	swait.ge [sflag:s3], $0x8000  }
0xd9: {  	s1 =	rddreg [dreg:$0x18]  }
0xda: {  	p1 =	sne.s32 s1, $0x1  }
.Ltmp1:
0xdb: {  	_ = 	snop;
	(pc) =	sbr.rel @!p1 .LBB2_2-.Ltmp1, $4  }
0xdc: {  	[sflag:s3] =	ssyncset.done $0x0  }
0xdd: {  	[sflag:s3] =	ssyncadd.s32 $0xFFFF8000  }
0xde: {  	p0 =	por $0x1, $0x1;
	_ =	swait.ge [sflag:s3], $0x8000;
	[dreg:$0x17] =	wrdreg s31  }
0xdf: {  	s0 =	sadd.s32 $0xFFFFFFFF, s1;
	s1 =	rddreg [dreg:$0x3];
	[sflag:s3] =	ssyncset.done $0x0  }
.LBB2_3:
0xe0: {  	[sflag:s3] =	ssyncadd.s32 $0xFFFF8000;
	s31 =	smov.u32 s28;
	s28 =	smov.u32 s26  }
0xe1: {  	s26 =	smov.u32 s25;
	s25 =	smov.u32 s24;
	s24 =	smov.u32 s23  }
0xe2: {  	s23 =	smov.u32 s22;
	s22 =	smov.u32 s21;
	s21 =	smov.u32 s20  }
0xe3: {  	s20 =	smov.u32 s19;
	s19 =	smov.u32 s18;
	s18 =	smov.u32 s15  }
0xe4: {  	s15 =	smov.u32 s14;
	s14 =	smov.u32 s13;
	s13 =	smov.u32 s12  }
0xe5: {  	s12 =	smov.u32 s11;
	s11 =	smov.u32 s8;
	s8 =	smov.u32 s7  }
0xe6: {  	[tilespmem:s2], [sflag:$0x1] =	stream.linear.gather [hbm4b:s1+s2], $0x8000, $0x38;
	[tilespmem:$0x18000] =	vst v63  }
0xe7: {  	s7 =	smov.u32 s6;
	s6 =	smov.u32 s5;
	s5 =	rddreg [dreg:$0x4]  }
0xe8: {  	[tilespmem:s10], [sflag:$0x2] =	stream.linear.gather [hbm4b:s5+s2], $0x8000, $0x38;
	[tilespmem:$0x18000] =	vst v63  }
0xe9: {  	_ =	swait.ge [sflag:s17], $0x8000  }
0xea: {  	[sflag:s17] =	ssyncset.done $0x0  }
0xeb: {  	s5 =	rddreg [dreg:$0x17];
	[sflag:s17] =	ssyncadd.s32 $0xFFFF8000  }
0xec: {  	[hbm4b:s5+s2] =	stream.linear.scatter [tilespmem:s2], [sflag:$0x4], $0x8000, $0x38;
	[tilespmem:$0x18000] =	vst v63  }
0xed: {  	s1 =	rddreg [dreg:$0x5]  }
0xee: {  	[hbm4b:s1+s2] =	stream.linear.scatter [tilespmem:s2], [sflag:$0x4], $0x8000, $0x38;
	[tilespmem:$0x18000] =	vst v63  }
0xef: {  	s5 =	rddreg [dreg:$0x6]  }
0xf0: {  	[hbm4b:s5+s2] =	stream.linear.scatter [tilespmem:s2], [sflag:$0x4], $0x8000, $0x38;
	[tilespmem:$0x18000] =	vst v63  }
0xf1: {  	s1 =	rddreg [dreg:$0x7]  }
0xf2: {  	[hbm4b:s1+s2] =	stream.linear.scatter [tilespmem:s2], [sflag:$0x4], $0x8000, $0x38;
	[tilespmem:$0x18000] =	vst v63  }
0xf3: {  	s5 =	rddreg [dreg:$0x8]  }
0xf4: {  	[tilespmem:s29], [sflag:$0x3] =	stream.linear.gather [hbm4b:s5+s2], $0x8000, $0x38;
	[tilespmem:$0x18000] =	vst v63  }
0xf5: {  	_ =	swait.ge [sflag:s16], $0x8000  }
0xf6: {  	[sflag:s16] =	ssyncset.done $0x0  }
0xf7: {  	s1 =	rddreg [dreg:$0x9];
	[sflag:s16] =	ssyncadd.s32 $0xFFFF8000  }
0xf8: {  	[hbm4b:s1+s2] =	stream.linear.scatter [tilespmem:s10], [sflag:$0x5], $0x8000, $0x38;
	[tilespmem:$0x18000] =	vst v63  }
0xf9: {  	s5 =	rddreg [dreg:$0xa]  }
0xfa: {  	[hbm4b:s5+s2] =	stream.linear.scatter [tilespmem:s10], [sflag:$0x5], $0x8000, $0x38;
	[tilespmem:$0x18000] =	vst v63  }
0xfb: {  	s1 =	rddreg [dreg:$0xb]  }
0xfc: {  	[hbm4b:s1+s2] =	stream.linear.scatter [tilespmem:s10], [sflag:$0x5], $0x8000, $0x38;
	[tilespmem:$0x18000] =	vst v63  }
0xfd: {  	s5 =	rddreg [dreg:$0xc]  }
0xfe: {  	[hbm4b:s5+s2] =	stream.linear.scatter [tilespmem:s10], [sflag:$0x5], $0x8000, $0x38;
	[tilespmem:$0x18000] =	vst v63  }
0xff: {  	_ =	swait.ge [sflag:s4], $0x8000  }
0x100: {  	[sflag:s4] =	ssyncset.done $0x0  }
0x101: {  	[sflag:s4] =	ssyncadd.s32 $0xFFFF8000  }
0x102: {  	_ =	swait.ge [sflag:s4], $0x8000  }
0x103: {  	[sflag:s4] =	ssyncset.done $0x0  }
0x104: {  	[sflag:s4] =	ssyncadd.s32 $0xFFFF8000  }
0x105: {  	_ =	swait.ge [sflag:s4], $0x8000  }
0x106: {  	[sflag:s4] =	ssyncset.done $0x0  }
0x107: {  	[sflag:s4] =	ssyncadd.s32 $0xFFFF8000  }
0x108: {  	_ =	swait.ge [sflag:s4], $0x8000  }
0x109: {  	[sflag:s4] =	ssyncset.done $0x0  }
0x10a: {  	s5 =	rddreg [dreg:$0xd];
	[sflag:s4] =	ssyncadd.s32 $0xFFFF8000  }
0x10b: {  	[tilespmem:s2], [sflag:$0x1] =	stream.linear.gather [hbm4b:s5+s2], $0x8000, $0x38;
	[tilespmem:$0x18000] =	vst v63  }
0x10c: {  	_ =	swait.ge [sflag:s30], $0x8000  }
0x10d: {  	[sflag:s30] =	ssyncset.done $0x0  }
0x10e: {  	s1 =	rddreg [dreg:$0xe];
	[sflag:s30] =	ssyncadd.s32 $0xFFFF8000  }
0x10f: {  	[hbm4b:s1+s2] =	stream.linear.scatter [tilespmem:s29], [sflag:$0x6], $0x8000, $0x38;
	[tilespmem:$0x18000] =	vst v63  }
0x110: {  	s5 =	rddreg [dreg:$0xf]  }
0x111: {  	[hbm4b:s5+s2] =	stream.linear.scatter [tilespmem:s29], [sflag:$0x6], $0x8000, $0x38;
	[tilespmem:$0x18000] =	vst v63  }
0x112: {  	s1 =	rddreg [dreg:$0x10]  }
0x113: {  	[hbm4b:s1+s2] =	stream.linear.scatter [tilespmem:s29], [sflag:$0x6], $0x8000, $0x38;
	[tilespmem:$0x18000] =	vst v63  }
0x114: {  	s5 =	rddreg [dreg:$0x11]  }
0x115: {  	[hbm4b:s5+s2] =	stream.linear.scatter [tilespmem:s29], [sflag:$0x6], $0x8000, $0x38;
	[tilespmem:$0x18000] =	vst v63  }
0x116: {  	_ =	swait.ge [sflag:s3], $0x8000  }
0x117: {  	[sflag:s3] =	ssyncset.done $0x0  }
0x118: {  	[sflag:s3] =	ssyncadd.s32 $0xFFFF8000  }
0x119: {  	_ =	swait.ge [sflag:s3], $0x8000  }
0x11a: {  	[sflag:s3] =	ssyncset.done $0x0  }
0x11b: {  	[sflag:s3] =	ssyncadd.s32 $0xFFFF8000  }
0x11c: {  	_ =	swait.ge [sflag:s3], $0x8000  }
0x11d: {  	[sflag:s3] =	ssyncset.done $0x0  }
0x11e: {  	[sflag:s3] =	ssyncadd.s32 $0xFFFF8000  }
0x11f: {  	_ =	swait.ge [sflag:s3], $0x8000  }
0x120: {  	[sflag:s3] =	ssyncset.done $0x0  }
0x121: {  	s5 =	rddreg [dreg:$0x12];
	[sflag:s3] =	ssyncadd.s32 $0xFFFF8000  }
0x122: {  	[tilespmem:s10], [sflag:$0x2] =	stream.linear.gather [hbm4b:s5+s2], $0x8000, $0x38;
	[tilespmem:$0x18000] =	vst v63  }
0x123: {  	_ =	swait.ge [sflag:s17], $0x8000  }
0x124: {  	[sflag:s17] =	ssyncset.done $0x0  }
0x125: {  	s1 =	rddreg [dreg:$0x13];
	[sflag:s17] =	ssyncadd.s32 $0xFFFF8000  }
0x126: {  	[hbm4b:s1+s2] =	stream.linear.scatter [tilespmem:s2], [sflag:$0x4], $0x8000, $0x38;
	[tilespmem:$0x18000] =	vst v63  }
0x127: {  	s5 =	rddreg [dreg:$0x14]  }
0x128: {  	[hbm4b:s5+s2] =	stream.linear.scatter [tilespmem:s2], [sflag:$0x4], $0x8000, $0x38;
	[tilespmem:$0x18000] =	vst v63  }
0x129: {  	s1 =	rddreg [dreg:$0x15]  }
0x12a: {  	[hbm4b:s1+s2] =	stream.linear.scatter [tilespmem:s2], [sflag:$0x4], $0x8000, $0x38;
	[tilespmem:$0x18000] =	vst v63  }
0x12b: {  	s5 =	rddreg [dreg:$0x16]  }
0x12c: {  	[hbm4b:s5+s2] =	stream.linear.scatter [tilespmem:s2], [sflag:$0x4], $0x8000, $0x38;
	[tilespmem:$0x18000] =	vst v63  }
0x12d: {  	_ =	swait.ge [sflag:s9], $0x8000  }
0x12e: {  	[sflag:s9] =	ssyncset.done $0x0  }
0x12f: {  	[sflag:s9] =	ssyncadd.s32 $0xFFFF8000  }
0x130: {  	_ =	swait.ge [sflag:s9], $0x8000  }
0x131: {  	[sflag:s9] =	ssyncset.done $0x0  }
0x132: {  	[sflag:s9] =	ssyncadd.s32 $0xFFFF8000  }
0x133: {  	_ =	swait.ge [sflag:s9], $0x8000  }
0x134: {  	s5 =	smov.u32 s6;
	[sflag:s9] =	ssyncset.done $0x0  }
0x135: {  	s6 =	smov.u32 s7;
	s7 =	smov.u32 s8;
	[sflag:s9] =	ssyncadd.s32 $0xFFFF8000  }
0x136: {  	s8 =	smov.u32 s11;
	s11 =	smov.u32 s12;
	_ =	swait.ge [sflag:s9], $0x8000  }
0x137: {  	s12 =	smov.u32 s13;
	s13 =	smov.u32 s14;
	[sflag:s9] =	ssyncset.done $0x0  }
0x138: {  	s14 =	smov.u32 s15;
	s15 =	smov.u32 s18;
	[sflag:s9] =	ssyncadd.s32 $0xFFFF8000  }
0x139: {  	[tilespmem:s29], [sflag:$0x3] =	stream.linear.gather [hbm4b:s31+s2], $0x8000, $0x38;
	[tilespmem:$0x18000] =	vst v63  }
0x13a: {  	s18 =	smov.u32 s19;
	s19 =	smov.u32 s20;
	_ =	swait.ge [sflag:s16], $0x8000  }
0x13b: {  	s20 =	smov.u32 s21;
	s21 =	smov.u32 s22;
	[sflag:s16] =	ssyncset.done $0x0  }
0x13c: {  	s22 =	smov.u32 s23;
	s23 =	smov.u32 s24;
	[sflag:s16] =	ssyncadd.s32 $0xFFFF8000  }
0x13d: {  	[hbm4b:s23+s2] =	stream.linear.scatter [tilespmem:s10], [sflag:$0x5], $0x8000, $0x38;
	[tilespmem:$0x18000] =	vst v63  }
0x13e: {  	s24 =	smov.u32 s25  }
0x13f: {  	[hbm4b:s24+s2] =	stream.linear.scatter [tilespmem:s10], [sflag:$0x5], $0x8000, $0x38;
	[tilespmem:$0x18000] =	vst v63  }
0x140: {  	s25 =	smov.u32 s26  }
0x141: {  	[hbm4b:s25+s2] =	stream.linear.scatter [tilespmem:s10], [sflag:$0x5], $0x8000, $0x38;
	[tilespmem:$0x18000] =	vst v63  }
0x142: {  	s26 =	smov.u32 s28  }
0x143: {  	[hbm4b:s26+s2] =	stream.linear.scatter [tilespmem:s10], [sflag:$0x5], $0x8000, $0x38;
	[tilespmem:$0x18000] =	vst v63  }
0x144: {  	_ =	swait.ge [sflag:s4], $0x8000  }
0x145: {  	[sflag:s4] =	ssyncset.done $0x0  }
0x146: {  	[sflag:s4] =	ssyncadd.s32 $0xFFFF8000  }
0x147: {  	_ =	swait.ge [sflag:s4], $0x8000  }
0x148: {  	[sflag:s4] =	ssyncset.done $0x0  }
0x149: {  	[sflag:s4] =	ssyncadd.s32 $0xFFFF8000  }
0x14a: {  	_ =	swait.ge [sflag:s4], $0x8000  }
0x14b: {  	[sflag:s4] =	ssyncset.done $0x0  }
0x14c: {  	[sflag:s4] =	ssyncadd.s32 $0xFFFF8000  }
0x14d: {  	_ =	swait.ge [sflag:s4], $0x8000  }
0x14e: {  	[sflag:s4] =	ssyncset.done $0x0  }
0x14f: {  	[sflag:s4] =	ssyncadd.s32 $0xFFFF8000  }
0x150: {  	[tilespmem:s2], [sflag:$0x1] =	stream.linear.gather [hbm4b:s22+s2], $0x8000, $0x38;
	[tilespmem:$0x18000] =	vst v63  }
0x151: {  	_ =	swait.ge [sflag:s30], $0x8000  }
0x152: {  	[sflag:s30] =	ssyncset.done $0x0  }
0x153: {  	[sflag:s30] =	ssyncadd.s32 $0xFFFF8000  }
0x154: {  	[hbm4b:s18+s2] =	stream.linear.scatter [tilespmem:s29], [sflag:$0x6], $0x8000, $0x38;
	[tilespmem:$0x18000] =	vst v63  }
0x155: {  	_ = 	snop  }
0x156: {  	[hbm4b:s19+s2] =	stream.linear.scatter [tilespmem:s29], [sflag:$0x6], $0x8000, $0x38;
	[tilespmem:$0x18000] =	vst v63  }
0x157: {  	_ = 	snop  }
0x158: {  	[hbm4b:s20+s2] =	stream.linear.scatter [tilespmem:s29], [sflag:$0x6], $0x8000, $0x38;
	[tilespmem:$0x18000] =	vst v63  }
0x159: {  	_ = 	snop  }
0x15a: {  	[hbm4b:s21+s2] =	stream.linear.scatter [tilespmem:s29], [sflag:$0x6], $0x8000, $0x38;
	[tilespmem:$0x18000] =	vst v63  }
0x15b: {  	_ =	swait.ge [sflag:s3], $0x8000  }
0x15c: {  	[sflag:s3] =	ssyncset.done $0x0  }
0x15d: {  	[sflag:s3] =	ssyncadd.s32 $0xFFFF8000  }
0x15e: {  	_ =	swait.ge [sflag:s3], $0x8000  }
0x15f: {  	[sflag:s3] =	ssyncset.done $0x0  }
0x160: {  	[sflag:s3] =	ssyncadd.s32 $0xFFFF8000  }
0x161: {  	_ =	swait.ge [sflag:s3], $0x8000  }
0x162: {  	[sflag:s3] =	ssyncset.done $0x0  }
0x163: {  	[sflag:s3] =	ssyncadd.s32 $0xFFFF8000  }
0x164: {  	_ =	swait.ge [sflag:s3], $0x8000  }
0x165: {  	[sflag:s3] =	ssyncset.done $0x0  }
0x166: {  	[sflag:s3] =	ssyncadd.s32 $0xFFFF8000  }
0x167: {  	[tilespmem:s10], [sflag:$0x2] =	stream.linear.gather [hbm4b:s15+s2], $0x8000, $0x38;
	[tilespmem:$0x18000] =	vst v63  }
0x168: {  	_ =	swait.ge [sflag:s17], $0x8000  }
0x169: {  	[sflag:s17] =	ssyncset.done $0x0  }
0x16a: {  	[sflag:s17] =	ssyncadd.s32 $0xFFFF8000  }
0x16b: {  	[hbm4b:s11+s2] =	stream.linear.scatter [tilespmem:s2], [sflag:$0x4], $0x8000, $0x38;
	[tilespmem:$0x18000] =	vst v63  }
0x16c: {  	_ = 	snop  }
0x16d: {  	[hbm4b:s12+s2] =	stream.linear.scatter [tilespmem:s2], [sflag:$0x4], $0x8000, $0x38;
	[tilespmem:$0x18000] =	vst v63  }
0x16e: {  	_ = 	snop  }
0x16f: {  	[hbm4b:s13+s2] =	stream.linear.scatter [tilespmem:s2], [sflag:$0x4], $0x8000, $0x38;
	[tilespmem:$0x18000] =	vst v63  }
0x170: {  	_ = 	snop  }
0x171: {  	[hbm4b:s14+s2] =	stream.linear.scatter [tilespmem:s2], [sflag:$0x4], $0x8000, $0x38;
	[tilespmem:$0x18000] =	vst v63  }
0x172: {  	_ =	swait.ge [sflag:s16], $0x8000  }
0x173: {  	[sflag:s16] =	ssyncset.done $0x0  }
0x174: {  	[sflag:s16] =	ssyncadd.s32 $0xFFFF8000  }
0x175: {  	[hbm4b:s5+s2] =	stream.linear.scatter [tilespmem:s10], [sflag:$0x5], $0x8000, $0x38;
	[tilespmem:$0x18000] =	vst v63  }
0x176: {  	_ = 	snop  }
0x177: {  	[hbm4b:s6+s2] =	stream.linear.scatter [tilespmem:s10], [sflag:$0x5], $0x8000, $0x38;
	[tilespmem:$0x18000] =	vst v63  }
0x178: {  	_ = 	snop  }
0x179: {  	[hbm4b:s7+s2] =	stream.linear.scatter [tilespmem:s10], [sflag:$0x5], $0x8000, $0x38;
	[tilespmem:$0x18000] =	vst v63  }
0x17a: {  	_ = 	snop  }
0x17b: {  	[hbm4b:s8+s2] =	stream.linear.scatter [tilespmem:s10], [sflag:$0x5], $0x8000, $0x38;
	[tilespmem:$0x18000] =	vst v63  }
0x17c: {  	_ =	swait.ge [sflag:s9], $0x8000  }
0x17d: {  	[sflag:s9] =	ssyncset.done $0x0  }
0x17e: {  	[sflag:s9] =	ssyncadd.s32 $0xFFFF8000  }
0x17f: {  	_ =	swait.ge [sflag:s9], $0x8000  }
0x180: {  	[sflag:s9] =	ssyncset.done $0x0  }
0x181: {  	[sflag:s9] =	ssyncadd.s32 $0xFFFF8000  }
0x182: {  	_ =	swait.ge [sflag:s9], $0x8000  }
0x183: {  	[sflag:s9] =	ssyncset.done $0x0  }
0x184: {  	[sflag:s9] =	ssyncadd.s32 $0xFFFF8000  }
0x185: {  	_ =	swait.ge [sflag:s9], $0x8000  }
0x186: {  	[sflag:s9] =	ssyncset.done $0x0  }
0x187: {  	[sflag:s9] =	ssyncadd.s32 $0xFFFF8000  }
0x188: {  	_ =	swait.ge [sflag:s4], $0x8000  }
0x189: {  	[sflag:s4] =	ssyncset.done $0x0  }
0x18a: {  	[sflag:s4] =	ssyncadd.s32 $0xFFFF8000  }
0x18b: {  	_ =	swait.ge [sflag:s4], $0x8000  }
0x18c: {  	[sflag:s4] =	ssyncset.done $0x0  }
0x18d: {  	[sflag:s4] =	ssyncadd.s32 $0xFFFF8000  }
0x18e: {  	_ =	swait.ge [sflag:s4], $0x8000  }
0x18f: {  	[sflag:s4] =	ssyncset.done $0x0  }
0x190: {  	[sflag:s4] =	ssyncadd.s32 $0xFFFF8000  }
0x191: {  	_ =	swait.ge [sflag:s4], $0x8000  }
0x192: {  	[sflag:s4] =	ssyncset.done $0x0  }
0x193: {  	[sflag:s4] =	ssyncadd.s32 $0xFFFF8000  }
0x194: {  	_ =	swait.ge [sflag:s3], $0x8000  }
0x195: {  	[sflag:s3] =	ssyncset.done $0x0  }
0x196: {  	[sflag:s3] =	ssyncadd.s32 $0xFFFF8000  }
0x197: {  	_ =	swait.ge [sflag:s3], $0x8000  }
0x198: {  	[sflag:s3] =	ssyncset.done $0x0  }
0x199: {  	p1 =	sne.s32 s0, $0x1;
	[sflag:s3] =	ssyncadd.s32 $0xFFFF8000  }
.Ltmp2:
0x19a: {  	_ =	swait.ge [sflag:s3], $0x8000;
	(pc) =	sbr.rel @p1 .LBB2_3-.Ltmp2, $4  }
0x19b: {  	[sflag:s3] =	ssyncset.done $0x0  }
0x19c: {  	[sflag:s3] =	ssyncadd.s32 $0xFFFF8000  }
0x19d: {  	s0 =	sadd.s32 $0xFFFFFFFF, s0;
	_ =	swait.ge [sflag:s3], $0x8000  }
0x19e: {  	s28 =	smov.u32 s31;
	s1 =	rddreg [dreg:$0x3];
	[sflag:s3] =	ssyncset.done $0x0  }
0x19f: {  	s31 =	rddreg [dreg:$0x17]  }
.LBB2_5:
0x1a0: {  	[sflag:s3] =	ssyncadd.s32 @p0 $0xFFFF8000  }
0x1a1: {  	[tilespmem:s2], [sflag:$0x1] =	stream.linear.gather [hbm4b:s1+s2], $0x8000, $0x38;
	[tilespmem:$0x18000] =	vst v63  }
0x1a2: {  	s0 =	rddreg [dreg:$0x4]  }
0x1a3: {  	[tilespmem:s10], [sflag:$0x2] =	stream.linear.gather [hbm4b:s0+s2], $0x8000, $0x38;
	[tilespmem:$0x18000] =	vst v63  }
0x1a4: {  	_ =	swait.ge [sflag:s17], $0x8000  }
0x1a5: {  	[sflag:s17] =	ssyncset.done $0x0  }
0x1a6: {  	[sflag:s17] =	ssyncadd.s32 $0xFFFF8000  }
0x1a7: {  	[hbm4b:s31+s2] =	stream.linear.scatter [tilespmem:s2], [sflag:$0x4], $0x8000, $0x38;
	[tilespmem:$0x18000] =	vst v63  }
0x1a8: {  	s1 =	rddreg [dreg:$0x5]  }
0x1a9: {  	[hbm4b:s1+s2] =	stream.linear.scatter [tilespmem:s2], [sflag:$0x4], $0x8000, $0x38;
	[tilespmem:$0x18000] =	vst v63  }
0x1aa: {  	s31 =	rddreg [dreg:$0x6]  }
0x1ab: {  	[hbm4b:s31+s2] =	stream.linear.scatter [tilespmem:s2], [sflag:$0x4], $0x8000, $0x38;
	[tilespmem:$0x18000] =	vst v63  }
0x1ac: {  	s0 =	rddreg [dreg:$0x7]  }
0x1ad: {  	[hbm4b:s0+s2] =	stream.linear.scatter [tilespmem:s2], [sflag:$0x4], $0x8000, $0x38;
	[tilespmem:$0x18000] =	vst v63  }
0x1ae: {  	s31 =	rddreg [dreg:$0x8]  }
0x1af: {  	[tilespmem:s29], [sflag:$0x3] =	stream.linear.gather [hbm4b:s31+s2], $0x8000, $0x38;
	[tilespmem:$0x18000] =	vst v63  }
0x1b0: {  	_ =	swait.ge [sflag:s16], $0x8000  }
0x1b1: {  	[sflag:s16] =	ssyncset.done $0x0  }
0x1b2: {  	s1 =	rddreg [dreg:$0x9];
	[sflag:s16] =	ssyncadd.s32 $0xFFFF8000  }
0x1b3: {  	[hbm4b:s1+s2] =	stream.linear.scatter [tilespmem:s10], [sflag:$0x5], $0x8000, $0x38;
	[tilespmem:$0x18000] =	vst v63  }
0x1b4: {  	s31 =	rddreg [dreg:$0xa]  }
0x1b5: {  	[hbm4b:s31+s2] =	stream.linear.scatter [tilespmem:s10], [sflag:$0x5], $0x8000, $0x38;
	[tilespmem:$0x18000] =	vst v63  }
0x1b6: {  	s0 =	rddreg [dreg:$0xb]  }
0x1b7: {  	[hbm4b:s0+s2] =	stream.linear.scatter [tilespmem:s10], [sflag:$0x5], $0x8000, $0x38;
	[tilespmem:$0x18000] =	vst v63  }
0x1b8: {  	s31 =	rddreg [dreg:$0xc]  }
0x1b9: {  	[hbm4b:s31+s2] =	stream.linear.scatter [tilespmem:s10], [sflag:$0x5], $0x8000, $0x38;
	[tilespmem:$0x18000] =	vst v63  }
0x1ba: {  	_ =	swait.ge [sflag:s4], $0x8000  }
0x1bb: {  	[sflag:s4] =	ssyncset.done $0x0  }
0x1bc: {  	[sflag:s4] =	ssyncadd.s32 $0xFFFF8000  }
0x1bd: {  	_ =	swait.ge [sflag:s4], $0x8000  }
0x1be: {  	[sflag:s4] =	ssyncset.done $0x0  }
0x1bf: {  	[sflag:s4] =	ssyncadd.s32 $0xFFFF8000  }
0x1c0: {  	_ =	swait.ge [sflag:s4], $0x8000  }
0x1c1: {  	[sflag:s4] =	ssyncset.done $0x0  }
0x1c2: {  	[sflag:s4] =	ssyncadd.s32 $0xFFFF8000  }
0x1c3: {  	_ =	swait.ge [sflag:s4], $0x8000  }
0x1c4: {  	[sflag:s4] =	ssyncset.done $0x0  }
0x1c5: {  	s31 =	rddreg [dreg:$0xd];
	[sflag:s4] =	ssyncadd.s32 $0xFFFF8000  }
0x1c6: {  	[tilespmem:s2], [sflag:$0x1] =	stream.linear.gather [hbm4b:s31+s2], $0x8000, $0x38;
	[tilespmem:$0x18000] =	vst v63  }
0x1c7: {  	_ =	swait.ge [sflag:s30], $0x8000  }
0x1c8: {  	[sflag:s30] =	ssyncset.done $0x0  }
0x1c9: {  	s1 =	rddreg [dreg:$0xe];
	[sflag:s30] =	ssyncadd.s32 $0xFFFF8000  }
0x1ca: {  	[hbm4b:s1+s2] =	stream.linear.scatter [tilespmem:s29], [sflag:$0x6], $0x8000, $0x38;
	[tilespmem:$0x18000] =	vst v63  }
0x1cb: {  	s31 =	rddreg [dreg:$0xf]  }
0x1cc: {  	[hbm4b:s31+s2] =	stream.linear.scatter [tilespmem:s29], [sflag:$0x6], $0x8000, $0x38;
	[tilespmem:$0x18000] =	vst v63  }
0x1cd: {  	s0 =	rddreg [dreg:$0x10]  }
0x1ce: {  	[hbm4b:s0+s2] =	stream.linear.scatter [tilespmem:s29], [sflag:$0x6], $0x8000, $0x38;
	[tilespmem:$0x18000] =	vst v63  }
0x1cf: {  	s31 =	rddreg [dreg:$0x11]  }
0x1d0: {  	[hbm4b:s31+s2] =	stream.linear.scatter [tilespmem:s29], [sflag:$0x6], $0x8000, $0x38;
	[tilespmem:$0x18000] =	vst v63  }
0x1d1: {  	_ =	swait.ge [sflag:s3], $0x8000  }
0x1d2: {  	[sflag:s3] =	ssyncset.done $0x0  }
0x1d3: {  	[sflag:s3] =	ssyncadd.s32 $0xFFFF8000  }
0x1d4: {  	_ =	swait.ge [sflag:s3], $0x8000  }
0x1d5: {  	[sflag:s3] =	ssyncset.done $0x0  }
0x1d6: {  	[sflag:s3] =	ssyncadd.s32 $0xFFFF8000  }
0x1d7: {  	_ =	swait.ge [sflag:s3], $0x8000  }
0x1d8: {  	[sflag:s3] =	ssyncset.done $0x0  }
0x1d9: {  	[sflag:s3] =	ssyncadd.s32 $0xFFFF8000  }
0x1da: {  	_ =	swait.ge [sflag:s3], $0x8000  }
0x1db: {  	[sflag:s3] =	ssyncset.done $0x0  }
0x1dc: {  	s31 =	rddreg [dreg:$0x12];
	[sflag:s3] =	ssyncadd.s32 $0xFFFF8000  }
0x1dd: {  	[tilespmem:s10], [sflag:$0x2] =	stream.linear.gather [hbm4b:s31+s2], $0x8000, $0x38;
	[tilespmem:$0x18000] =	vst v63  }
0x1de: {  	_ =	swait.ge [sflag:s17], $0x8000  }
0x1df: {  	[sflag:s17] =	ssyncset.done $0x0  }
0x1e0: {  	s1 =	rddreg [dreg:$0x13];
	[sflag:s17] =	ssyncadd.s32 $0xFFFF8000  }
0x1e1: {  	[hbm4b:s1+s2] =	stream.linear.scatter [tilespmem:s2], [sflag:$0x4], $0x8000, $0x38;
	[tilespmem:$0x18000] =	vst v63  }
0x1e2: {  	s31 =	rddreg [dreg:$0x14]  }
0x1e3: {  	[hbm4b:s31+s2] =	stream.linear.scatter [tilespmem:s2], [sflag:$0x4], $0x8000, $0x38;
	[tilespmem:$0x18000] =	vst v63  }
0x1e4: {  	s0 =	rddreg [dreg:$0x15]  }
0x1e5: {  	[hbm4b:s0+s2] =	stream.linear.scatter [tilespmem:s2], [sflag:$0x4], $0x8000, $0x38;
	[tilespmem:$0x18000] =	vst v63  }
0x1e6: {  	s31 =	rddreg [dreg:$0x16]  }
0x1e7: {  	[hbm4b:s31+s2] =	stream.linear.scatter [tilespmem:s2], [sflag:$0x4], $0x8000, $0x38;
	[tilespmem:$0x18000] =	vst v63  }
0x1e8: {  	_ =	swait.ge [sflag:s9], $0x8000  }
0x1e9: {  	[sflag:s9] =	ssyncset.done $0x0  }
0x1ea: {  	[sflag:s9] =	ssyncadd.s32 $0xFFFF8000  }
0x1eb: {  	_ =	swait.ge [sflag:s9], $0x8000  }
0x1ec: {  	[sflag:s9] =	ssyncset.done $0x0  }
0x1ed: {  	[sflag:s9] =	ssyncadd.s32 $0xFFFF8000  }
0x1ee: {  	_ =	swait.ge [sflag:s9], $0x8000  }
0x1ef: {  	[sflag:s9] =	ssyncset.done $0x0  }
0x1f0: {  	[sflag:s9] =	ssyncadd.s32 $0xFFFF8000  }
0x1f1: {  	_ =	swait.ge [sflag:s9], $0x8000  }
0x1f2: {  	[sflag:s9] =	ssyncset.done $0x0  }
0x1f3: {  	[sflag:s9] =	ssyncadd.s32 $0xFFFF8000  }
0x1f4: {  	[tilespmem:s29], [sflag:$0x3] =	stream.linear.gather [hbm4b:s28+s2], $0x8000, $0x38;
	[tilespmem:$0x18000] =	vst v63  }
0x1f5: {  	_ =	swait.ge [sflag:s16], $0x8000  }
0x1f6: {  	[sflag:s16] =	ssyncset.done $0x0  }
0x1f7: {  	[sflag:s16] =	ssyncadd.s32 $0xFFFF8000  }
0x1f8: {  	[hbm4b:s23+s2] =	stream.linear.scatter [tilespmem:s10], [sflag:$0x5], $0x8000, $0x38;
	[tilespmem:$0x18000] =	vst v63  }
0x1f9: {  	_ = 	snop  }
0x1fa: {  	[hbm4b:s24+s2] =	stream.linear.scatter [tilespmem:s10], [sflag:$0x5], $0x8000, $0x38;
	[tilespmem:$0x18000] =	vst v63  }
0x1fb: {  	_ = 	snop  }
0x1fc: {  	[hbm4b:s25+s2] =	stream.linear.scatter [tilespmem:s10], [sflag:$0x5], $0x8000, $0x38;
	[tilespmem:$0x18000] =	vst v63  }
0x1fd: {  	_ = 	snop  }
0x1fe: {  	[hbm4b:s26+s2] =	stream.linear.scatter [tilespmem:s10], [sflag:$0x5], $0x8000, $0x38;
	[tilespmem:$0x18000] =	vst v63  }
0x1ff: {  	_ =	swait.ge [sflag:s4], $0x8000  }
0x200: {  	[sflag:s4] =	ssyncset.done $0x0  }
0x201: {  	[sflag:s4] =	ssyncadd.s32 $0xFFFF8000  }
0x202: {  	_ =	swait.ge [sflag:s4], $0x8000  }
0x203: {  	[sflag:s4] =	ssyncset.done $0x0  }
0x204: {  	[sflag:s4] =	ssyncadd.s32 $0xFFFF8000  }
0x205: {  	_ =	swait.ge [sflag:s4], $0x8000  }
0x206: {  	[sflag:s4] =	ssyncset.done $0x0  }
0x207: {  	[sflag:s4] =	ssyncadd.s32 $0xFFFF8000  }
0x208: {  	_ =	swait.ge [sflag:s4], $0x8000  }
0x209: {  	[sflag:s4] =	ssyncset.done $0x0  }
0x20a: {  	[sflag:s4] =	ssyncadd.s32 $0xFFFF8000  }
0x20b: {  	[tilespmem:s2], [sflag:$0x1] =	stream.linear.gather [hbm4b:s22+s2], $0x8000, $0x38;
	[tilespmem:$0x18000] =	vst v63  }
0x20c: {  	_ =	swait.ge [sflag:s30], $0x8000  }
0x20d: {  	[sflag:s30] =	ssyncset.done $0x0  }
0x20e: {  	[sflag:s30] =	ssyncadd.s32 $0xFFFF8000  }
0x20f: {  	[hbm4b:s18+s2] =	stream.linear.scatter [tilespmem:s29], [sflag:$0x6], $0x8000, $0x38;
	[tilespmem:$0x18000] =	vst v63  }
0x210: {  	_ = 	snop  }
0x211: {  	[hbm4b:s19+s2] =	stream.linear.scatter [tilespmem:s29], [sflag:$0x6], $0x8000, $0x38;
	[tilespmem:$0x18000] =	vst v63  }
0x212: {  	_ = 	snop  }
0x213: {  	[hbm4b:s20+s2] =	stream.linear.scatter [tilespmem:s29], [sflag:$0x6], $0x8000, $0x38;
	[tilespmem:$0x18000] =	vst v63  }
0x214: {  	_ = 	snop  }
0x215: {  	[hbm4b:s21+s2] =	stream.linear.scatter [tilespmem:s29], [sflag:$0x6], $0x8000, $0x38;
	[tilespmem:$0x18000] =	vst v63  }
0x216: {  	_ =	swait.ge [sflag:s3], $0x8000  }
0x217: {  	[sflag:s3] =	ssyncset.done $0x0  }
0x218: {  	[sflag:s3] =	ssyncadd.s32 $0xFFFF8000  }
0x219: {  	_ =	swait.ge [sflag:s3], $0x8000  }
0x21a: {  	[sflag:s3] =	ssyncset.done $0x0  }
0x21b: {  	[sflag:s3] =	ssyncadd.s32 $0xFFFF8000  }
0x21c: {  	_ =	swait.ge [sflag:s3], $0x8000  }
0x21d: {  	[sflag:s3] =	ssyncset.done $0x0  }
0x21e: {  	[sflag:s3] =	ssyncadd.s32 $0xFFFF8000  }
0x21f: {  	_ =	swait.ge [sflag:s3], $0x8000  }
0x220: {  	[sflag:s3] =	ssyncset.done $0x0  }
0x221: {  	[sflag:s3] =	ssyncadd.s32 $0xFFFF8000  }
0x222: {  	[tilespmem:s10], [sflag:$0x2] =	stream.linear.gather [hbm4b:s15+s2], $0x8000, $0x38;
	[tilespmem:$0x18000] =	vst v63  }
0x223: {  	_ =	swait.ge [sflag:s17], $0x8000  }
0x224: {  	[sflag:s17] =	ssyncset.done $0x0  }
0x225: {  	[sflag:s17] =	ssyncadd.s32 $0xFFFF8000  }
0x226: {  	[hbm4b:s11+s2] =	stream.linear.scatter [tilespmem:s2], [sflag:$0x4], $0x8000, $0x38;
	[tilespmem:$0x18000] =	vst v63  }
0x227: {  	_ = 	snop  }
0x228: {  	[hbm4b:s12+s2] =	stream.linear.scatter [tilespmem:s2], [sflag:$0x4], $0x8000, $0x38;
	[tilespmem:$0x18000] =	vst v63  }
0x229: {  	_ = 	snop  }
0x22a: {  	[hbm4b:s13+s2] =	stream.linear.scatter [tilespmem:s2], [sflag:$0x4], $0x8000, $0x38;
	[tilespmem:$0x18000] =	vst v63  }
0x22b: {  	_ = 	snop  }
0x22c: {  	[hbm4b:s14+s2] =	stream.linear.scatter [tilespmem:s2], [sflag:$0x4], $0x8000, $0x38;
	[tilespmem:$0x18000] =	vst v63  }
0x22d: {  	_ =	swait.ge [sflag:s16], $0x8000  }
0x22e: {  	[sflag:s16] =	ssyncset.done $0x0  }
0x22f: {  	[sflag:s16] =	ssyncadd.s32 $0xFFFF8000  }
0x230: {  	[hbm4b:s5+s2] =	stream.linear.scatter [tilespmem:s10], [sflag:$0x5], $0x8000, $0x38;
	[tilespmem:$0x18000] =	vst v63  }
0x231: {  	_ = 	snop  }
0x232: {  	[hbm4b:s6+s2] =	stream.linear.scatter [tilespmem:s10], [sflag:$0x5], $0x8000, $0x38;
	[tilespmem:$0x18000] =	vst v63  }
0x233: {  	_ = 	snop  }
0x234: {  	[hbm4b:s7+s2] =	stream.linear.scatter [tilespmem:s10], [sflag:$0x5], $0x8000, $0x38;
	[tilespmem:$0x18000] =	vst v63  }
0x235: {  	_ = 	snop  }
0x236: {  	[hbm4b:s8+s2] =	stream.linear.scatter [tilespmem:s10], [sflag:$0x5], $0x8000, $0x38;
	[tilespmem:$0x18000] =	vst v63  }
0x237: {  	_ =	swait.ge [sflag:s9], $0x8000  }
0x238: {  	[sflag:s9] =	ssyncset.done $0x0  }
0x239: {  	[sflag:s9] =	ssyncadd.s32 $0xFFFF8000  }
0x23a: {  	_ =	swait.ge [sflag:s9], $0x8000  }
0x23b: {  	[sflag:s9] =	ssyncset.done $0x0  }
0x23c: {  	[sflag:s9] =	ssyncadd.s32 $0xFFFF8000  }
0x23d: {  	_ =	swait.ge [sflag:s9], $0x8000  }
0x23e: {  	[sflag:s9] =	ssyncset.done $0x0  }
0x23f: {  	[sflag:s9] =	ssyncadd.s32 $0xFFFF8000  }
0x240: {  	_ =	swait.ge [sflag:s9], $0x8000  }
0x241: {  	[sflag:s9] =	ssyncset.done $0x0  }
0x242: {  	[sflag:s9] =	ssyncadd.s32 $0xFFFF8000  }
0x243: {  	_ =	swait.ge [sflag:s4], $0x8000  }
0x244: {  	[sflag:s4] =	ssyncset.done $0x0  }
0x245: {  	[sflag:s4] =	ssyncadd.s32 $0xFFFF8000  }
0x246: {  	_ =	swait.ge [sflag:s4], $0x8000  }
0x247: {  	[sflag:s4] =	ssyncset.done $0x0  }
0x248: {  	[sflag:s4] =	ssyncadd.s32 $0xFFFF8000  }
0x249: {  	_ =	swait.ge [sflag:s4], $0x8000  }
0x24a: {  	[sflag:s4] =	ssyncset.done $0x0  }
0x24b: {  	[sflag:s4] =	ssyncadd.s32 $0xFFFF8000  }
0x24c: {  	_ =	swait.ge [sflag:s4], $0x8000  }
0x24d: {  	[sflag:s4] =	ssyncset.done $0x0  }
0x24e: {  	[sflag:s4] =	ssyncadd.s32 $0xFFFF8000  }
0x24f: {  	_ =	swait.ge [sflag:s3], $0x8000  }
0x250: {  	[sflag:s3] =	ssyncset.done $0x0  }
0x251: {  	[sflag:s3] =	ssyncadd.s32 $0xFFFF8000  }
0x252: {  	_ =	swait.ge [sflag:s3], $0x8000  }
0x253: {  	[sflag:s3] =	ssyncset.done $0x0  }
0x254: {  	[sflag:s3] =	ssyncadd.s32 $0xFFFF8000  }
0x255: {  	_ =	swait.ge [sflag:s3], $0x8000  }
0x256: {  	[sflag:s3] =	ssyncset.done $0x0  }
0x257: {  	[sflag:s3] =	ssyncadd.s32 $0xFFFF8000  }
0x258: {  	_ =	swait.ge [sflag:s3], $0x8000  }
0x259: {  	[sflag:s3] =	ssyncset.done $0x0  }
0x25a: {  	[sflag:s3] =	ssyncadd.s32 $0xFFFF8000  }
0x25b: {  	_ =	sfence.sel $0x180000  }
0x25c: {  	[bflag:$0x0] =	sbarrier.arrive $0xFFFF  }
0x25d: {  	_ =	strace $0x90000047  }
0x25e: {  	s31 =	stileid.u32;
	[bflag:$0x2] =	sbarrier.arrive $0xFFFF  }
0x25f: {  	p0 =	sne.s32 s31, $0x0;
	s0 =	rddreg [dreg:$0x2]  }
0x260: {  	s0 =	sadd.s32 @!p0 $0x100000, s0  }
0x261: {  	[sflag:s0] =	ssyncadd.tile.s32 @!p0 $0x1;
	_ =	shalt  }
.LBB2_2:
.Ltmp3:
0x262: {  	(pc) =	sbr.rel .LBB2_5-.Ltmp3, $2  }
0x263: {  	_ =	sdelay $0x2  }
0x264: {  	s31 =	rddreg [dreg:$0x17]  }
.Lfunc_end2:
_tile_overlayer_lowered:
.L_overlay_start_2:
0x265: {  	(tag) =	ssettag $0x2  }
0x266: {  	s0 =	rddreg [dreg:$0x0];
	s2 =	stileid.u32  }
0x267: {  	s1 =	rddreg [dreg:$0x1];
	p0 =	sne.s32 s2, $0x0  }
0x268: {  	s3 =	rddreg [dreg:$0x2];
	[bflag:$0x3] =	sbarrier.arrive $0xFFFF;
	s2 =	simm.s32 @!p0 $0x1C07  }
0x269: {  	[timem:s3], [sflag:s2] =	dma.local @!p0 [hbm:s0], s1  }
0x26a: {  	s0 =	simm.s32 @!p0 $0x7  }
0x26b: {  	_ =	swait.ge @!p0 [sflag:s0], s1  }
0x26c: {  	s1 =	ssub.s32 @!p0 $0x0, s1;
	[sflag:s0] =	ssyncset.done @!p0 $0x0  }
0x26d: {  	[sflag:s0] =	ssyncadd.s32 @!p0 s1  }
0x26e: {  	[bflag:$0x3] =	sbarrier.arrive $0xFFFF  }
0x26f: {  	_ =	shalt  }

</sc_bundles>
